<compile_context>
chip_gen: v7x
topology: tpu7x:2x2x1
jax: 0.10.2.dev20260603
libtpu: 0.0.44.dev20260713+nightly
codegen_flags: <defaults>
</compile_context>

<pallas_src>
import functools
import numpy as np
import jax
import jax.numpy as jnp
from jax import lax
from jax.experimental import pallas as pl
from jax.experimental.pallas import tpu as pltpu, tpu_sc as plsc

L, C, N, M, BITS = 100, 100, 13000, 200000, 64
NC, NS = 2, 16
NW = NC * NS
CH = 512
CPW = 1
SC_COLS = NW * CPW * CH
W = 25088
NSTEPS = 7
SPLIT = W * NSTEPS
REM = M - SPLIT - SC_COLS
INF32 = np.int32(0x7FFFFFFF)
MINT = np.int32(-2147483648)
BITMASK = [np.uint32(1 << b).astype(np.int32) for b in range(32)]


def _anchor_body(tl_ref, trlT_ref, tcT_ref, aB_ref, keys_ref, rank_ref,
                 oh_ref):
    tl = tl_ref[...].astype(jnp.bfloat16)
    trlT = trlT_ref[...].astype(jnp.bfloat16)
    simd = jax.lax.dot_general(tl, trlT, (((1,), (0,)), ((), ())),
                               preferred_element_type=jnp.float32)
    sim = (simd > 0.0).astype(jnp.bfloat16)
    svote = jax.lax.dot_general(sim, tcT_ref[...].astype(jnp.bfloat16),
                                (((1,), (1,)), ((), ())),
                                preferred_element_type=jnp.float32)
    aB = jnp.sign(svote)
    aB_ref[...] = aB

    neg = (aB < 0.0).astype(jnp.int32)
    pw = jnp.left_shift(jnp.int32(1),
                        lax.broadcasted_iota(jnp.int32, (1, 32), 1))
    klo = jnp.sum(neg[:, :32] * pw, axis=1, keepdims=True)
    khi = jnp.sum(neg[:, 32:] * pw, axis=1, keepdims=True)
    klo = klo ^ MINT
    khi = khi ^ MINT
    valid = (jnp.sum((aB == 0.0).astype(jnp.float32), axis=1,
                     keepdims=True) == 0.0)

    klo_c = jnp.concatenate([klo, jnp.full((128 - L, 1), INF32, jnp.int32)], 0)
    khi_c = jnp.concatenate([khi, jnp.full((128 - L, 1), INF32, jnp.int32)], 0)
    klo_r2 = klo_c.reshape(1, 128)
    khi_r2 = khi_c.reshape(1, 128)
    lt = ((khi_c < khi_r2) |
          ((khi_c == khi_r2) & (klo_c < klo_r2)))
    eqk = (khi_c == khi_r2) & (klo_c == klo_r2)
    jlti = (lax.broadcasted_iota(jnp.int32, (128, 128), 0)
            < lax.broadcasted_iota(jnp.int32, (128, 128), 1))
    rank = jnp.sum((lt | (eqk & jlti)).astype(jnp.float32), axis=0,
                   keepdims=True)
    first_slot = jnp.sum(lt.astype(jnp.float32), axis=0)

    keys_ref[0:1, :] = klo_c.reshape(1, 128)
    keys_ref[1:2, :] = khi_c.reshape(1, 128)
    rank_ref[...] = rank.astype(jnp.int32)

    fs_col = first_slot.reshape(128, 1)[:L]
    slot_iota = lax.broadcasted_iota(jnp.int32, (L, 128), 1).astype(jnp.float32)
    oh = ((fs_col == slot_iota) & valid).astype(jnp.float32)
    oh_ref[...] = oh


def _stream_body(aB_ref, rem_ref, dbT_ref, freq_ref, aBb_ref, buf_ref,
                 acc_ref, sem_ref):
    j = pl.program_id(0)

    def start_copy(slot, blk):
        pltpu.make_async_copy(
            dbT_ref.at[:, pl.ds(pl.multiple_of(blk * W, 128), W)],
            buf_ref.at[slot],
            sem_ref.at[slot],
        ).start()

    def count(aBb, db, width):
        matc = jax.lax.dot_general(aBb, db, (((1,), (0,)), ((), ())),
                                   preferred_element_type=jnp.float32)
        eq = (matc > float(BITS - 2)).astype(jnp.bfloat16)
        ones = jnp.ones((width, 128), jnp.bfloat16)
        return jax.lax.dot_general(eq, ones, (((1,), (0,)), ((), ())),
                                   preferred_element_type=jnp.float32)

    @pl.when(j == 0)
    def _init():
        start_copy(0, 0)
        start_copy(1, 1)
        aBb = aB_ref[...].astype(jnp.bfloat16)
        aBb_ref[...] = aBb
        acc_ref[...] = count(aBb, rem_ref[...].astype(jnp.bfloat16), REM)

    slot = jax.lax.rem(j, 2)
    pltpu.make_async_copy(
        dbT_ref.at[:, pl.ds(pl.multiple_of(j * W, 128), W)],
        buf_ref.at[slot],
        sem_ref.at[slot],
    ).wait()
    db = buf_ref[slot].astype(jnp.bfloat16)
    acc_ref[...] += count(aBb_ref[...], db, W)

    @pl.when(j + 2 < NSTEPS)
    def _next():
        start_copy(slot, j + 2)

    @pl.when(j == NSTEPS - 1)
    def _fini():
        freq_ref[...] = acc_ref[...]


def _sc_body(dbT_hbm, keys_hbm, rank_hbm, out_hbm, kb, rk, slo, shi, cnt,
             buf, sem):
    cid = lax.axis_index("c")
    sid = lax.axis_index("s")
    wid = sid * NC + cid
    base = SPLIT + wid * (CPW * CH)

    pltpu.sync_copy(keys_hbm, kb)
    pltpu.sync_copy(rank_hbm, rk)
    pltpu.make_async_copy(
        dbT_hbm.at[:, pl.ds(base, CH)], buf.at[0], sem.at[0]).start()

    for g in range(8):
        sl = pl.ds(g * 16, 16)
        r16 = rk[0, sl]
        plsc.store_scatter(slo, [r16], kb[0, sl])
        plsc.store_scatter(shi, [r16], kb[1, sl])
        cnt[sl] = jnp.zeros((16,), jnp.float32)

    def group(g, slot):
        sl = pl.ds(g * 16, 16)
        klo = jnp.zeros((16,), jnp.int32)
        khi = jnp.zeros((16,), jnp.int32)
        for b in range(32):
            blo = plsc.bitcast(buf[slot, b, sl], jnp.int32)
            bhi = plsc.bitcast(buf[slot, b + 32, sl], jnp.int32)
            klo = klo | (lax.shift_right_logical(blo, 31 - b) & BITMASK[b])
            khi = khi | (lax.shift_right_logical(bhi, 31 - b) & BITMASK[b])
        klo = klo ^ MINT
        khi = khi ^ MINT
        idx = jnp.zeros((16,), jnp.int32)
        for step in (64, 32, 16, 8, 4, 2, 1):
            cand = idx + step
            probe = cand - 1
            plo = plsc.load_gather(slo, [probe])
            phi = plsc.load_gather(shi, [probe])
            lt = (phi < khi) | ((phi == khi) & (plo < klo))
            idx = jnp.where(lt, cand, idx)
        flo = plsc.load_gather(slo, [idx])
        fhi = plsc.load_gather(shi, [idx])
        m = (flo == klo) & (fhi == khi)
        plsc.addupdate_scatter(cnt, [idx], jnp.ones((16,), jnp.float32),
                               mask=m)

    for c in range(CPW):
        slot = c % 2
        if c + 1 < CPW:
            pltpu.make_async_copy(
                dbT_hbm.at[:, pl.ds(base + (c + 1) * CH, CH)],
                buf.at[1 - slot], sem.at[1 - slot]).start()
        pltpu.make_async_copy(
            dbT_hbm.at[:, pl.ds(base + c * CH, CH)],
            buf.at[slot], sem.at[slot]).wait()

        def body(g, _):
            group(2 * g, slot)
            group(2 * g + 1, slot)
            return 0
        lax.fori_loop(0, CH // 32, body, 0)

    pltpu.sync_copy(cnt, out_hbm.at[wid])


def _merge_body(freq_ref, oh_ref, cnt_ref, avg_ref, zero_ref):
    cnt_tot = jnp.sum(cnt_ref[...], axis=0, keepdims=True)
    freq_sc = jax.lax.dot_general(oh_ref[...], cnt_tot,
                                  (((1,), (1,)), ((), ())),
                                  preferred_element_type=jnp.float32)
    freq = freq_ref[...][:, 0:1] + freq_sc
    avg_ref[...] = (jnp.sum(freq) / float(L)).reshape(1, 1)
    zero_ref[...] = jnp.sum((freq == 0.0).astype(jnp.float32)).reshape(1, 1)


def kernel(traincodes, dB, target_labels, trainlabels):
    trlT = trainlabels.T
    tcT = traincodes.T
    dBT = dB.T
    rem = dBT[:, SPLIT + SC_COLS:]

    aB, keys, rank, oh = pl.pallas_call(
        _anchor_body,
        grid=(1,),
        in_specs=[
            pl.BlockSpec((L, C), lambda j: (0, 0)),
            pl.BlockSpec((C, N), lambda j: (0, 0)),
            pl.BlockSpec((BITS, N), lambda j: (0, 0)),
        ],
        out_specs=[
            pl.BlockSpec((L, BITS), lambda j: (0, 0)),
            pl.BlockSpec((2, 128), lambda j: (0, 0)),
            pl.BlockSpec((1, 128), lambda j: (0, 0)),
            pl.BlockSpec((L, 128), lambda j: (0, 0)),
        ],
        out_shape=[
            jax.ShapeDtypeStruct((L, BITS), jnp.float32),
            jax.ShapeDtypeStruct((2, 128), jnp.int32),
            jax.ShapeDtypeStruct((1, 128), jnp.int32),
            jax.ShapeDtypeStruct((L, 128), jnp.float32),
        ],
    )(target_labels, trlT, tcT)

    freqB = pl.pallas_call(
        _stream_body,
        grid=(NSTEPS,),
        in_specs=[
            pl.BlockSpec((L, BITS), lambda j: (0, 0)),
            pl.BlockSpec((BITS, REM), lambda j: (0, 0)),
            pl.BlockSpec(memory_space=pl.ANY),
        ],
        out_specs=pl.BlockSpec((L, 128), lambda j: (0, 0)),
        out_shape=jax.ShapeDtypeStruct((L, 128), jnp.float32),
        scratch_shapes=[
            pltpu.VMEM((L, BITS), jnp.bfloat16),
            pltpu.VMEM((2, BITS, W), jnp.float32),
            pltpu.VMEM((L, 128), jnp.float32),
            pltpu.SemaphoreType.DMA((2,)),
        ],
    )(aB, rem, dBT)

    mesh = plsc.VectorSubcoreMesh(core_axis_name="c", subcore_axis_name="s",
                                  num_cores=NC, num_subcores=NS)
    sc_kernel = functools.partial(
        pl.kernel,
        out_type=jax.ShapeDtypeStruct((NW, 128), jnp.float32),
        mesh=mesh,
        scratch_types=[
            pltpu.VMEM((2, 128), jnp.int32),
            pltpu.VMEM((1, 128), jnp.int32),
            pltpu.VMEM((128,), jnp.int32),
            pltpu.VMEM((128,), jnp.int32),
            pltpu.VMEM((128,), jnp.float32),
            pltpu.VMEM((2, BITS, CH), jnp.float32),
            pltpu.SemaphoreType.DMA((2,)),
        ],
        compiler_params=pltpu.CompilerParams(use_tc_tiling_on_sc=True,
                                             needs_layout_passes=False),
    )(_sc_body)
    counts = sc_kernel(dBT, keys, rank)

    avg, zero = pl.pallas_call(
        _merge_body,
        grid=(1,),
        in_specs=[
            pl.BlockSpec((L, 128), lambda j: (0, 0)),
            pl.BlockSpec((L, 128), lambda j: (0, 0)),
            pl.BlockSpec((NW, 128), lambda j: (0, 0)),
        ],
        out_specs=[
            pl.BlockSpec((1, 1), lambda j: (0, 0)),
            pl.BlockSpec((1, 1), lambda j: (0, 0)),
        ],
        out_shape=[
            jax.ShapeDtypeStruct((1, 1), jnp.float32),
            jax.ShapeDtypeStruct((1, 1), jnp.float32),
        ],
    )(freqB, oh, counts)
    return (aB, avg[0, 0], zero[0, 0])

# --- scband reference (transcript-rebuilt; emitter-appended) ---
"""Pipeline reference for scband-voting-13864154432365 (READ-ONLY COPY).

The authoritative reference and input builder live on the scoring server;
editing this copy changes nothing except your own understanding.
"""

import jax, jax.numpy as jnp
import numpy as np

L, C, N, M, BITS = 100, 100, 13000, 200000, 64

def setup_inputs(seed: int = 0) -> dict:
    key = jax.random.key(seed)
    k1, k2, k3, k4 = jax.random.split(key, 4)
    target_labels = jax.random.randint(k1, (L, C), 0, 2)
    trainlabels = jax.random.randint(k2, (N, C), 0, 2)
    # hash codes are +/-1 bit codes (signs), as produced by generate_code()
    traincodes = jnp.sign(jax.random.normal(k3, (N, BITS), dtype=jnp.float32))
    traincodes = jnp.where(traincodes == 0, 1.0, traincodes)
    dB = jnp.sign(jax.random.normal(k4, (M, BITS), dtype=jnp.float32))
    dB = jnp.where(dB == 0, 1.0, dB)
    return {"traincodes": traincodes, "dB": dB, "target_labels": target_labels, "trainlabels": trainlabels}

def reference(traincodes, dB, target_labels, trainlabels):
    bits = traincodes.shape[1]
    tl = target_labels.astype(jnp.float32)
    trl = trainlabels.astype(jnp.float32)
    # sim[i, j] = 1 if target label i shares any class with train sample j
    sim = (tl @ trl.T > 0).astype(jnp.float32)            # [L, N]
    # voting: anchor code = sign of sum of similar train codes
    aB = jnp.sign(sim @ traincodes)                        # [L, bits]
    # freq: count of database codes exactly matching each anchor
    match = ((aB @ dB.T) / bits == 1.0).astype(jnp.float32)  # [L, M]
    freq = jnp.sum(match, axis=1)                          # [L]
    avg_tol = jnp.sum(freq) / aB.shape[0]
    zero_sum = jnp.sum((freq == 0).astype(jnp.float32))
    return (aB, avg_tol, zero_sum)

if __name__ == "__main__":
    import jax
    _d = setup_inputs()
    print(jax.jit(kernel)(*tuple(_d.values())))

</pallas_src>

<mosaic_0001>
#map = affine_map<(d0, d1) -> (0, 0)>
module attributes {stable_mosaic.version = 14 : i64} {
  func.func @_sc_body(%arg0: i32, %arg1: i32, %arg2: memref<64x200000xf32, #tpu.memory_space<hbm>>, %arg3: memref<2x128xi32, #tpu.memory_space<hbm>>, %arg4: memref<1x128xi32, #tpu.memory_space<hbm>>, %arg5: memref<32x128xf32, #tpu.memory_space<hbm>>, %arg6: memref<2x128xi32, #tpu.memory_space<vmem>>, %arg7: memref<1x128xi32, #tpu.memory_space<vmem>>, %arg8: memref<128xi32, #tpu.memory_space<vmem>>, %arg9: memref<128xi32, #tpu.memory_space<vmem>>, %arg10: memref<128xf32, #tpu.memory_space<vmem>>, %arg11: memref<2x64x512xf32, #tpu.memory_space<vmem>>, %arg12: memref<2x!tpu.dma_semaphore, #tpu.memory_space<semaphore_mem>>) attributes {dimension_semantics = [#tpu.dimension_semantics<core_parallel>, #tpu.dimension_semantics<subcore_parallel>], iteration_bounds = array<i64: 2, 16>, scalar_prefetch = 0 : i64, scratch_operands = 7 : i64, tpu.core_type = #tpu.core_type<sc_vector_subcore>, window_params = [{transform_indices = #map}, {transform_indices = #map}, {transform_indices = #map}, {transform_indices = #map}]} {
    %mul3A = arith.constant 2 : i32
    %mul3A_0 = arith.muli %arg1, %mul3A : i32
    %add3A = arith.addi %mul3A_0, %arg0 : i32
    %mul3A_1 = arith.constant 512 : i32
    %mul3A_2 = arith.muli %add3A, %mul3A_1 : i32
    %add3A_3 = arith.constant 175616 : i32
    %add3A_4 = arith.addi %add3A_3, %mul3A_2 : i32
    "tpu.region"() ({
      %run_scoped3A = tpu.sem_alloc : memref<!tpu.dma_semaphore, #tpu.memory_space<semaphore_mem>>
      tpu.enqueue_dma source(%arg3 : memref<2x128xi32, #tpu.memory_space<hbm>>) target(%arg6 : memref<2x128xi32, #tpu.memory_space<vmem>>) target_semaphore(%run_scoped3A : memref<!tpu.dma_semaphore, #tpu.memory_space<semaphore_mem>>)
      tpu.wait_dma2 semaphore(%run_scoped3A : memref<!tpu.dma_semaphore, #tpu.memory_space<semaphore_mem>>) src(%arg3 : memref<2x128xi32, #tpu.memory_space<hbm>>) dst(%arg6 : memref<2x128xi32, #tpu.memory_space<vmem>>)
      tpu.yield
    }) : () -> ()
    "tpu.region"() ({
      %run_scoped3A = tpu.sem_alloc : memref<!tpu.dma_semaphore, #tpu.memory_space<semaphore_mem>>
      tpu.enqueue_dma source(%arg4 : memref<1x128xi32, #tpu.memory_space<hbm>>) target(%arg7 : memref<1x128xi32, #tpu.memory_space<vmem>>) target_semaphore(%run_scoped3A : memref<!tpu.dma_semaphore, #tpu.memory_space<semaphore_mem>>)
      tpu.wait_dma2 semaphore(%run_scoped3A : memref<!tpu.dma_semaphore, #tpu.memory_space<semaphore_mem>>) src(%arg4 : memref<1x128xi32, #tpu.memory_space<hbm>>) dst(%arg7 : memref<1x128xi32, #tpu.memory_space<vmem>>)
      tpu.yield
    }) : () -> ()
    %dma_start3A = arith.constant 0 : i32
    %dma_start3A_5 = arith.constant 0 : i32
    %dma_start3A_6 = arith.constant 0 : i32
    %dma_start3A_7 = arith.constant 0 : i32
    %dma_start3A_8 = tpu.memref_slice %arg11[%dma_start3A, %dma_start3A_6, %dma_start3A_7] : memref<2x64x512xf32, #tpu.memory_space<vmem>> -> memref<1x64x512xf32, #tpu.memory_space<vmem>>
    %dma_start3A_9 = tpu.memref_squeeze %dma_start3A_8 : memref<1x64x512xf32, #tpu.memory_space<vmem>> -> memref<64x512xf32, #tpu.memory_space<vmem>>
    %dma_start3A_10 = arith.constant 0 : i32
    %dma_start3A_11 = tpu.memref_slice %arg2[%dma_start3A_10, %add3A_4] : memref<64x200000xf32, #tpu.memory_space<hbm>> -> memref<64x512xf32, #tpu.memory_space<hbm>>
    %dma_start3A_12 = tpu.memref_slice %arg12[%dma_start3A_5] : memref<2x!tpu.dma_semaphore, #tpu.memory_space<semaphore_mem>> -> memref<1x!tpu.dma_semaphore, #tpu.memory_space<semaphore_mem>>
    %dma_start3A_13 = tpu.memref_squeeze %dma_start3A_12 : memref<1x!tpu.dma_semaphore, #tpu.memory_space<semaphore_mem>> -> memref<!tpu.dma_semaphore, #tpu.memory_space<semaphore_mem>>
    %dma_start3A_14 = arith.constant 0 : i32
    %dma_start3A_15 = arith.constant 0 : i32
    %dma_start3A_16 = tpu.memref_slice %arg11[%dma_start3A, %dma_start3A_14, %dma_start3A_15] : memref<2x64x512xf32, #tpu.memory_space<vmem>> -> memref<1x64x512xf32, #tpu.memory_space<vmem>>
    %dma_start3A_17 = tpu.memref_squeeze %dma_start3A_16 : memref<1x64x512xf32, #tpu.memory_space<vmem>> -> memref<64x512xf32, #tpu.memory_space<vmem>>
    %dma_start3A_18 = arith.constant 0 : i32
    %dma_start3A_19 = tpu.memref_slice %arg2[%dma_start3A_18, %add3A_4] : memref<64x200000xf32, #tpu.memory_space<hbm>> -> memref<64x512xf32, #tpu.memory_space<hbm>>
    tpu.enqueue_dma source(%dma_start3A_19 : memref<64x512xf32, #tpu.memory_space<hbm>>) target(%dma_start3A_17 : memref<64x512xf32, #tpu.memory_space<vmem>>) target_semaphore(%dma_start3A_13 : memref<!tpu.dma_semaphore, #tpu.memory_space<semaphore_mem>>)
    %get3A = arith.constant 0 : i32
    %get3A_20 = arith.index_cast %get3A : i32 to index
    %get3A_21 = arith.constant 0 : index
    %get3A_22 = tpu.vector_load %arg7[%get3A_20, %get3A_21] {strides = array<i32>} : memref<1x128xi32, #tpu.memory_space<vmem>>, vector<16xi32>,
    %get3A_23 = arith.constant 0 : i32
    %get3A_24 = arith.index_cast %get3A_23 : i32 to index
    %get3A_25 = arith.constant 0 : index
    %get3A_26 = tpu.vector_load %arg6[%get3A_24, %get3A_25] {strides = array<i32>} : memref<2x128xi32, #tpu.memory_space<vmem>>, vector<16xi32>,
    tpu.vector_store_idx %arg8[%get3A_22], %get3A_26 : memref<128xi32, #tpu.memory_space<vmem>>[vector<16xi32>], vector<16xi32>,
    %get3A_27 = arith.constant 1 : i32
    %get3A_28 = arith.index_cast %get3A_27 : i32 to index
    %get3A_29 = arith.constant 0 : index
    %get3A_30 = tpu.vector_load %arg6[%get3A_28, %get3A_29] {strides = array<i32>} : memref<2x128xi32, #tpu.memory_space<vmem>>, vector<16xi32>,
    tpu.vector_store_idx %arg9[%get3A_22], %get3A_30 : memref<128xi32, #tpu.memory_space<vmem>>[vector<16xi32>], vector<16xi32>,
    %broadcast_in_dim3A = arith.constant 0.000000e+00 : f32
    %broadcast_in_dim3A_31 = vector.broadcast %broadcast_in_dim3A : f32 to vector<16xf32>
    %swap3A = arith.constant 0 : index
    %swap3A_32 = tpu.vector_load %arg10[%swap3A] {strides = array<i32>} : memref<128xf32, #tpu.memory_space<vmem>>, vector<16xf32>,
    tpu.vector_store %arg10[%swap3A], %broadcast_in_dim3A_31 {strides = array<i32>} : memref<128xf32, #tpu.memory_space<vmem>>, vector<16xf32>,
    %get3A_33 = arith.constant 0 : i32
    %get3A_34 = arith.index_cast %get3A_33 : i32 to index
    %get3A_35 = arith.constant 16 : index
    %get3A_36 = tpu.vector_load %arg7[%get3A_34, %get3A_35] {strides = array<i32>} : memref<1x128xi32, #tpu.memory_space<vmem>>, vector<16xi32>,
    %get3A_37 = arith.constant 0 : i32
    %get3A_38 = arith.index_cast %get3A_37 : i32 to index
    %get3A_39 = arith.constant 16 : index
    %get3A_40 = tpu.vector_load %arg6[%get3A_38, %get3A_39] {strides = array<i32>} : memref<2x128xi32, #tpu.memory_space<vmem>>, vector<16xi32>,
    tpu.vector_store_idx %arg8[%get3A_36], %get3A_40 : memref<128xi32, #tpu.memory_space<vmem>>[vector<16xi32>], vector<16xi32>,
    %get3A_41 = arith.constant 1 : i32
    %get3A_42 = arith.index_cast %get3A_41 : i32 to index
    %get3A_43 = arith.constant 16 : index
    %get3A_44 = tpu.vector_load %arg6[%get3A_42, %get3A_43] {strides = array<i32>} : memref<2x128xi32, #tpu.memory_space<vmem>>, vector<16xi32>,
    tpu.vector_store_idx %arg9[%get3A_36], %get3A_44 : memref<128xi32, #tpu.memory_space<vmem>>[vector<16xi32>], vector<16xi32>,
    %broadcast_in_dim3A_45 = arith.constant 0.000000e+00 : f32
    %broadcast_in_dim3A_46 = vector.broadcast %broadcast_in_dim3A_45 : f32 to vector<16xf32>
    %swap3A_47 = arith.constant 16 : index
    %swap3A_48 = tpu.vector_load %arg10[%swap3A_47] {strides = array<i32>} : memref<128xf32, #tpu.memory_space<vmem>>, vector<16xf32>,
    tpu.vector_store %arg10[%swap3A_47], %broadcast_in_dim3A_46 {strides = array<i32>} : memref<128xf32, #tpu.memory_space<vmem>>, vector<16xf32>,
    %get3A_49 = arith.constant 0 : i32
    %get3A_50 = arith.index_cast %get3A_49 : i32 to index
    %get3A_51 = arith.constant 32 : index
    %get3A_52 = tpu.vector_load %arg7[%get3A_50, %get3A_51] {strides = array<i32>} : memref<1x128xi32, #tpu.memory_space<vmem>>, vector<16xi32>,
    %get3A_53 = arith.constant 0 : i32
    %get3A_54 = arith.index_cast %get3A_53 : i32 to index
    %get3A_55 = arith.constant 32 : index
    %get3A_56 = tpu.vector_load %arg6[%get3A_54, %get3A_55] {strides = array<i32>} : memref<2x128xi32, #tpu.memory_space<vmem>>, vector<16xi32>,
    tpu.vector_store_idx %arg8[%get3A_52], %get3A_56 : memref<128xi32, #tpu.memory_space<vmem>>[vector<16xi32>], vector<16xi32>,
    %get3A_57 = arith.constant 1 : i32
    %get3A_58 = arith.index_cast %get3A_57 : i32 to index
    %get3A_59 = arith.constant 32 : index
    %get3A_60 = tpu.vector_load %arg6[%get3A_58, %get3A_59] {strides = array<i32>} : memref<2x128xi32, #tpu.memory_space<vmem>>, vector<16xi32>,
    tpu.vector_store_idx %arg9[%get3A_52], %get3A_60 : memref<128xi32, #tpu.memory_space<vmem>>[vector<16xi32>], vector<16xi32>,
    %broadcast_in_dim3A_61 = arith.constant 0.000000e+00 : f32
    %broadcast_in_dim3A_62 = vector.broadcast %broadcast_in_dim3A_61 : f32 to vector<16xf32>
    %swap3A_63 = arith.constant 32 : index
    %swap3A_64 = tpu.vector_load %arg10[%swap3A_63] {strides = array<i32>} : memref<128xf32, #tpu.memory_space<vmem>>, vector<16xf32>,
    tpu.vector_store %arg10[%swap3A_63], %broadcast_in_dim3A_62 {strides = array<i32>} : memref<128xf32, #tpu.memory_space<vmem>>, vector<16xf32>,
    %get3A_65 = arith.constant 0 : i32
    %get3A_66 = arith.index_cast %get3A_65 : i32 to index
    %get3A_67 = arith.constant 48 : index
    %get3A_68 = tpu.vector_load %arg7[%get3A_66, %get3A_67] {strides = array<i32>} : memref<1x128xi32, #tpu.memory_space<vmem>>, vector<16xi32>,
    %get3A_69 = arith.constant 0 : i32
    %get3A_70 = arith.index_cast %get3A_69 : i32 to index
    %get3A_71 = arith.constant 48 : index
    %get3A_72 = tpu.vector_load %arg6[%get3A_70, %get3A_71] {strides = array<i32>} : memref<2x128xi32, #tpu.memory_space<vmem>>, vector<16xi32>,
    tpu.vector_store_idx %arg8[%get3A_68], %get3A_72 : memref<128xi32, #tpu.memory_space<vmem>>[vector<16xi32>], vector<16xi32>,
    %get3A_73 = arith.constant 1 : i32
    %get3A_74 = arith.index_cast %get3A_73 : i32 to index
    %get3A_75 = arith.constant 48 : index
    %get3A_76 = tpu.vector_load %arg6[%get3A_74, %get3A_75] {strides = array<i32>} : memref<2x128xi32, #tpu.memory_space<vmem>>, vector<16xi32>,
    tpu.vector_store_idx %arg9[%get3A_68], %get3A_76 : memref<128xi32, #tpu.memory_space<vmem>>[vector<16xi32>], vector<16xi32>,
    %broadcast_in_dim3A_77 = arith.constant 0.000000e+00 : f32
    %broadcast_in_dim3A_78 = vector.broadcast %broadcast_in_dim3A_77 : f32 to vector<16xf32>
    %swap3A_79 = arith.constant 48 : index
    %swap3A_80 = tpu.vector_load %arg10[%swap3A_79] {strides = array<i32>} : memref<128xf32, #tpu.memory_space<vmem>>, vector<16xf32>,
    tpu.vector_store %arg10[%swap3A_79], %broadcast_in_dim3A_78 {strides = array<i32>} : memref<128xf32, #tpu.memory_space<vmem>>, vector<16xf32>,
    %get3A_81 = arith.constant 0 : i32
    %get3A_82 = arith.index_cast %get3A_81 : i32 to index
    %get3A_83 = arith.constant 64 : index
    %get3A_84 = tpu.vector_load %arg7[%get3A_82, %get3A_83] {strides = array<i32>} : memref<1x128xi32, #tpu.memory_space<vmem>>, vector<16xi32>,
    %get3A_85 = arith.constant 0 : i32
    %get3A_86 = arith.index_cast %get3A_85 : i32 to index
    %get3A_87 = arith.constant 64 : index
    %get3A_88 = tpu.vector_load %arg6[%get3A_86, %get3A_87] {strides = array<i32>} : memref<2x128xi32, #tpu.memory_space<vmem>>, vector<16xi32>,
    tpu.vector_store_idx %arg8[%get3A_84], %get3A_88 : memref<128xi32, #tpu.memory_space<vmem>>[vector<16xi32>], vector<16xi32>,
    %get3A_89 = arith.constant 1 : i32
    %get3A_90 = arith.index_cast %get3A_89 : i32 to index
    %get3A_91 = arith.constant 64 : index
    %get3A_92 = tpu.vector_load %arg6[%get3A_90, %get3A_91] {strides = array<i32>} : memref<2x128xi32, #tpu.memory_space<vmem>>, vector<16xi32>,
    tpu.vector_store_idx %arg9[%get3A_84], %get3A_92 : memref<128xi32, #tpu.memory_space<vmem>>[vector<16xi32>], vector<16xi32>,
    %broadcast_in_dim3A_93 = arith.constant 0.000000e+00 : f32
    %broadcast_in_dim3A_94 = vector.broadcast %broadcast_in_dim3A_93 : f32 to vector<16xf32>
    %swap3A_95 = arith.constant 64 : index
    %swap3A_96 = tpu.vector_load %arg10[%swap3A_95] {strides = array<i32>} : memref<128xf32, #tpu.memory_space<vmem>>, vector<16xf32>,
    tpu.vector_store %arg10[%swap3A_95], %broadcast_in_dim3A_94 {strides = array<i32>} : memref<128xf32, #tpu.memory_space<vmem>>, vector<16xf32>,
    %get3A_97 = arith.constant 0 : i32
    %get3A_98 = arith.index_cast %get3A_97 : i32 to index
    %get3A_99 = arith.constant 80 : index
    %get3A_100 = tpu.vector_load %arg7[%get3A_98, %get3A_99] {strides = array<i32>} : memref<1x128xi32, #tpu.memory_space<vmem>>, vector<16xi32>,
    %get3A_101 = arith.constant 0 : i32
    %get3A_102 = arith.index_cast %get3A_101 : i32 to index
    %get3A_103 = arith.constant 80 : index
    %get3A_104 = tpu.vector_load %arg6[%get3A_102, %get3A_103] {strides = array<i32>} : memref<2x128xi32, #tpu.memory_space<vmem>>, vector<16xi32>,
    tpu.vector_store_idx %arg8[%get3A_100], %get3A_104 : memref<128xi32, #tpu.memory_space<vmem>>[vector<16xi32>], vector<16xi32>,
    %get3A_105 = arith.constant 1 : i32
    %get3A_106 = arith.index_cast %get3A_105 : i32 to index
    %get3A_107 = arith.constant 80 : index
    %get3A_108 = tpu.vector_load %arg6[%get3A_106, %get3A_107] {strides = array<i32>} : memref<2x128xi32, #tpu.memory_space<vmem>>, vector<16xi32>,
    tpu.vector_store_idx %arg9[%get3A_100], %get3A_108 : memref<128xi32, #tpu.memory_space<vmem>>[vector<16xi32>], vector<16xi32>,
    %broadcast_in_dim3A_109 = arith.constant 0.000000e+00 : f32
    %broadcast_in_dim3A_110 = vector.broadcast %broadcast_in_dim3A_109 : f32 to vector<16xf32>
    %swap3A_111 = arith.constant 80 : index
    %swap3A_112 = tpu.vector_load %arg10[%swap3A_111] {strides = array<i32>} : memref<128xf32, #tpu.memory_space<vmem>>, vector<16xf32>,
    tpu.vector_store %arg10[%swap3A_111], %broadcast_in_dim3A_110 {strides = array<i32>} : memref<128xf32, #tpu.memory_space<vmem>>, vector<16xf32>,
    %get3A_113 = arith.constant 0 : i32
    %get3A_114 = arith.index_cast %get3A_113 : i32 to index
    %get3A_115 = arith.constant 96 : index
    %get3A_116 = tpu.vector_load %arg7[%get3A_114, %get3A_115] {strides = array<i32>} : memref<1x128xi32, #tpu.memory_space<vmem>>, vector<16xi32>,
    %get3A_117 = arith.constant 0 : i32
    %get3A_118 = arith.index_cast %get3A_117 : i32 to index
    %get3A_119 = arith.constant 96 : index
    %get3A_120 = tpu.vector_load %arg6[%get3A_118, %get3A_119] {strides = array<i32>} : memref<2x128xi32, #tpu.memory_space<vmem>>, vector<16xi32>,
    tpu.vector_store_idx %arg8[%get3A_116], %get3A_120 : memref<128xi32, #tpu.memory_space<vmem>>[vector<16xi32>], vector<16xi32>,
    %get3A_121 = arith.constant 1 : i32
    %get3A_122 = arith.index_cast %get3A_121 : i32 to index
    %get3A_123 = arith.constant 96 : index
    %get3A_124 = tpu.vector_load %arg6[%get3A_122, %get3A_123] {strides = array<i32>} : memref<2x128xi32, #tpu.memory_space<vmem>>, vector<16xi32>,
    tpu.vector_store_idx %arg9[%get3A_116], %get3A_124 : memref<128xi32, #tpu.memory_space<vmem>>[vector<16xi32>], vector<16xi32>,
    %broadcast_in_dim3A_125 = arith.constant 0.000000e+00 : f32
    %broadcast_in_dim3A_126 = vector.broadcast %broadcast_in_dim3A_125 : f32 to vector<16xf32>
    %swap3A_127 = arith.constant 96 : index
    %swap3A_128 = tpu.vector_load %arg10[%swap3A_127] {strides = array<i32>} : memref<128xf32, #tpu.memory_space<vmem>>, vector<16xf32>,
    tpu.vector_store %arg10[%swap3A_127], %broadcast_in_dim3A_126 {strides = array<i32>} : memref<128xf32, #tpu.memory_space<vmem>>, vector<16xf32>,
    %get3A_129 = arith.constant 0 : i32
    %get3A_130 = arith.index_cast %get3A_129 : i32 to index
    %get3A_131 = arith.constant 112 : index
    %get3A_132 = tpu.vector_load %arg7[%get3A_130, %get3A_131] {strides = array<i32>} : memref<1x128xi32, #tpu.memory_space<vmem>>, vector<16xi32>,
    %get3A_133 = arith.constant 0 : i32
    %get3A_134 = arith.index_cast %get3A_133 : i32 to index
    %get3A_135 = arith.constant 112 : index
    %get3A_136 = tpu.vector_load %arg6[%get3A_134, %get3A_135] {strides = array<i32>} : memref<2x128xi32, #tpu.memory_space<vmem>>, vector<16xi32>,
    tpu.vector_store_idx %arg8[%get3A_132], %get3A_136 : memref<128xi32, #tpu.memory_space<vmem>>[vector<16xi32>], vector<16xi32>,
    %get3A_137 = arith.constant 1 : i32
    %get3A_138 = arith.index_cast %get3A_137 : i32 to index
    %get3A_139 = arith.constant 112 : index
    %get3A_140 = tpu.vector_load %arg6[%get3A_138, %get3A_139] {strides = array<i32>} : memref<2x128xi32, #tpu.memory_space<vmem>>, vector<16xi32>,
    tpu.vector_store_idx %arg9[%get3A_132], %get3A_140 : memref<128xi32, #tpu.memory_space<vmem>>[vector<16xi32>], vector<16xi32>,
    %broadcast_in_dim3A_141 = arith.constant 0.000000e+00 : f32
    %broadcast_in_dim3A_142 = vector.broadcast %broadcast_in_dim3A_141 : f32 to vector<16xf32>
    %swap3A_143 = arith.constant 112 : index
    %swap3A_144 = tpu.vector_load %arg10[%swap3A_143] {strides = array<i32>} : memref<128xf32, #tpu.memory_space<vmem>>, vector<16xf32>,
    tpu.vector_store %arg10[%swap3A_143], %broadcast_in_dim3A_142 {strides = array<i32>} : memref<128xf32, #tpu.memory_space<vmem>>, vector<16xf32>,
    %add3A_145 = arith.constant 0 : i32
    %add3A_146 = arith.addi %add3A_4, %add3A_145 : i32
    %dma_wait3A = arith.constant 0 : i32
    %dma_wait3A_147 = arith.constant 0 : i32
    %dma_wait3A_148 = arith.constant 0 : i32
    %dma_wait3A_149 = arith.constant 0 : i32
    %dma_wait3A_150 = tpu.memref_slice %arg11[%dma_wait3A, %dma_wait3A_148, %dma_wait3A_149] : memref<2x64x512xf32, #tpu.memory_space<vmem>> -> memref<1x64x512xf32, #tpu.memory_space<vmem>>
    %dma_wait3A_151 = tpu.memref_squeeze %dma_wait3A_150 : memref<1x64x512xf32, #tpu.memory_space<vmem>> -> memref<64x512xf32, #tpu.memory_space<vmem>>
    %dma_wait3A_152 = arith.constant 0 : i32
    %dma_wait3A_153 = tpu.memref_slice %arg2[%dma_wait3A_152, %add3A_146] : memref<64x200000xf32, #tpu.memory_space<hbm>> -> memref<64x512xf32, #tpu.memory_space<hbm>>
    %dma_wait3A_154 = tpu.memref_slice %arg12[%dma_wait3A_147] : memref<2x!tpu.dma_semaphore, #tpu.memory_space<semaphore_mem>> -> memref<1x!tpu.dma_semaphore, #tpu.memory_space<semaphore_mem>>
    %dma_wait3A_155 = tpu.memref_squeeze %dma_wait3A_154 : memref<1x!tpu.dma_semaphore, #tpu.memory_space<semaphore_mem>> -> memref<!tpu.dma_semaphore, #tpu.memory_space<semaphore_mem>>
    %dma_wait3A_156 = arith.constant 0 : i32
    %dma_wait3A_157 = arith.constant 0 : i32
    %dma_wait3A_158 = tpu.memref_slice %arg11[%dma_wait3A, %dma_wait3A_156, %dma_wait3A_157] : memref<2x64x512xf32, #tpu.memory_space<vmem>> -> memref<1x64x512xf32, #tpu.memory_space<vmem>>
    %dma_wait3A_159 = tpu.memref_squeeze %dma_wait3A_158 : memref<1x64x512xf32, #tpu.memory_space<vmem>> -> memref<64x512xf32, #tpu.memory_space<vmem>>
    %dma_wait3A_160 = arith.constant 0 : i32
    %dma_wait3A_161 = tpu.memref_slice %arg2[%dma_wait3A_160, %add3A_146] : memref<64x200000xf32, #tpu.memory_space<hbm>> -> memref<64x512xf32, #tpu.memory_space<hbm>>
    tpu.wait_dma2 semaphore(%dma_wait3A_155 : memref<!tpu.dma_semaphore, #tpu.memory_space<semaphore_mem>>) src(%dma_wait3A_161 : memref<64x512xf32, #tpu.memory_space<hbm>>) dst(%dma_wait3A_159 : memref<64x512xf32, #tpu.memory_space<vmem>>)
    %scan3A = arith.constant 0 : i32
    %scan3A_162 = arith.constant 0 : i32
    %scan3A_163 = arith.constant 16 : i32
    %scan3A_164 = arith.addi %scan3A_162, %scan3A_163 : i32
    %scan3A_165 = arith.constant 1 : i32
    %scan3A_166 = scf.for %scan3A_168 = %scan3A_162 to %scan3A_164 step %scan3A_165 iter_args(%scan3A_169 = %scan3A) -> (i32)  : i32 {
      %mul3A_170 = arith.constant 2 : i32
      %mul3A_171 = arith.muli %mul3A_170, %scan3A_168 : i32
      %mul3A_172 = arith.constant 16 : i32
      %mul3A_173 = arith.muli %mul3A_171, %mul3A_172 : i32
      %broadcast_in_dim3A_174 = arith.constant 0 : i32
      %broadcast_in_dim3A_175 = vector.broadcast %broadcast_in_dim3A_174 : i32 to vector<16xi32>
      %broadcast_in_dim3A_176 = arith.constant 0 : i32
      %broadcast_in_dim3A_177 = vector.broadcast %broadcast_in_dim3A_176 : i32 to vector<16xi32>
      %get3A_178 = arith.constant 0 : i32
      %get3A_179 = arith.constant 0 : i32
      %get3A_180 = arith.index_cast %get3A_178 : i32 to index
      %get3A_181 = arith.index_cast %get3A_179 : i32 to index
      %get3A_182 = arith.index_cast %mul3A_173 : i32 to index
      %get3A_183 = tpu.vector_load %arg11[%get3A_180, %get3A_181, %get3A_182] {strides = array<i32>} : memref<2x64x512xf32, #tpu.memory_space<vmem>>, vector<16xf32>,
      %bitcast3A = vector.bitcast %get3A_183 : vector<16xf32> to vector<16xi32>
      %get3A_184 = arith.constant 0 : i32
      %get3A_185 = arith.constant 32 : i32
      %get3A_186 = arith.index_cast %get3A_184 : i32 to index
      %get3A_187 = arith.index_cast %get3A_185 : i32 to index
      %get3A_188 = arith.index_cast %mul3A_173 : i32 to index
      %get3A_189 = tpu.vector_load %arg11[%get3A_186, %get3A_187, %get3A_188] {strides = array<i32>} : memref<2x64x512xf32, #tpu.memory_space<vmem>>, vector<16xf32>,
      %bitcast3A_190 = vector.bitcast %get3A_189 : vector<16xf32> to vector<16xi32>
      %shift_right_logical3A = arith.constant 31 : i32
      %shift_right_logical3A_191 = vector.broadcast %shift_right_logical3A : i32 to vector<16xi32>
      %shift_right_logical3A_192 = arith.shrui %bitcast3A, %shift_right_logical3A_191 : vector<16xi32>
      %and3A = arith.constant 1 : i32
      %and3A_193 = vector.broadcast %and3A : i32 to vector<16xi32>
      %and3A_194 = arith.andi %shift_right_logical3A_192, %and3A_193 : vector<16xi32>
      %or3A = arith.ori %broadcast_in_dim3A_175, %and3A_194 : vector<16xi32>
      %shift_right_logical3A_195 = arith.constant 31 : i32
      %shift_right_logical3A_196 = vector.broadcast %shift_right_logical3A_195 : i32 to vector<16xi32>
      %shift_right_logical3A_197 = arith.shrui %bitcast3A_190, %shift_right_logical3A_196 : vector<16xi32>
      %and3A_198 = arith.constant 1 : i32
      %and3A_199 = vector.broadcast %and3A_198 : i32 to vector<16xi32>
      %and3A_200 = arith.andi %shift_right_logical3A_197, %and3A_199 : vector<16xi32>
      %or3A_201 = arith.ori %broadcast_in_dim3A_177, %and3A_200 : vector<16xi32>
      %get3A_202 = arith.constant 0 : i32
      %get3A_203 = arith.constant 1 : i32
      %get3A_204 = arith.index_cast %get3A_202 : i32 to index
      %get3A_205 = arith.index_cast %get3A_203 : i32 to index
      %get3A_206 = arith.index_cast %mul3A_173 : i32 to index
      %get3A_207 = tpu.vector_load %arg11[%get3A_204, %get3A_205, %get3A_206] {strides = array<i32>} : memref<2x64x512xf32, #tpu.memory_space<vmem>>, vector<16xf32>,
      %bitcast3A_208 = vector.bitcast %get3A_207 : vector<16xf32> to vector<16xi32>
      %get3A_209 = arith.constant 0 : i32
      %get3A_210 = arith.constant 33 : i32
      %get3A_211 = arith.index_cast %get3A_209 : i32 to index
      %get3A_212 = arith.index_cast %get3A_210 : i32 to index
      %get3A_213 = arith.index_cast %mul3A_173 : i32 to index
      %get3A_214 = tpu.vector_load %arg11[%get3A_211, %get3A_212, %get3A_213] {strides = array<i32>} : memref<2x64x512xf32, #tpu.memory_space<vmem>>, vector<16xf32>,
      %bitcast3A_215 = vector.bitcast %get3A_214 : vector<16xf32> to vector<16xi32>
      %shift_right_logical3A_216 = arith.constant 30 : i32
      %shift_right_logical3A_217 = vector.broadcast %shift_right_logical3A_216 : i32 to vector<16xi32>
      %shift_right_logical3A_218 = arith.shrui %bitcast3A_208, %shift_right_logical3A_217 : vector<16xi32>
      %and3A_219 = arith.constant 2 : i32
      %and3A_220 = vector.broadcast %and3A_219 : i32 to vector<16xi32>
      %and3A_221 = arith.andi %shift_right_logical3A_218, %and3A_220 : vector<16xi32>
      %or3A_222 = arith.ori %or3A, %and3A_221 : vector<16xi32>
      %shift_right_logical3A_223 = arith.constant 30 : i32
      %shift_right_logical3A_224 = vector.broadcast %shift_right_logical3A_223 : i32 to vector<16xi32>
      %shift_right_logical3A_225 = arith.shrui %bitcast3A_215, %shift_right_logical3A_224 : vector<16xi32>
      %and3A_226 = arith.constant 2 : i32
      %and3A_227 = vector.broadcast %and3A_226 : i32 to vector<16xi32>
      %and3A_228 = arith.andi %shift_right_logical3A_225, %and3A_227 : vector<16xi32>
      %or3A_229 = arith.ori %or3A_201, %and3A_228 : vector<16xi32>
      %get3A_230 = arith.constant 0 : i32
      %get3A_231 = arith.constant 2 : i32
      %get3A_232 = arith.index_cast %get3A_230 : i32 to index
      %get3A_233 = arith.index_cast %get3A_231 : i32 to index
      %get3A_234 = arith.index_cast %mul3A_173 : i32 to index
      %get3A_235 = tpu.vector_load %arg11[%get3A_232, %get3A_233, %get3A_234] {strides = array<i32>} : memref<2x64x512xf32, #tpu.memory_space<vmem>>, vector<16xf32>,
      %bitcast3A_236 = vector.bitcast %get3A_235 : vector<16xf32> to vector<16xi32>
      %get3A_237 = arith.constant 0 : i32
      %get3A_238 = arith.constant 34 : i32
      %get3A_239 = arith.index_cast %get3A_237 : i32 to index
      %get3A_240 = arith.index_cast %get3A_238 : i32 to index
      %get3A_241 = arith.index_cast %mul3A_173 : i32 to index
      %get3A_242 = tpu.vector_load %arg11[%get3A_239, %get3A_240, %get3A_241] {strides = array<i32>} : memref<2x64x512xf32, #tpu.memory_space<vmem>>, vector<16xf32>,
      %bitcast3A_243 = vector.bitcast %get3A_242 : vector<16xf32> to vector<16xi32>
      %shift_right_logical3A_244 = arith.constant 29 : i32
      %shift_right_logical3A_245 = vector.broadcast %shift_right_logical3A_244 : i32 to vector<16xi32>
      %shift_right_logical3A_246 = arith.shrui %bitcast3A_236, %shift_right_logical3A_245 : vector<16xi32>
      %and3A_247 = arith.constant 4 : i32
      %and3A_248 = vector.broadcast %and3A_247 : i32 to vector<16xi32>
      %and3A_249 = arith.andi %shift_right_logical3A_246, %and3A_248 : vector<16xi32>
      %or3A_250 = arith.ori %or3A_222, %and3A_249 : vector<16xi32>
      %shift_right_logical3A_251 = arith.constant 29 : i32
      %shift_right_logical3A_252 = vector.broadcast %shift_right_logical3A_251 : i32 to vector<16xi32>
      %shift_right_logical3A_253 = arith.shrui %bitcast3A_243, %shift_right_logical3A_252 : vector<16xi32>
      %and3A_254 = arith.constant 4 : i32
      %and3A_255 = vector.broadcast %and3A_254 : i32 to vector<16xi32>
      %and3A_256 = arith.andi %shift_right_logical3A_253, %and3A_255 : vector<16xi32>
      %or3A_257 = arith.ori %or3A_229, %and3A_256 : vector<16xi32>
      %get3A_258 = arith.constant 0 : i32
      %get3A_259 = arith.constant 3 : i32
      %get3A_260 = arith.index_cast %get3A_258 : i32 to index
      %get3A_261 = arith.index_cast %get3A_259 : i32 to index
      %get3A_262 = arith.index_cast %mul3A_173 : i32 to index
      %get3A_263 = tpu.vector_load %arg11[%get3A_260, %get3A_261, %get3A_262] {strides = array<i32>} : memref<2x64x512xf32, #tpu.memory_space<vmem>>, vector<16xf32>,
      %bitcast3A_264 = vector.bitcast %get3A_263 : vector<16xf32> to vector<16xi32>
      %get3A_265 = arith.constant 0 : i32
      %get3A_266 = arith.constant 35 : i32
      %get3A_267 = arith.index_cast %get3A_265 : i32 to index
      %get3A_268 = arith.index_cast %get3A_266 : i32 to index
      %get3A_269 = arith.index_cast %mul3A_173 : i32 to index
      %get3A_270 = tpu.vector_load %arg11[%get3A_267, %get3A_268, %get3A_269] {strides = array<i32>} : memref<2x64x512xf32, #tpu.memory_space<vmem>>, vector<16xf32>,
      %bitcast3A_271 = vector.bitcast %get3A_270 : vector<16xf32> to vector<16xi32>
      %shift_right_logical3A_272 = arith.constant 28 : i32
      %shift_right_logical3A_273 = vector.broadcast %shift_right_logical3A_272 : i32 to vector<16xi32>
      %shift_right_logical3A_274 = arith.shrui %bitcast3A_264, %shift_right_logical3A_273 : vector<16xi32>
      %and3A_275 = arith.constant 8 : i32
      %and3A_276 = vector.broadcast %and3A_275 : i32 to vector<16xi32>
      %and3A_277 = arith.andi %shift_right_logical3A_274, %and3A_276 : vector<16xi32>
      %or3A_278 = arith.ori %or3A_250, %and3A_277 : vector<16xi32>
      %shift_right_logical3A_279 = arith.constant 28 : i32
      %shift_right_logical3A_280 = vector.broadcast %shift_right_logical3A_279 : i32 to vector<16xi32>
      %shift_right_logical3A_281 = arith.shrui %bitcast3A_271, %shift_right_logical3A_280 : vector<16xi32>
      %and3A_282 = arith.constant 8 : i32
      %and3A_283 = vector.broadcast %and3A_282 : i32 to vector<16xi32>
      %and3A_284 = arith.andi %shift_right_logical3A_281, %and3A_283 : vector<16xi32>
      %or3A_285 = arith.ori %or3A_257, %and3A_284 : vector<16xi32>
      %get3A_286 = arith.constant 0 : i32
      %get3A_287 = arith.constant 4 : i32
      %get3A_288 = arith.index_cast %get3A_286 : i32 to index
      %get3A_289 = arith.index_cast %get3A_287 : i32 to index
      %get3A_290 = arith.index_cast %mul3A_173 : i32 to index
      %get3A_291 = tpu.vector_load %arg11[%get3A_288, %get3A_289, %get3A_290] {strides = array<i32>} : memref<2x64x512xf32, #tpu.memory_space<vmem>>, vector<16xf32>,
      %bitcast3A_292 = vector.bitcast %get3A_291 : vector<16xf32> to vector<16xi32>
      %get3A_293 = arith.constant 0 : i32
      %get3A_294 = arith.constant 36 : i32
      %get3A_295 = arith.index_cast %get3A_293 : i32 to index
      %get3A_296 = arith.index_cast %get3A_294 : i32 to index
      %get3A_297 = arith.index_cast %mul3A_173 : i32 to index
      %get3A_298 = tpu.vector_load %arg11[%get3A_295, %get3A_296, %get3A_297] {strides = array<i32>} : memref<2x64x512xf32, #tpu.memory_space<vmem>>, vector<16xf32>,
      %bitcast3A_299 = vector.bitcast %get3A_298 : vector<16xf32> to vector<16xi32>
      %shift_right_logical3A_300 = arith.constant 27 : i32
      %shift_right_logical3A_301 = vector.broadcast %shift_right_logical3A_300 : i32 to vector<16xi32>
      %shift_right_logical3A_302 = arith.shrui %bitcast3A_292, %shift_right_logical3A_301 : vector<16xi32>
      %and3A_303 = arith.constant 16 : i32
      %and3A_304 = vector.broadcast %and3A_303 : i32 to vector<16xi32>
      %and3A_305 = arith.andi %shift_right_logical3A_302, %and3A_304 : vector<16xi32>
      %or3A_306 = arith.ori %or3A_278, %and3A_305 : vector<16xi32>
      %shift_right_logical3A_307 = arith.constant 27 : i32
      %shift_right_logical3A_308 = vector.broadcast %shift_right_logical3A_307 : i32 to vector<16xi32>
      %shift_right_logical3A_309 = arith.shrui %bitcast3A_299, %shift_right_logical3A_308 : vector<16xi32>
      %and3A_310 = arith.constant 16 : i32
      %and3A_311 = vector.broadcast %and3A_310 : i32 to vector<16xi32>
      %and3A_312 = arith.andi %shift_right_logical3A_309, %and3A_311 : vector<16xi32>
      %or3A_313 = arith.ori %or3A_285, %and3A_312 : vector<16xi32>
      %get3A_314 = arith.constant 0 : i32
      %get3A_315 = arith.constant 5 : i32
      %get3A_316 = arith.index_cast %get3A_314 : i32 to index
      %get3A_317 = arith.index_cast %get3A_315 : i32 to index
      %get3A_318 = arith.index_cast %mul3A_173 : i32 to index
      %get3A_319 = tpu.vector_load %arg11[%get3A_316, %get3A_317, %get3A_318] {strides = array<i32>} : memref<2x64x512xf32, #tpu.memory_space<vmem>>, vector<16xf32>,
      %bitcast3A_320 = vector.bitcast %get3A_319 : vector<16xf32> to vector<16xi32>
      %get3A_321 = arith.constant 0 : i32
      %get3A_322 = arith.constant 37 : i32
      %get3A_323 = arith.index_cast %get3A_321 : i32 to index
      %get3A_324 = arith.index_cast %get3A_322 : i32 to index
      %get3A_325 = arith.index_cast %mul3A_173 : i32 to index
      %get3A_326 = tpu.vector_load %arg11[%get3A_323, %get3A_324, %get3A_325] {strides = array<i32>} : memref<2x64x512xf32, #tpu.memory_space<vmem>>, vector<16xf32>,
      %bitcast3A_327 = vector.bitcast %get3A_326 : vector<16xf32> to vector<16xi32>
      %shift_right_logical3A_328 = arith.constant 26 : i32
      %shift_right_logical3A_329 = vector.broadcast %shift_right_logical3A_328 : i32 to vector<16xi32>
      %shift_right_logical3A_330 = arith.shrui %bitcast3A_320, %shift_right_logical3A_329 : vector<16xi32>
      %and3A_331 = arith.constant 32 : i32
      %and3A_332 = vector.broadcast %and3A_331 : i32 to vector<16xi32>
      %and3A_333 = arith.andi %shift_right_logical3A_330, %and3A_332 : vector<16xi32>
      %or3A_334 = arith.ori %or3A_306, %and3A_333 : vector<16xi32>
      %shift_right_logical3A_335 = arith.constant 26 : i32
      %shift_right_logical3A_336 = vector.broadcast %shift_right_logical3A_335 : i32 to vector<16xi32>
      %shift_right_logical3A_337 = arith.shrui %bitcast3A_327, %shift_right_logical3A_336 : vector<16xi32>
      %and3A_338 = arith.constant 32 : i32
      %and3A_339 = vector.broadcast %and3A_338 : i32 to vector<16xi32>
      %and3A_340 = arith.andi %shift_right_logical3A_337, %and3A_339 : vector<16xi32>
      %or3A_341 = arith.ori %or3A_313, %and3A_340 : vector<16xi32>
      %get3A_342 = arith.constant 0 : i32
      %get3A_343 = arith.constant 6 : i32
      %get3A_344 = arith.index_cast %get3A_342 : i32 to index
      %get3A_345 = arith.index_cast %get3A_343 : i32 to index
      %get3A_346 = arith.index_cast %mul3A_173 : i32 to index
      %get3A_347 = tpu.vector_load %arg11[%get3A_344, %get3A_345, %get3A_346] {strides = array<i32>} : memref<2x64x512xf32, #tpu.memory_space<vmem>>, vector<16xf32>,
      %bitcast3A_348 = vector.bitcast %get3A_347 : vector<16xf32> to vector<16xi32>
      %get3A_349 = arith.constant 0 : i32
      %get3A_350 = arith.constant 38 : i32
      %get3A_351 = arith.index_cast %get3A_349 : i32 to index
      %get3A_352 = arith.index_cast %get3A_350 : i32 to index
      %get3A_353 = arith.index_cast %mul3A_173 : i32 to index
      %get3A_354 = tpu.vector_load %arg11[%get3A_351, %get3A_352, %get3A_353] {strides = array<i32>} : memref<2x64x512xf32, #tpu.memory_space<vmem>>, vector<16xf32>,
      %bitcast3A_355 = vector.bitcast %get3A_354 : vector<16xf32> to vector<16xi32>
      %shift_right_logical3A_356 = arith.constant 25 : i32
      %shift_right_logical3A_357 = vector.broadcast %shift_right_logical3A_356 : i32 to vector<16xi32>
      %shift_right_logical3A_358 = arith.shrui %bitcast3A_348, %shift_right_logical3A_357 : vector<16xi32>
      %and3A_359 = arith.constant 64 : i32
      %and3A_360 = vector.broadcast %and3A_359 : i32 to vector<16xi32>
      %and3A_361 = arith.andi %shift_right_logical3A_358, %and3A_360 : vector<16xi32>
      %or3A_362 = arith.ori %or3A_334, %and3A_361 : vector<16xi32>
      %shift_right_logical3A_363 = arith.constant 25 : i32
      %shift_right_logical3A_364 = vector.broadcast %shift_right_logical3A_363 : i32 to vector<16xi32>
      %shift_right_logical3A_365 = arith.shrui %bitcast3A_355, %shift_right_logical3A_364 : vector<16xi32>
      %and3A_366 = arith.constant 64 : i32
      %and3A_367 = vector.broadcast %and3A_366 : i32 to vector<16xi32>
      %and3A_368 = arith.andi %shift_right_logical3A_365, %and3A_367 : vector<16xi32>
      %or3A_369 = arith.ori %or3A_341, %and3A_368 : vector<16xi32>
      %get3A_370 = arith.constant 0 : i32
      %get3A_371 = arith.constant 7 : i32
      %get3A_372 = arith.index_cast %get3A_370 : i32 to index
      %get3A_373 = arith.index_cast %get3A_371 : i32 to index
      %get3A_374 = arith.index_cast %mul3A_173 : i32 to index
      %get3A_375 = tpu.vector_load %arg11[%get3A_372, %get3A_373, %get3A_374] {strides = array<i32>} : memref<2x64x512xf32, #tpu.memory_space<vmem>>, vector<16xf32>,
      %bitcast3A_376 = vector.bitcast %get3A_375 : vector<16xf32> to vector<16xi32>
      %get3A_377 = arith.constant 0 : i32
      %get3A_378 = arith.constant 39 : i32
      %get3A_379 = arith.index_cast %get3A_377 : i32 to index
      %get3A_380 = arith.index_cast %get3A_378 : i32 to index
      %get3A_381 = arith.index_cast %mul3A_173 : i32 to index
      %get3A_382 = tpu.vector_load %arg11[%get3A_379, %get3A_380, %get3A_381] {strides = array<i32>} : memref<2x64x512xf32, #tpu.memory_space<vmem>>, vector<16xf32>,
      %bitcast3A_383 = vector.bitcast %get3A_382 : vector<16xf32> to vector<16xi32>
      %shift_right_logical3A_384 = arith.constant 24 : i32
      %shift_right_logical3A_385 = vector.broadcast %shift_right_logical3A_384 : i32 to vector<16xi32>
      %shift_right_logical3A_386 = arith.shrui %bitcast3A_376, %shift_right_logical3A_385 : vector<16xi32>
      %and3A_387 = arith.constant 128 : i32
      %and3A_388 = vector.broadcast %and3A_387 : i32 to vector<16xi32>
      %and3A_389 = arith.andi %shift_right_logical3A_386, %and3A_388 : vector<16xi32>
      %or3A_390 = arith.ori %or3A_362, %and3A_389 : vector<16xi32>
      %shift_right_logical3A_391 = arith.constant 24 : i32
      %shift_right_logical3A_392 = vector.broadcast %shift_right_logical3A_391 : i32 to vector<16xi32>
      %shift_right_logical3A_393 = arith.shrui %bitcast3A_383, %shift_right_logical3A_392 : vector<16xi32>
      %and3A_394 = arith.constant 128 : i32
      %and3A_395 = vector.broadcast %and3A_394 : i32 to vector<16xi32>
      %and3A_396 = arith.andi %shift_right_logical3A_393, %and3A_395 : vector<16xi32>
      %or3A_397 = arith.ori %or3A_369, %and3A_396 : vector<16xi32>
      %get3A_398 = arith.constant 0 : i32
      %get3A_399 = arith.constant 8 : i32
      %get3A_400 = arith.index_cast %get3A_398 : i32 to index
      %get3A_401 = arith.index_cast %get3A_399 : i32 to index
      %get3A_402 = arith.index_cast %mul3A_173 : i32 to index
      %get3A_403 = tpu.vector_load %arg11[%get3A_400, %get3A_401, %get3A_402] {strides = array<i32>} : memref<2x64x512xf32, #tpu.memory_space<vmem>>, vector<16xf32>,
      %bitcast3A_404 = vector.bitcast %get3A_403 : vector<16xf32> to vector<16xi32>
      %get3A_405 = arith.constant 0 : i32
      %get3A_406 = arith.constant 40 : i32
      %get3A_407 = arith.index_cast %get3A_405 : i32 to index
      %get3A_408 = arith.index_cast %get3A_406 : i32 to index
      %get3A_409 = arith.index_cast %mul3A_173 : i32 to index
      %get3A_410 = tpu.vector_load %arg11[%get3A_407, %get3A_408, %get3A_409] {strides = array<i32>} : memref<2x64x512xf32, #tpu.memory_space<vmem>>, vector<16xf32>,
      %bitcast3A_411 = vector.bitcast %get3A_410 : vector<16xf32> to vector<16xi32>
      %shift_right_logical3A_412 = arith.constant 23 : i32
      %shift_right_logical3A_413 = vector.broadcast %shift_right_logical3A_412 : i32 to vector<16xi32>
      %shift_right_logical3A_414 = arith.shrui %bitcast3A_404, %shift_right_logical3A_413 : vector<16xi32>
      %and3A_415 = arith.constant 256 : i32
      %and3A_416 = vector.broadcast %and3A_415 : i32 to vector<16xi32>
      %and3A_417 = arith.andi %shift_right_logical3A_414, %and3A_416 : vector<16xi32>
      %or3A_418 = arith.ori %or3A_390, %and3A_417 : vector<16xi32>
      %shift_right_logical3A_419 = arith.constant 23 : i32
      %shift_right_logical3A_420 = vector.broadcast %shift_right_logical3A_419 : i32 to vector<16xi32>
      %shift_right_logical3A_421 = arith.shrui %bitcast3A_411, %shift_right_logical3A_420 : vector<16xi32>
      %and3A_422 = arith.constant 256 : i32
      %and3A_423 = vector.broadcast %and3A_422 : i32 to vector<16xi32>
      %and3A_424 = arith.andi %shift_right_logical3A_421, %and3A_423 : vector<16xi32>
      %or3A_425 = arith.ori %or3A_397, %and3A_424 : vector<16xi32>
      %get3A_426 = arith.constant 0 : i32
      %get3A_427 = arith.constant 9 : i32
      %get3A_428 = arith.index_cast %get3A_426 : i32 to index
      %get3A_429 = arith.index_cast %get3A_427 : i32 to index
      %get3A_430 = arith.index_cast %mul3A_173 : i32 to index
      %get3A_431 = tpu.vector_load %arg11[%get3A_428, %get3A_429, %get3A_430] {strides = array<i32>} : memref<2x64x512xf32, #tpu.memory_space<vmem>>, vector<16xf32>,
      %bitcast3A_432 = vector.bitcast %get3A_431 : vector<16xf32> to vector<16xi32>
      %get3A_433 = arith.constant 0 : i32
      %get3A_434 = arith.constant 41 : i32
      %get3A_435 = arith.index_cast %get3A_433 : i32 to index
      %get3A_436 = arith.index_cast %get3A_434 : i32 to index
      %get3A_437 = arith.index_cast %mul3A_173 : i32 to index
      %get3A_438 = tpu.vector_load %arg11[%get3A_435, %get3A_436, %get3A_437] {strides = array<i32>} : memref<2x64x512xf32, #tpu.memory_space<vmem>>, vector<16xf32>,
      %bitcast3A_439 = vector.bitcast %get3A_438 : vector<16xf32> to vector<16xi32>
      %shift_right_logical3A_440 = arith.constant 22 : i32
      %shift_right_logical3A_441 = vector.broadcast %shift_right_logical3A_440 : i32 to vector<16xi32>
      %shift_right_logical3A_442 = arith.shrui %bitcast3A_432, %shift_right_logical3A_441 : vector<16xi32>
      %and3A_443 = arith.constant 512 : i32
      %and3A_444 = vector.broadcast %and3A_443 : i32 to vector<16xi32>
      %and3A_445 = arith.andi %shift_right_logical3A_442, %and3A_444 : vector<16xi32>
      %or3A_446 = arith.ori %or3A_418, %and3A_445 : vector<16xi32>
      %shift_right_logical3A_447 = arith.constant 22 : i32
      %shift_right_logical3A_448 = vector.broadcast %shift_right_logical3A_447 : i32 to vector<16xi32>
      %shift_right_logical3A_449 = arith.shrui %bitcast3A_439, %shift_right_logical3A_448 : vector<16xi32>
      %and3A_450 = arith.constant 512 : i32
      %and3A_451 = vector.broadcast %and3A_450 : i32 to vector<16xi32>
      %and3A_452 = arith.andi %shift_right_logical3A_449, %and3A_451 : vector<16xi32>
      %or3A_453 = arith.ori %or3A_425, %and3A_452 : vector<16xi32>
      %get3A_454 = arith.constant 0 : i32
      %get3A_455 = arith.constant 10 : i32
      %get3A_456 = arith.index_cast %get3A_454 : i32 to index
      %get3A_457 = arith.index_cast %get3A_455 : i32 to index
      %get3A_458 = arith.index_cast %mul3A_173 : i32 to index
      %get3A_459 = tpu.vector_load %arg11[%get3A_456, %get3A_457, %get3A_458] {strides = array<i32>} : memref<2x64x512xf32, #tpu.memory_space<vmem>>, vector<16xf32>,
      %bitcast3A_460 = vector.bitcast %get3A_459 : vector<16xf32> to vector<16xi32>
      %get3A_461 = arith.constant 0 : i32
      %get3A_462 = arith.constant 42 : i32
      %get3A_463 = arith.index_cast %get3A_461 : i32 to index
      %get3A_464 = arith.index_cast %get3A_462 : i32 to index
      %get3A_465 = arith.index_cast %mul3A_173 : i32 to index
      %get3A_466 = tpu.vector_load %arg11[%get3A_463, %get3A_464, %get3A_465] {strides = array<i32>} : memref<2x64x512xf32, #tpu.memory_space<vmem>>, vector<16xf32>,
      %bitcast3A_467 = vector.bitcast %get3A_466 : vector<16xf32> to vector<16xi32>
      %shift_right_logical3A_468 = arith.constant 21 : i32
      %shift_right_logical3A_469 = vector.broadcast %shift_right_logical3A_468 : i32 to vector<16xi32>
      %shift_right_logical3A_470 = arith.shrui %bitcast3A_460, %shift_right_logical3A_469 : vector<16xi32>
      %and3A_471 = arith.constant 1024 : i32
      %and3A_472 = vector.broadcast %and3A_471 : i32 to vector<16xi32>
      %and3A_473 = arith.andi %shift_right_logical3A_470, %and3A_472 : vector<16xi32>
      %or3A_474 = arith.ori %or3A_446, %and3A_473 : vector<16xi32>
      %shift_right_logical3A_475 = arith.constant 21 : i32
      %shift_right_logical3A_476 = vector.broadcast %shift_right_logical3A_475 : i32 to vector<16xi32>
      %shift_right_logical3A_477 = arith.shrui %bitcast3A_467, %shift_right_logical3A_476 : vector<16xi32>
      %and3A_478 = arith.constant 1024 : i32
      %and3A_479 = vector.broadcast %and3A_478 : i32 to vector<16xi32>
      %and3A_480 = arith.andi %shift_right_logical3A_477, %and3A_479 : vector<16xi32>
      %or3A_481 = arith.ori %or3A_453, %and3A_480 : vector<16xi32>
      %get3A_482 = arith.constant 0 : i32
      %get3A_483 = arith.constant 11 : i32
      %get3A_484 = arith.index_cast %get3A_482 : i32 to index
      %get3A_485 = arith.index_cast %get3A_483 : i32 to index
      %get3A_486 = arith.index_cast %mul3A_173 : i32 to index
      %get3A_487 = tpu.vector_load %arg11[%get3A_484, %get3A_485, %get3A_486] {strides = array<i32>} : memref<2x64x512xf32, #tpu.memory_space<vmem>>, vector<16xf32>,
      %bitcast3A_488 = vector.bitcast %get3A_487 : vector<16xf32> to vector<16xi32>
      %get3A_489 = arith.constant 0 : i32
      %get3A_490 = arith.constant 43 : i32
      %get3A_491 = arith.index_cast %get3A_489 : i32 to index
      %get3A_492 = arith.index_cast %get3A_490 : i32 to index
      %get3A_493 = arith.index_cast %mul3A_173 : i32 to index
      %get3A_494 = tpu.vector_load %arg11[%get3A_491, %get3A_492, %get3A_493] {strides = array<i32>} : memref<2x64x512xf32, #tpu.memory_space<vmem>>, vector<16xf32>,
      %bitcast3A_495 = vector.bitcast %get3A_494 : vector<16xf32> to vector<16xi32>
      %shift_right_logical3A_496 = arith.constant 20 : i32
      %shift_right_logical3A_497 = vector.broadcast %shift_right_logical3A_496 : i32 to vector<16xi32>
      %shift_right_logical3A_498 = arith.shrui %bitcast3A_488, %shift_right_logical3A_497 : vector<16xi32>
      %and3A_499 = arith.constant 2048 : i32
      %and3A_500 = vector.broadcast %and3A_499 : i32 to vector<16xi32>
      %and3A_501 = arith.andi %shift_right_logical3A_498, %and3A_500 : vector<16xi32>
      %or3A_502 = arith.ori %or3A_474, %and3A_501 : vector<16xi32>
      %shift_right_logical3A_503 = arith.constant 20 : i32
      %shift_right_logical3A_504 = vector.broadcast %shift_right_logical3A_503 : i32 to vector<16xi32>
      %shift_right_logical3A_505 = arith.shrui %bitcast3A_495, %shift_right_logical3A_504 : vector<16xi32>
      %and3A_506 = arith.constant 2048 : i32
      %and3A_507 = vector.broadcast %and3A_506 : i32 to vector<16xi32>
      %and3A_508 = arith.andi %shift_right_logical3A_505, %and3A_507 : vector<16xi32>
      %or3A_509 = arith.ori %or3A_481, %and3A_508 : vector<16xi32>
      %get3A_510 = arith.constant 0 : i32
      %get3A_511 = arith.constant 12 : i32
      %get3A_512 = arith.index_cast %get3A_510 : i32 to index
      %get3A_513 = arith.index_cast %get3A_511 : i32 to index
      %get3A_514 = arith.index_cast %mul3A_173 : i32 to index
      %get3A_515 = tpu.vector_load %arg11[%get3A_512, %get3A_513, %get3A_514] {strides = array<i32>} : memref<2x64x512xf32, #tpu.memory_space<vmem>>, vector<16xf32>,
      %bitcast3A_516 = vector.bitcast %get3A_515 : vector<16xf32> to vector<16xi32>
      %get3A_517 = arith.constant 0 : i32
      %get3A_518 = arith.constant 44 : i32
      %get3A_519 = arith.index_cast %get3A_517 : i32 to index
      %get3A_520 = arith.index_cast %get3A_518 : i32 to index
      %get3A_521 = arith.index_cast %mul3A_173 : i32 to index
      %get3A_522 = tpu.vector_load %arg11[%get3A_519, %get3A_520, %get3A_521] {strides = array<i32>} : memref<2x64x512xf32, #tpu.memory_space<vmem>>, vector<16xf32>,
      %bitcast3A_523 = vector.bitcast %get3A_522 : vector<16xf32> to vector<16xi32>
      %shift_right_logical3A_524 = arith.constant 19 : i32
      %shift_right_logical3A_525 = vector.broadcast %shift_right_logical3A_524 : i32 to vector<16xi32>
      %shift_right_logical3A_526 = arith.shrui %bitcast3A_516, %shift_right_logical3A_525 : vector<16xi32>
      %and3A_527 = arith.constant 4096 : i32
      %and3A_528 = vector.broadcast %and3A_527 : i32 to vector<16xi32>
      %and3A_529 = arith.andi %shift_right_logical3A_526, %and3A_528 : vector<16xi32>
      %or3A_530 = arith.ori %or3A_502, %and3A_529 : vector<16xi32>
      %shift_right_logical3A_531 = arith.constant 19 : i32
      %shift_right_logical3A_532 = vector.broadcast %shift_right_logical3A_531 : i32 to vector<16xi32>
      %shift_right_logical3A_533 = arith.shrui %bitcast3A_523, %shift_right_logical3A_532 : vector<16xi32>
      %and3A_534 = arith.constant 4096 : i32
      %and3A_535 = vector.broadcast %and3A_534 : i32 to vector<16xi32>
      %and3A_536 = arith.andi %shift_right_logical3A_533, %and3A_535 : vector<16xi32>
      %or3A_537 = arith.ori %or3A_509, %and3A_536 : vector<16xi32>
      %get3A_538 = arith.constant 0 : i32
      %get3A_539 = arith.constant 13 : i32
      %get3A_540 = arith.index_cast %get3A_538 : i32 to index
      %get3A_541 = arith.index_cast %get3A_539 : i32 to index
      %get3A_542 = arith.index_cast %mul3A_173 : i32 to index
      %get3A_543 = tpu.vector_load %arg11[%get3A_540, %get3A_541, %get3A_542] {strides = array<i32>} : memref<2x64x512xf32, #tpu.memory_space<vmem>>, vector<16xf32>,
      %bitcast3A_544 = vector.bitcast %get3A_543 : vector<16xf32> to vector<16xi32>
      %get3A_545 = arith.constant 0 : i32
      %get3A_546 = arith.constant 45 : i32
      %get3A_547 = arith.index_cast %get3A_545 : i32 to index
      %get3A_548 = arith.index_cast %get3A_546 : i32 to index
      %get3A_549 = arith.index_cast %mul3A_173 : i32 to index
      %get3A_550 = tpu.vector_load %arg11[%get3A_547, %get3A_548, %get3A_549] {strides = array<i32>} : memref<2x64x512xf32, #tpu.memory_space<vmem>>, vector<16xf32>,
      %bitcast3A_551 = vector.bitcast %get3A_550 : vector<16xf32> to vector<16xi32>
      %shift_right_logical3A_552 = arith.constant 18 : i32
      %shift_right_logical3A_553 = vector.broadcast %shift_right_logical3A_552 : i32 to vector<16xi32>
      %shift_right_logical3A_554 = arith.shrui %bitcast3A_544, %shift_right_logical3A_553 : vector<16xi32>
      %and3A_555 = arith.constant 8192 : i32
      %and3A_556 = vector.broadcast %and3A_555 : i32 to vector<16xi32>
      %and3A_557 = arith.andi %shift_right_logical3A_554, %and3A_556 : vector<16xi32>
      %or3A_558 = arith.ori %or3A_530, %and3A_557 : vector<16xi32>
      %shift_right_logical3A_559 = arith.constant 18 : i32
      %shift_right_logical3A_560 = vector.broadcast %shift_right_logical3A_559 : i32 to vector<16xi32>
      %shift_right_logical3A_561 = arith.shrui %bitcast3A_551, %shift_right_logical3A_560 : vector<16xi32>
      %and3A_562 = arith.constant 8192 : i32
      %and3A_563 = vector.broadcast %and3A_562 : i32 to vector<16xi32>
      %and3A_564 = arith.andi %shift_right_logical3A_561, %and3A_563 : vector<16xi32>
      %or3A_565 = arith.ori %or3A_537, %and3A_564 : vector<16xi32>
      %get3A_566 = arith.constant 0 : i32
      %get3A_567 = arith.constant 14 : i32
      %get3A_568 = arith.index_cast %get3A_566 : i32 to index
      %get3A_569 = arith.index_cast %get3A_567 : i32 to index
      %get3A_570 = arith.index_cast %mul3A_173 : i32 to index
      %get3A_571 = tpu.vector_load %arg11[%get3A_568, %get3A_569, %get3A_570] {strides = array<i32>} : memref<2x64x512xf32, #tpu.memory_space<vmem>>, vector<16xf32>,
      %bitcast3A_572 = vector.bitcast %get3A_571 : vector<16xf32> to vector<16xi32>
      %get3A_573 = arith.constant 0 : i32
      %get3A_574 = arith.constant 46 : i32
      %get3A_575 = arith.index_cast %get3A_573 : i32 to index
      %get3A_576 = arith.index_cast %get3A_574 : i32 to index
      %get3A_577 = arith.index_cast %mul3A_173 : i32 to index
      %get3A_578 = tpu.vector_load %arg11[%get3A_575, %get3A_576, %get3A_577] {strides = array<i32>} : memref<2x64x512xf32, #tpu.memory_space<vmem>>, vector<16xf32>,
      %bitcast3A_579 = vector.bitcast %get3A_578 : vector<16xf32> to vector<16xi32>
      %shift_right_logical3A_580 = arith.constant 17 : i32
      %shift_right_logical3A_581 = vector.broadcast %shift_right_logical3A_580 : i32 to vector<16xi32>
      %shift_right_logical3A_582 = arith.shrui %bitcast3A_572, %shift_right_logical3A_581 : vector<16xi32>
      %and3A_583 = arith.constant 16384 : i32
      %and3A_584 = vector.broadcast %and3A_583 : i32 to vector<16xi32>
      %and3A_585 = arith.andi %shift_right_logical3A_582, %and3A_584 : vector<16xi32>
      %or3A_586 = arith.ori %or3A_558, %and3A_585 : vector<16xi32>
      %shift_right_logical3A_587 = arith.constant 17 : i32
      %shift_right_logical3A_588 = vector.broadcast %shift_right_logical3A_587 : i32 to vector<16xi32>
      %shift_right_logical3A_589 = arith.shrui %bitcast3A_579, %shift_right_logical3A_588 : vector<16xi32>
      %and3A_590 = arith.constant 16384 : i32
      %and3A_591 = vector.broadcast %and3A_590 : i32 to vector<16xi32>
      %and3A_592 = arith.andi %shift_right_logical3A_589, %and3A_591 : vector<16xi32>
      %or3A_593 = arith.ori %or3A_565, %and3A_592 : vector<16xi32>
      %get3A_594 = arith.constant 0 : i32
      %get3A_595 = arith.constant 15 : i32
      %get3A_596 = arith.index_cast %get3A_594 : i32 to index
      %get3A_597 = arith.index_cast %get3A_595 : i32 to index
      %get3A_598 = arith.index_cast %mul3A_173 : i32 to index
      %get3A_599 = tpu.vector_load %arg11[%get3A_596, %get3A_597, %get3A_598] {strides = array<i32>} : memref<2x64x512xf32, #tpu.memory_space<vmem>>, vector<16xf32>,
      %bitcast3A_600 = vector.bitcast %get3A_599 : vector<16xf32> to vector<16xi32>
      %get3A_601 = arith.constant 0 : i32
      %get3A_602 = arith.constant 47 : i32
      %get3A_603 = arith.index_cast %get3A_601 : i32 to index
      %get3A_604 = arith.index_cast %get3A_602 : i32 to index
      %get3A_605 = arith.index_cast %mul3A_173 : i32 to index
      %get3A_606 = tpu.vector_load %arg11[%get3A_603, %get3A_604, %get3A_605] {strides = array<i32>} : memref<2x64x512xf32, #tpu.memory_space<vmem>>, vector<16xf32>,
      %bitcast3A_607 = vector.bitcast %get3A_606 : vector<16xf32> to vector<16xi32>
      %shift_right_logical3A_608 = arith.constant 16 : i32
      %shift_right_logical3A_609 = vector.broadcast %shift_right_logical3A_608 : i32 to vector<16xi32>
      %shift_right_logical3A_610 = arith.shrui %bitcast3A_600, %shift_right_logical3A_609 : vector<16xi32>
      %and3A_611 = arith.constant 32768 : i32
      %and3A_612 = vector.broadcast %and3A_611 : i32 to vector<16xi32>
      %and3A_613 = arith.andi %shift_right_logical3A_610, %and3A_612 : vector<16xi32>
      %or3A_614 = arith.ori %or3A_586, %and3A_613 : vector<16xi32>
      %shift_right_logical3A_615 = arith.constant 16 : i32
      %shift_right_logical3A_616 = vector.broadcast %shift_right_logical3A_615 : i32 to vector<16xi32>
      %shift_right_logical3A_617 = arith.shrui %bitcast3A_607, %shift_right_logical3A_616 : vector<16xi32>
      %and3A_618 = arith.constant 32768 : i32
      %and3A_619 = vector.broadcast %and3A_618 : i32 to vector<16xi32>
      %and3A_620 = arith.andi %shift_right_logical3A_617, %and3A_619 : vector<16xi32>
      %or3A_621 = arith.ori %or3A_593, %and3A_620 : vector<16xi32>
      %get3A_622 = arith.constant 0 : i32
      %get3A_623 = arith.constant 16 : i32
      %get3A_624 = arith.index_cast %get3A_622 : i32 to index
      %get3A_625 = arith.index_cast %get3A_623 : i32 to index
      %get3A_626 = arith.index_cast %mul3A_173 : i32 to index
      %get3A_627 = tpu.vector_load %arg11[%get3A_624, %get3A_625, %get3A_626] {strides = array<i32>} : memref<2x64x512xf32, #tpu.memory_space<vmem>>, vector<16xf32>,
      %bitcast3A_628 = vector.bitcast %get3A_627 : vector<16xf32> to vector<16xi32>
      %get3A_629 = arith.constant 0 : i32
      %get3A_630 = arith.constant 48 : i32
      %get3A_631 = arith.index_cast %get3A_629 : i32 to index
      %get3A_632 = arith.index_cast %get3A_630 : i32 to index
      %get3A_633 = arith.index_cast %mul3A_173 : i32 to index
      %get3A_634 = tpu.vector_load %arg11[%get3A_631, %get3A_632, %get3A_633] {strides = array<i32>} : memref<2x64x512xf32, #tpu.memory_space<vmem>>, vector<16xf32>,
      %bitcast3A_635 = vector.bitcast %get3A_634 : vector<16xf32> to vector<16xi32>
      %shift_right_logical3A_636 = arith.constant 15 : i32
      %shift_right_logical3A_637 = vector.broadcast %shift_right_logical3A_636 : i32 to vector<16xi32>
      %shift_right_logical3A_638 = arith.shrui %bitcast3A_628, %shift_right_logical3A_637 : vector<16xi32>
      %and3A_639 = arith.constant 65536 : i32
      %and3A_640 = vector.broadcast %and3A_639 : i32 to vector<16xi32>
      %and3A_641 = arith.andi %shift_right_logical3A_638, %and3A_640 : vector<16xi32>
      %or3A_642 = arith.ori %or3A_614, %and3A_641 : vector<16xi32>
      %shift_right_logical3A_643 = arith.constant 15 : i32
      %shift_right_logical3A_644 = vector.broadcast %shift_right_logical3A_643 : i32 to vector<16xi32>
      %shift_right_logical3A_645 = arith.shrui %bitcast3A_635, %shift_right_logical3A_644 : vector<16xi32>
      %and3A_646 = arith.constant 65536 : i32
      %and3A_647 = vector.broadcast %and3A_646 : i32 to vector<16xi32>
      %and3A_648 = arith.andi %shift_right_logical3A_645, %and3A_647 : vector<16xi32>
      %or3A_649 = arith.ori %or3A_621, %and3A_648 : vector<16xi32>
      %get3A_650 = arith.constant 0 : i32
      %get3A_651 = arith.constant 17 : i32
      %get3A_652 = arith.index_cast %get3A_650 : i32 to index
      %get3A_653 = arith.index_cast %get3A_651 : i32 to index
      %get3A_654 = arith.index_cast %mul3A_173 : i32 to index
      %get3A_655 = tpu.vector_load %arg11[%get3A_652, %get3A_653, %get3A_654] {strides = array<i32>} : memref<2x64x512xf32, #tpu.memory_space<vmem>>, vector<16xf32>,
      %bitcast3A_656 = vector.bitcast %get3A_655 : vector<16xf32> to vector<16xi32>
      %get3A_657 = arith.constant 0 : i32
      %get3A_658 = arith.constant 49 : i32
      %get3A_659 = arith.index_cast %get3A_657 : i32 to index
      %get3A_660 = arith.index_cast %get3A_658 : i32 to index
      %get3A_661 = arith.index_cast %mul3A_173 : i32 to index
      %get3A_662 = tpu.vector_load %arg11[%get3A_659, %get3A_660, %get3A_661] {strides = array<i32>} : memref<2x64x512xf32, #tpu.memory_space<vmem>>, vector<16xf32>,
      %bitcast3A_663 = vector.bitcast %get3A_662 : vector<16xf32> to vector<16xi32>
      %shift_right_logical3A_664 = arith.constant 14 : i32
      %shift_right_logical3A_665 = vector.broadcast %shift_right_logical3A_664 : i32 to vector<16xi32>
      %shift_right_logical3A_666 = arith.shrui %bitcast3A_656, %shift_right_logical3A_665 : vector<16xi32>
      %and3A_667 = arith.constant 131072 : i32
      %and3A_668 = vector.broadcast %and3A_667 : i32 to vector<16xi32>
      %and3A_669 = arith.andi %shift_right_logical3A_666, %and3A_668 : vector<16xi32>
      %or3A_670 = arith.ori %or3A_642, %and3A_669 : vector<16xi32>
      %shift_right_logical3A_671 = arith.constant 14 : i32
      %shift_right_logical3A_672 = vector.broadcast %shift_right_logical3A_671 : i32 to vector<16xi32>
      %shift_right_logical3A_673 = arith.shrui %bitcast3A_663, %shift_right_logical3A_672 : vector<16xi32>
      %and3A_674 = arith.constant 131072 : i32
      %and3A_675 = vector.broadcast %and3A_674 : i32 to vector<16xi32>
      %and3A_676 = arith.andi %shift_right_logical3A_673, %and3A_675 : vector<16xi32>
      %or3A_677 = arith.ori %or3A_649, %and3A_676 : vector<16xi32>
      %get3A_678 = arith.constant 0 : i32
      %get3A_679 = arith.constant 18 : i32
      %get3A_680 = arith.index_cast %get3A_678 : i32 to index
      %get3A_681 = arith.index_cast %get3A_679 : i32 to index
      %get3A_682 = arith.index_cast %mul3A_173 : i32 to index
      %get3A_683 = tpu.vector_load %arg11[%get3A_680, %get3A_681, %get3A_682] {strides = array<i32>} : memref<2x64x512xf32, #tpu.memory_space<vmem>>, vector<16xf32>,
      %bitcast3A_684 = vector.bitcast %get3A_683 : vector<16xf32> to vector<16xi32>
      %get3A_685 = arith.constant 0 : i32
      %get3A_686 = arith.constant 50 : i32
      %get3A_687 = arith.index_cast %get3A_685 : i32 to index
      %get3A_688 = arith.index_cast %get3A_686 : i32 to index
      %get3A_689 = arith.index_cast %mul3A_173 : i32 to index
      %get3A_690 = tpu.vector_load %arg11[%get3A_687, %get3A_688, %get3A_689] {strides = array<i32>} : memref<2x64x512xf32, #tpu.memory_space<vmem>>, vector<16xf32>,
      %bitcast3A_691 = vector.bitcast %get3A_690 : vector<16xf32> to vector<16xi32>
      %shift_right_logical3A_692 = arith.constant 13 : i32
      %shift_right_logical3A_693 = vector.broadcast %shift_right_logical3A_692 : i32 to vector<16xi32>
      %shift_right_logical3A_694 = arith.shrui %bitcast3A_684, %shift_right_logical3A_693 : vector<16xi32>
      %and3A_695 = arith.constant 262144 : i32
      %and3A_696 = vector.broadcast %and3A_695 : i32 to vector<16xi32>
      %and3A_697 = arith.andi %shift_right_logical3A_694, %and3A_696 : vector<16xi32>
      %or3A_698 = arith.ori %or3A_670, %and3A_697 : vector<16xi32>
      %shift_right_logical3A_699 = arith.constant 13 : i32
      %shift_right_logical3A_700 = vector.broadcast %shift_right_logical3A_699 : i32 to vector<16xi32>
      %shift_right_logical3A_701 = arith.shrui %bitcast3A_691, %shift_right_logical3A_700 : vector<16xi32>
      %and3A_702 = arith.constant 262144 : i32
      %and3A_703 = vector.broadcast %and3A_702 : i32 to vector<16xi32>
      %and3A_704 = arith.andi %shift_right_logical3A_701, %and3A_703 : vector<16xi32>
      %or3A_705 = arith.ori %or3A_677, %and3A_704 : vector<16xi32>
      %get3A_706 = arith.constant 0 : i32
      %get3A_707 = arith.constant 19 : i32
      %get3A_708 = arith.index_cast %get3A_706 : i32 to index
      %get3A_709 = arith.index_cast %get3A_707 : i32 to index
      %get3A_710 = arith.index_cast %mul3A_173 : i32 to index
      %get3A_711 = tpu.vector_load %arg11[%get3A_708, %get3A_709, %get3A_710] {strides = array<i32>} : memref<2x64x512xf32, #tpu.memory_space<vmem>>, vector<16xf32>,
      %bitcast3A_712 = vector.bitcast %get3A_711 : vector<16xf32> to vector<16xi32>
      %get3A_713 = arith.constant 0 : i32
      %get3A_714 = arith.constant 51 : i32
      %get3A_715 = arith.index_cast %get3A_713 : i32 to index
      %get3A_716 = arith.index_cast %get3A_714 : i32 to index
      %get3A_717 = arith.index_cast %mul3A_173 : i32 to index
      %get3A_718 = tpu.vector_load %arg11[%get3A_715, %get3A_716, %get3A_717] {strides = array<i32>} : memref<2x64x512xf32, #tpu.memory_space<vmem>>, vector<16xf32>,
      %bitcast3A_719 = vector.bitcast %get3A_718 : vector<16xf32> to vector<16xi32>
      %shift_right_logical3A_720 = arith.constant 12 : i32
      %shift_right_logical3A_721 = vector.broadcast %shift_right_logical3A_720 : i32 to vector<16xi32>
      %shift_right_logical3A_722 = arith.shrui %bitcast3A_712, %shift_right_logical3A_721 : vector<16xi32>
      %and3A_723 = arith.constant 524288 : i32
      %and3A_724 = vector.broadcast %and3A_723 : i32 to vector<16xi32>
      %and3A_725 = arith.andi %shift_right_logical3A_722, %and3A_724 : vector<16xi32>
      %or3A_726 = arith.ori %or3A_698, %and3A_725 : vector<16xi32>
      %shift_right_logical3A_727 = arith.constant 12 : i32
      %shift_right_logical3A_728 = vector.broadcast %shift_right_logical3A_727 : i32 to vector<16xi32>
      %shift_right_logical3A_729 = arith.shrui %bitcast3A_719, %shift_right_logical3A_728 : vector<16xi32>
      %and3A_730 = arith.constant 524288 : i32
      %and3A_731 = vector.broadcast %and3A_730 : i32 to vector<16xi32>
      %and3A_732 = arith.andi %shift_right_logical3A_729, %and3A_731 : vector<16xi32>
      %or3A_733 = arith.ori %or3A_705, %and3A_732 : vector<16xi32>
      %get3A_734 = arith.constant 0 : i32
      %get3A_735 = arith.constant 20 : i32
      %get3A_736 = arith.index_cast %get3A_734 : i32 to index
      %get3A_737 = arith.index_cast %get3A_735 : i32 to index
      %get3A_738 = arith.index_cast %mul3A_173 : i32 to index
      %get3A_739 = tpu.vector_load %arg11[%get3A_736, %get3A_737, %get3A_738] {strides = array<i32>} : memref<2x64x512xf32, #tpu.memory_space<vmem>>, vector<16xf32>,
      %bitcast3A_740 = vector.bitcast %get3A_739 : vector<16xf32> to vector<16xi32>
      %get3A_741 = arith.constant 0 : i32
      %get3A_742 = arith.constant 52 : i32
      %get3A_743 = arith.index_cast %get3A_741 : i32 to index
      %get3A_744 = arith.index_cast %get3A_742 : i32 to index
      %get3A_745 = arith.index_cast %mul3A_173 : i32 to index
      %get3A_746 = tpu.vector_load %arg11[%get3A_743, %get3A_744, %get3A_745] {strides = array<i32>} : memref<2x64x512xf32, #tpu.memory_space<vmem>>, vector<16xf32>,
      %bitcast3A_747 = vector.bitcast %get3A_746 : vector<16xf32> to vector<16xi32>
      %shift_right_logical3A_748 = arith.constant 11 : i32
      %shift_right_logical3A_749 = vector.broadcast %shift_right_logical3A_748 : i32 to vector<16xi32>
      %shift_right_logical3A_750 = arith.shrui %bitcast3A_740, %shift_right_logical3A_749 : vector<16xi32>
      %and3A_751 = arith.constant 1048576 : i32
      %and3A_752 = vector.broadcast %and3A_751 : i32 to vector<16xi32>
      %and3A_753 = arith.andi %shift_right_logical3A_750, %and3A_752 : vector<16xi32>
      %or3A_754 = arith.ori %or3A_726, %and3A_753 : vector<16xi32>
      %shift_right_logical3A_755 = arith.constant 11 : i32
      %shift_right_logical3A_756 = vector.broadcast %shift_right_logical3A_755 : i32 to vector<16xi32>
      %shift_right_logical3A_757 = arith.shrui %bitcast3A_747, %shift_right_logical3A_756 : vector<16xi32>
      %and3A_758 = arith.constant 1048576 : i32
      %and3A_759 = vector.broadcast %and3A_758 : i32 to vector<16xi32>
      %and3A_760 = arith.andi %shift_right_logical3A_757, %and3A_759 : vector<16xi32>
      %or3A_761 = arith.ori %or3A_733, %and3A_760 : vector<16xi32>
      %get3A_762 = arith.constant 0 : i32
      %get3A_763 = arith.constant 21 : i32
      %get3A_764 = arith.index_cast %get3A_762 : i32 to index
      %get3A_765 = arith.index_cast %get3A_763 : i32 to index
      %get3A_766 = arith.index_cast %mul3A_173 : i32 to index
      %get3A_767 = tpu.vector_load %arg11[%get3A_764, %get3A_765, %get3A_766] {strides = array<i32>} : memref<2x64x512xf32, #tpu.memory_space<vmem>>, vector<16xf32>,
      %bitcast3A_768 = vector.bitcast %get3A_767 : vector<16xf32> to vector<16xi32>
      %get3A_769 = arith.constant 0 : i32
      %get3A_770 = arith.constant 53 : i32
      %get3A_771 = arith.index_cast %get3A_769 : i32 to index
      %get3A_772 = arith.index_cast %get3A_770 : i32 to index
      %get3A_773 = arith.index_cast %mul3A_173 : i32 to index
      %get3A_774 = tpu.vector_load %arg11[%get3A_771, %get3A_772, %get3A_773] {strides = array<i32>} : memref<2x64x512xf32, #tpu.memory_space<vmem>>, vector<16xf32>,
      %bitcast3A_775 = vector.bitcast %get3A_774 : vector<16xf32> to vector<16xi32>
      %shift_right_logical3A_776 = arith.constant 10 : i32
      %shift_right_logical3A_777 = vector.broadcast %shift_right_logical3A_776 : i32 to vector<16xi32>
      %shift_right_logical3A_778 = arith.shrui %bitcast3A_768, %shift_right_logical3A_777 : vector<16xi32>
      %and3A_779 = arith.constant 2097152 : i32
      %and3A_780 = vector.broadcast %and3A_779 : i32 to vector<16xi32>
      %and3A_781 = arith.andi %shift_right_logical3A_778, %and3A_780 : vector<16xi32>
      %or3A_782 = arith.ori %or3A_754, %and3A_781 : vector<16xi32>
      %shift_right_logical3A_783 = arith.constant 10 : i32
      %shift_right_logical3A_784 = vector.broadcast %shift_right_logical3A_783 : i32 to vector<16xi32>
      %shift_right_logical3A_785 = arith.shrui %bitcast3A_775, %shift_right_logical3A_784 : vector<16xi32>
      %and3A_786 = arith.constant 2097152 : i32
      %and3A_787 = vector.broadcast %and3A_786 : i32 to vector<16xi32>
      %and3A_788 = arith.andi %shift_right_logical3A_785, %and3A_787 : vector<16xi32>
      %or3A_789 = arith.ori %or3A_761, %and3A_788 : vector<16xi32>
      %get3A_790 = arith.constant 0 : i32
      %get3A_791 = arith.constant 22 : i32
      %get3A_792 = arith.index_cast %get3A_790 : i32 to index
      %get3A_793 = arith.index_cast %get3A_791 : i32 to index
      %get3A_794 = arith.index_cast %mul3A_173 : i32 to index
      %get3A_795 = tpu.vector_load %arg11[%get3A_792, %get3A_793, %get3A_794] {strides = array<i32>} : memref<2x64x512xf32, #tpu.memory_space<vmem>>, vector<16xf32>,
      %bitcast3A_796 = vector.bitcast %get3A_795 : vector<16xf32> to vector<16xi32>
      %get3A_797 = arith.constant 0 : i32
      %get3A_798 = arith.constant 54 : i32
      %get3A_799 = arith.index_cast %get3A_797 : i32 to index
      %get3A_800 = arith.index_cast %get3A_798 : i32 to index
      %get3A_801 = arith.index_cast %mul3A_173 : i32 to index
      %get3A_802 = tpu.vector_load %arg11[%get3A_799, %get3A_800, %get3A_801] {strides = array<i32>} : memref<2x64x512xf32, #tpu.memory_space<vmem>>, vector<16xf32>,
      %bitcast3A_803 = vector.bitcast %get3A_802 : vector<16xf32> to vector<16xi32>
      %shift_right_logical3A_804 = arith.constant 9 : i32
      %shift_right_logical3A_805 = vector.broadcast %shift_right_logical3A_804 : i32 to vector<16xi32>
      %shift_right_logical3A_806 = arith.shrui %bitcast3A_796, %shift_right_logical3A_805 : vector<16xi32>
      %and3A_807 = arith.constant 4194304 : i32
      %and3A_808 = vector.broadcast %and3A_807 : i32 to vector<16xi32>
      %and3A_809 = arith.andi %shift_right_logical3A_806, %and3A_808 : vector<16xi32>
      %or3A_810 = arith.ori %or3A_782, %and3A_809 : vector<16xi32>
      %shift_right_logical3A_811 = arith.constant 9 : i32
      %shift_right_logical3A_812 = vector.broadcast %shift_right_logical3A_811 : i32 to vector<16xi32>
      %shift_right_logical3A_813 = arith.shrui %bitcast3A_803, %shift_right_logical3A_812 : vector<16xi32>
      %and3A_814 = arith.constant 4194304 : i32
      %and3A_815 = vector.broadcast %and3A_814 : i32 to vector<16xi32>
      %and3A_816 = arith.andi %shift_right_logical3A_813, %and3A_815 : vector<16xi32>
      %or3A_817 = arith.ori %or3A_789, %and3A_816 : vector<16xi32>
      %get3A_818 = arith.constant 0 : i32
      %get3A_819 = arith.constant 23 : i32
      %get3A_820 = arith.index_cast %get3A_818 : i32 to index
      %get3A_821 = arith.index_cast %get3A_819 : i32 to index
      %get3A_822 = arith.index_cast %mul3A_173 : i32 to index
      %get3A_823 = tpu.vector_load %arg11[%get3A_820, %get3A_821, %get3A_822] {strides = array<i32>} : memref<2x64x512xf32, #tpu.memory_space<vmem>>, vector<16xf32>,
      %bitcast3A_824 = vector.bitcast %get3A_823 : vector<16xf32> to vector<16xi32>
      %get3A_825 = arith.constant 0 : i32
      %get3A_826 = arith.constant 55 : i32
      %get3A_827 = arith.index_cast %get3A_825 : i32 to index
      %get3A_828 = arith.index_cast %get3A_826 : i32 to index
      %get3A_829 = arith.index_cast %mul3A_173 : i32 to index
      %get3A_830 = tpu.vector_load %arg11[%get3A_827, %get3A_828, %get3A_829] {strides = array<i32>} : memref<2x64x512xf32, #tpu.memory_space<vmem>>, vector<16xf32>,
      %bitcast3A_831 = vector.bitcast %get3A_830 : vector<16xf32> to vector<16xi32>
      %shift_right_logical3A_832 = arith.constant 8 : i32
      %shift_right_logical3A_833 = vector.broadcast %shift_right_logical3A_832 : i32 to vector<16xi32>
      %shift_right_logical3A_834 = arith.shrui %bitcast3A_824, %shift_right_logical3A_833 : vector<16xi32>
      %and3A_835 = arith.constant 8388608 : i32
      %and3A_836 = vector.broadcast %and3A_835 : i32 to vector<16xi32>
      %and3A_837 = arith.andi %shift_right_logical3A_834, %and3A_836 : vector<16xi32>
      %or3A_838 = arith.ori %or3A_810, %and3A_837 : vector<16xi32>
      %shift_right_logical3A_839 = arith.constant 8 : i32
      %shift_right_logical3A_840 = vector.broadcast %shift_right_logical3A_839 : i32 to vector<16xi32>
      %shift_right_logical3A_841 = arith.shrui %bitcast3A_831, %shift_right_logical3A_840 : vector<16xi32>
      %and3A_842 = arith.constant 8388608 : i32
      %and3A_843 = vector.broadcast %and3A_842 : i32 to vector<16xi32>
      %and3A_844 = arith.andi %shift_right_logical3A_841, %and3A_843 : vector<16xi32>
      %or3A_845 = arith.ori %or3A_817, %and3A_844 : vector<16xi32>
      %get3A_846 = arith.constant 0 : i32
      %get3A_847 = arith.constant 24 : i32
      %get3A_848 = arith.index_cast %get3A_846 : i32 to index
      %get3A_849 = arith.index_cast %get3A_847 : i32 to index
      %get3A_850 = arith.index_cast %mul3A_173 : i32 to index
      %get3A_851 = tpu.vector_load %arg11[%get3A_848, %get3A_849, %get3A_850] {strides = array<i32>} : memref<2x64x512xf32, #tpu.memory_space<vmem>>, vector<16xf32>,
      %bitcast3A_852 = vector.bitcast %get3A_851 : vector<16xf32> to vector<16xi32>
      %get3A_853 = arith.constant 0 : i32
      %get3A_854 = arith.constant 56 : i32
      %get3A_855 = arith.index_cast %get3A_853 : i32 to index
      %get3A_856 = arith.index_cast %get3A_854 : i32 to index
      %get3A_857 = arith.index_cast %mul3A_173 : i32 to index
      %get3A_858 = tpu.vector_load %arg11[%get3A_855, %get3A_856, %get3A_857] {strides = array<i32>} : memref<2x64x512xf32, #tpu.memory_space<vmem>>, vector<16xf32>,
      %bitcast3A_859 = vector.bitcast %get3A_858 : vector<16xf32> to vector<16xi32>
      %shift_right_logical3A_860 = arith.constant 7 : i32
      %shift_right_logical3A_861 = vector.broadcast %shift_right_logical3A_860 : i32 to vector<16xi32>
      %shift_right_logical3A_862 = arith.shrui %bitcast3A_852, %shift_right_logical3A_861 : vector<16xi32>
      %and3A_863 = arith.constant 16777216 : i32
      %and3A_864 = vector.broadcast %and3A_863 : i32 to vector<16xi32>
      %and3A_865 = arith.andi %shift_right_logical3A_862, %and3A_864 : vector<16xi32>
      %or3A_866 = arith.ori %or3A_838, %and3A_865 : vector<16xi32>
      %shift_right_logical3A_867 = arith.constant 7 : i32
      %shift_right_logical3A_868 = vector.broadcast %shift_right_logical3A_867 : i32 to vector<16xi32>
      %shift_right_logical3A_869 = arith.shrui %bitcast3A_859, %shift_right_logical3A_868 : vector<16xi32>
      %and3A_870 = arith.constant 16777216 : i32
      %and3A_871 = vector.broadcast %and3A_870 : i32 to vector<16xi32>
      %and3A_872 = arith.andi %shift_right_logical3A_869, %and3A_871 : vector<16xi32>
      %or3A_873 = arith.ori %or3A_845, %and3A_872 : vector<16xi32>
      %get3A_874 = arith.constant 0 : i32
      %get3A_875 = arith.constant 25 : i32
      %get3A_876 = arith.index_cast %get3A_874 : i32 to index
      %get3A_877 = arith.index_cast %get3A_875 : i32 to index
      %get3A_878 = arith.index_cast %mul3A_173 : i32 to index
      %get3A_879 = tpu.vector_load %arg11[%get3A_876, %get3A_877, %get3A_878] {strides = array<i32>} : memref<2x64x512xf32, #tpu.memory_space<vmem>>, vector<16xf32>,
      %bitcast3A_880 = vector.bitcast %get3A_879 : vector<16xf32> to vector<16xi32>
      %get3A_881 = arith.constant 0 : i32
      %get3A_882 = arith.constant 57 : i32
      %get3A_883 = arith.index_cast %get3A_881 : i32 to index
      %get3A_884 = arith.index_cast %get3A_882 : i32 to index
      %get3A_885 = arith.index_cast %mul3A_173 : i32 to index
      %get3A_886 = tpu.vector_load %arg11[%get3A_883, %get3A_884, %get3A_885] {strides = array<i32>} : memref<2x64x512xf32, #tpu.memory_space<vmem>>, vector<16xf32>,
      %bitcast3A_887 = vector.bitcast %get3A_886 : vector<16xf32> to vector<16xi32>
      %shift_right_logical3A_888 = arith.constant 6 : i32
      %shift_right_logical3A_889 = vector.broadcast %shift_right_logical3A_888 : i32 to vector<16xi32>
      %shift_right_logical3A_890 = arith.shrui %bitcast3A_880, %shift_right_logical3A_889 : vector<16xi32>
      %and3A_891 = arith.constant 33554432 : i32
      %and3A_892 = vector.broadcast %and3A_891 : i32 to vector<16xi32>
      %and3A_893 = arith.andi %shift_right_logical3A_890, %and3A_892 : vector<16xi32>
      %or3A_894 = arith.ori %or3A_866, %and3A_893 : vector<16xi32>
      %shift_right_logical3A_895 = arith.constant 6 : i32
      %shift_right_logical3A_896 = vector.broadcast %shift_right_logical3A_895 : i32 to vector<16xi32>
      %shift_right_logical3A_897 = arith.shrui %bitcast3A_887, %shift_right_logical3A_896 : vector<16xi32>
      %and3A_898 = arith.constant 33554432 : i32
      %and3A_899 = vector.broadcast %and3A_898 : i32 to vector<16xi32>
      %and3A_900 = arith.andi %shift_right_logical3A_897, %and3A_899 : vector<16xi32>
      %or3A_901 = arith.ori %or3A_873, %and3A_900 : vector<16xi32>
      %get3A_902 = arith.constant 0 : i32
      %get3A_903 = arith.constant 26 : i32
      %get3A_904 = arith.index_cast %get3A_902 : i32 to index
      %get3A_905 = arith.index_cast %get3A_903 : i32 to index
      %get3A_906 = arith.index_cast %mul3A_173 : i32 to index
      %get3A_907 = tpu.vector_load %arg11[%get3A_904, %get3A_905, %get3A_906] {strides = array<i32>} : memref<2x64x512xf32, #tpu.memory_space<vmem>>, vector<16xf32>,
      %bitcast3A_908 = vector.bitcast %get3A_907 : vector<16xf32> to vector<16xi32>
      %get3A_909 = arith.constant 0 : i32
      %get3A_910 = arith.constant 58 : i32
      %get3A_911 = arith.index_cast %get3A_909 : i32 to index
      %get3A_912 = arith.index_cast %get3A_910 : i32 to index
      %get3A_913 = arith.index_cast %mul3A_173 : i32 to index
      %get3A_914 = tpu.vector_load %arg11[%get3A_911, %get3A_912, %get3A_913] {strides = array<i32>} : memref<2x64x512xf32, #tpu.memory_space<vmem>>, vector<16xf32>,
      %bitcast3A_915 = vector.bitcast %get3A_914 : vector<16xf32> to vector<16xi32>
      %shift_right_logical3A_916 = arith.constant 5 : i32
      %shift_right_logical3A_917 = vector.broadcast %shift_right_logical3A_916 : i32 to vector<16xi32>
      %shift_right_logical3A_918 = arith.shrui %bitcast3A_908, %shift_right_logical3A_917 : vector<16xi32>
      %and3A_919 = arith.constant 67108864 : i32
      %and3A_920 = vector.broadcast %and3A_919 : i32 to vector<16xi32>
      %and3A_921 = arith.andi %shift_right_logical3A_918, %and3A_920 : vector<16xi32>
      %or3A_922 = arith.ori %or3A_894, %and3A_921 : vector<16xi32>
      %shift_right_logical3A_923 = arith.constant 5 : i32
      %shift_right_logical3A_924 = vector.broadcast %shift_right_logical3A_923 : i32 to vector<16xi32>
      %shift_right_logical3A_925 = arith.shrui %bitcast3A_915, %shift_right_logical3A_924 : vector<16xi32>
      %and3A_926 = arith.constant 67108864 : i32
      %and3A_927 = vector.broadcast %and3A_926 : i32 to vector<16xi32>
      %and3A_928 = arith.andi %shift_right_logical3A_925, %and3A_927 : vector<16xi32>
      %or3A_929 = arith.ori %or3A_901, %and3A_928 : vector<16xi32>
      %get3A_930 = arith.constant 0 : i32
      %get3A_931 = arith.constant 27 : i32
      %get3A_932 = arith.index_cast %get3A_930 : i32 to index
      %get3A_933 = arith.index_cast %get3A_931 : i32 to index
      %get3A_934 = arith.index_cast %mul3A_173 : i32 to index
      %get3A_935 = tpu.vector_load %arg11[%get3A_932, %get3A_933, %get3A_934] {strides = array<i32>} : memref<2x64x512xf32, #tpu.memory_space<vmem>>, vector<16xf32>,
      %bitcast3A_936 = vector.bitcast %get3A_935 : vector<16xf32> to vector<16xi32>
      %get3A_937 = arith.constant 0 : i32
      %get3A_938 = arith.constant 59 : i32
      %get3A_939 = arith.index_cast %get3A_937 : i32 to index
      %get3A_940 = arith.index_cast %get3A_938 : i32 to index
      %get3A_941 = arith.index_cast %mul3A_173 : i32 to index
      %get3A_942 = tpu.vector_load %arg11[%get3A_939, %get3A_940, %get3A_941] {strides = array<i32>} : memref<2x64x512xf32, #tpu.memory_space<vmem>>, vector<16xf32>,
      %bitcast3A_943 = vector.bitcast %get3A_942 : vector<16xf32> to vector<16xi32>
      %shift_right_logical3A_944 = arith.constant 4 : i32
      %shift_right_logical3A_945 = vector.broadcast %shift_right_logical3A_944 : i32 to vector<16xi32>
      %shift_right_logical3A_946 = arith.shrui %bitcast3A_936, %shift_right_logical3A_945 : vector<16xi32>
      %and3A_947 = arith.constant 134217728 : i32
      %and3A_948 = vector.broadcast %and3A_947 : i32 to vector<16xi32>
      %and3A_949 = arith.andi %shift_right_logical3A_946, %and3A_948 : vector<16xi32>
      %or3A_950 = arith.ori %or3A_922, %and3A_949 : vector<16xi32>
      %shift_right_logical3A_951 = arith.constant 4 : i32
      %shift_right_logical3A_952 = vector.broadcast %shift_right_logical3A_951 : i32 to vector<16xi32>
      %shift_right_logical3A_953 = arith.shrui %bitcast3A_943, %shift_right_logical3A_952 : vector<16xi32>
      %and3A_954 = arith.constant 134217728 : i32
      %and3A_955 = vector.broadcast %and3A_954 : i32 to vector<16xi32>
      %and3A_956 = arith.andi %shift_right_logical3A_953, %and3A_955 : vector<16xi32>
      %or3A_957 = arith.ori %or3A_929, %and3A_956 : vector<16xi32>
      %get3A_958 = arith.constant 0 : i32
      %get3A_959 = arith.constant 28 : i32
      %get3A_960 = arith.index_cast %get3A_958 : i32 to index
      %get3A_961 = arith.index_cast %get3A_959 : i32 to index
      %get3A_962 = arith.index_cast %mul3A_173 : i32 to index
      %get3A_963 = tpu.vector_load %arg11[%get3A_960, %get3A_961, %get3A_962] {strides = array<i32>} : memref<2x64x512xf32, #tpu.memory_space<vmem>>, vector<16xf32>,
      %bitcast3A_964 = vector.bitcast %get3A_963 : vector<16xf32> to vector<16xi32>
      %get3A_965 = arith.constant 0 : i32
      %get3A_966 = arith.constant 60 : i32
      %get3A_967 = arith.index_cast %get3A_965 : i32 to index
      %get3A_968 = arith.index_cast %get3A_966 : i32 to index
      %get3A_969 = arith.index_cast %mul3A_173 : i32 to index
      %get3A_970 = tpu.vector_load %arg11[%get3A_967, %get3A_968, %get3A_969] {strides = array<i32>} : memref<2x64x512xf32, #tpu.memory_space<vmem>>, vector<16xf32>,
      %bitcast3A_971 = vector.bitcast %get3A_970 : vector<16xf32> to vector<16xi32>
      %shift_right_logical3A_972 = arith.constant 3 : i32
      %shift_right_logical3A_973 = vector.broadcast %shift_right_logical3A_972 : i32 to vector<16xi32>
      %shift_right_logical3A_974 = arith.shrui %bitcast3A_964, %shift_right_logical3A_973 : vector<16xi32>
      %and3A_975 = arith.constant 268435456 : i32
      %and3A_976 = vector.broadcast %and3A_975 : i32 to vector<16xi32>
      %and3A_977 = arith.andi %shift_right_logical3A_974, %and3A_976 : vector<16xi32>
      %or3A_978 = arith.ori %or3A_950, %and3A_977 : vector<16xi32>
      %shift_right_logical3A_979 = arith.constant 3 : i32
      %shift_right_logical3A_980 = vector.broadcast %shift_right_logical3A_979 : i32 to vector<16xi32>
      %shift_right_logical3A_981 = arith.shrui %bitcast3A_971, %shift_right_logical3A_980 : vector<16xi32>
      %and3A_982 = arith.constant 268435456 : i32
      %and3A_983 = vector.broadcast %and3A_982 : i32 to vector<16xi32>
      %and3A_984 = arith.andi %shift_right_logical3A_981, %and3A_983 : vector<16xi32>
      %or3A_985 = arith.ori %or3A_957, %and3A_984 : vector<16xi32>
      %get3A_986 = arith.constant 0 : i32
      %get3A_987 = arith.constant 29 : i32
      %get3A_988 = arith.index_cast %get3A_986 : i32 to index
      %get3A_989 = arith.index_cast %get3A_987 : i32 to index
      %get3A_990 = arith.index_cast %mul3A_173 : i32 to index
      %get3A_991 = tpu.vector_load %arg11[%get3A_988, %get3A_989, %get3A_990] {strides = array<i32>} : memref<2x64x512xf32, #tpu.memory_space<vmem>>, vector<16xf32>,
      %bitcast3A_992 = vector.bitcast %get3A_991 : vector<16xf32> to vector<16xi32>
      %get3A_993 = arith.constant 0 : i32
      %get3A_994 = arith.constant 61 : i32
      %get3A_995 = arith.index_cast %get3A_993 : i32 to index
      %get3A_996 = arith.index_cast %get3A_994 : i32 to index
      %get3A_997 = arith.index_cast %mul3A_173 : i32 to index
      %get3A_998 = tpu.vector_load %arg11[%get3A_995, %get3A_996, %get3A_997] {strides = array<i32>} : memref<2x64x512xf32, #tpu.memory_space<vmem>>, vector<16xf32>,
      %bitcast3A_999 = vector.bitcast %get3A_998 : vector<16xf32> to vector<16xi32>
      %shift_right_logical3A_1000 = arith.constant 2 : i32
      %shift_right_logical3A_1001 = vector.broadcast %shift_right_logical3A_1000 : i32 to vector<16xi32>
      %shift_right_logical3A_1002 = arith.shrui %bitcast3A_992, %shift_right_logical3A_1001 : vector<16xi32>
      %and3A_1003 = arith.constant 536870912 : i32
      %and3A_1004 = vector.broadcast %and3A_1003 : i32 to vector<16xi32>
      %and3A_1005 = arith.andi %shift_right_logical3A_1002, %and3A_1004 : vector<16xi32>
      %or3A_1006 = arith.ori %or3A_978, %and3A_1005 : vector<16xi32>
      %shift_right_logical3A_1007 = arith.constant 2 : i32
      %shift_right_logical3A_1008 = vector.broadcast %shift_right_logical3A_1007 : i32 to vector<16xi32>
      %shift_right_logical3A_1009 = arith.shrui %bitcast3A_999, %shift_right_logical3A_1008 : vector<16xi32>
      %and3A_1010 = arith.constant 536870912 : i32
      %and3A_1011 = vector.broadcast %and3A_1010 : i32 to vector<16xi32>
      %and3A_1012 = arith.andi %shift_right_logical3A_1009, %and3A_1011 : vector<16xi32>
      %or3A_1013 = arith.ori %or3A_985, %and3A_1012 : vector<16xi32>
      %get3A_1014 = arith.constant 0 : i32
      %get3A_1015 = arith.constant 30 : i32
      %get3A_1016 = arith.index_cast %get3A_1014 : i32 to index
      %get3A_1017 = arith.index_cast %get3A_1015 : i32 to index
      %get3A_1018 = arith.index_cast %mul3A_173 : i32 to index
      %get3A_1019 = tpu.vector_load %arg11[%get3A_1016, %get3A_1017, %get3A_1018] {strides = array<i32>} : memref<2x64x512xf32, #tpu.memory_space<vmem>>, vector<16xf32>,
      %bitcast3A_1020 = vector.bitcast %get3A_1019 : vector<16xf32> to vector<16xi32>
      %get3A_1021 = arith.constant 0 : i32
      %get3A_1022 = arith.constant 62 : i32
      %get3A_1023 = arith.index_cast %get3A_1021 : i32 to index
      %get3A_1024 = arith.index_cast %get3A_1022 : i32 to index
      %get3A_1025 = arith.index_cast %mul3A_173 : i32 to index
      %get3A_1026 = tpu.vector_load %arg11[%get3A_1023, %get3A_1024, %get3A_1025] {strides = array<i32>} : memref<2x64x512xf32, #tpu.memory_space<vmem>>, vector<16xf32>,
      %bitcast3A_1027 = vector.bitcast %get3A_1026 : vector<16xf32> to vector<16xi32>
      %shift_right_logical3A_1028 = arith.constant 1 : i32
      %shift_right_logical3A_1029 = vector.broadcast %shift_right_logical3A_1028 : i32 to vector<16xi32>
      %shift_right_logical3A_1030 = arith.shrui %bitcast3A_1020, %shift_right_logical3A_1029 : vector<16xi32>
      %and3A_1031 = arith.constant 1073741824 : i32
      %and3A_1032 = vector.broadcast %and3A_1031 : i32 to vector<16xi32>
      %and3A_1033 = arith.andi %shift_right_logical3A_1030, %and3A_1032 : vector<16xi32>
      %or3A_1034 = arith.ori %or3A_1006, %and3A_1033 : vector<16xi32>
      %shift_right_logical3A_1035 = arith.constant 1 : i32
      %shift_right_logical3A_1036 = vector.broadcast %shift_right_logical3A_1035 : i32 to vector<16xi32>
      %shift_right_logical3A_1037 = arith.shrui %bitcast3A_1027, %shift_right_logical3A_1036 : vector<16xi32>
      %and3A_1038 = arith.constant 1073741824 : i32
      %and3A_1039 = vector.broadcast %and3A_1038 : i32 to vector<16xi32>
      %and3A_1040 = arith.andi %shift_right_logical3A_1037, %and3A_1039 : vector<16xi32>
      %or3A_1041 = arith.ori %or3A_1013, %and3A_1040 : vector<16xi32>
      %get3A_1042 = arith.constant 0 : i32
      %get3A_1043 = arith.constant 31 : i32
      %get3A_1044 = arith.index_cast %get3A_1042 : i32 to index
      %get3A_1045 = arith.index_cast %get3A_1043 : i32 to index
      %get3A_1046 = arith.index_cast %mul3A_173 : i32 to index
      %get3A_1047 = tpu.vector_load %arg11[%get3A_1044, %get3A_1045, %get3A_1046] {strides = array<i32>} : memref<2x64x512xf32, #tpu.memory_space<vmem>>, vector<16xf32>,
      %bitcast3A_1048 = vector.bitcast %get3A_1047 : vector<16xf32> to vector<16xi32>
      %get3A_1049 = arith.constant 0 : i32
      %get3A_1050 = arith.constant 63 : i32
      %get3A_1051 = arith.index_cast %get3A_1049 : i32 to index
      %get3A_1052 = arith.index_cast %get3A_1050 : i32 to index
      %get3A_1053 = arith.index_cast %mul3A_173 : i32 to index
      %get3A_1054 = tpu.vector_load %arg11[%get3A_1051, %get3A_1052, %get3A_1053] {strides = array<i32>} : memref<2x64x512xf32, #tpu.memory_space<vmem>>, vector<16xf32>,
      %bitcast3A_1055 = vector.bitcast %get3A_1054 : vector<16xf32> to vector<16xi32>
      %shift_right_logical3A_1056 = arith.constant 0 : i32
      %shift_right_logical3A_1057 = vector.broadcast %shift_right_logical3A_1056 : i32 to vector<16xi32>
      %shift_right_logical3A_1058 = arith.shrui %bitcast3A_1048, %shift_right_logical3A_1057 : vector<16xi32>
      %and3A_1059 = arith.constant -2147483648 : i32
      %and3A_1060 = vector.broadcast %and3A_1059 : i32 to vector<16xi32>
      %and3A_1061 = arith.andi %shift_right_logical3A_1058, %and3A_1060 : vector<16xi32>
      %or3A_1062 = arith.ori %or3A_1034, %and3A_1061 : vector<16xi32>
      %shift_right_logical3A_1063 = arith.constant 0 : i32
      %shift_right_logical3A_1064 = vector.broadcast %shift_right_logical3A_1063 : i32 to vector<16xi32>
      %shift_right_logical3A_1065 = arith.shrui %bitcast3A_1055, %shift_right_logical3A_1064 : vector<16xi32>
      %and3A_1066 = arith.constant -2147483648 : i32
      %and3A_1067 = vector.broadcast %and3A_1066 : i32 to vector<16xi32>
      %and3A_1068 = arith.andi %shift_right_logical3A_1065, %and3A_1067 : vector<16xi32>
      %or3A_1069 = arith.ori %or3A_1041, %and3A_1068 : vector<16xi32>
      %xor3A = arith.constant -2147483648 : i32
      %xor3A_1070 = vector.broadcast %xor3A : i32 to vector<16xi32>
      %xor3A_1071 = arith.xori %or3A_1062, %xor3A_1070 : vector<16xi32>
      %xor3A_1072 = arith.constant -2147483648 : i32
      %xor3A_1073 = vector.broadcast %xor3A_1072 : i32 to vector<16xi32>
      %xor3A_1074 = arith.xori %or3A_1069, %xor3A_1073 : vector<16xi32>
      %broadcast_in_dim3A_1075 = arith.constant 0 : i32
      %broadcast_in_dim3A_1076 = vector.broadcast %broadcast_in_dim3A_1075 : i32 to vector<16xi32>
      %add3A_1077 = arith.constant 64 : i32
      %add3A_1078 = vector.broadcast %add3A_1077 : i32 to vector<16xi32>
      %add3A_1079 = arith.addi %broadcast_in_dim3A_1076, %add3A_1078 : vector<16xi32>
      %sub3A = arith.constant 1 : i32
      %sub3A_1080 = vector.broadcast %sub3A : i32 to vector<16xi32>
      %sub3A_1081 = arith.subi %add3A_1079, %sub3A_1080 : vector<16xi32>
      %gather3A = tpu.vector_load_idx %arg8[%sub3A_1081] : memref<128xi32, #tpu.memory_space<vmem>>[vector<16xi32>], vector<16xi32>,
      %gather3A_1082 = tpu.vector_load_idx %arg9[%sub3A_1081] : memref<128xi32, #tpu.memory_space<vmem>>[vector<16xi32>], vector<16xi32>,
      %lt3A = arith.cmpi slt, %gather3A_1082, %xor3A_1074 : vector<16xi32>
      %eq3A = arith.cmpi eq, %gather3A_1082, %xor3A_1074 : vector<16xi32>
      %lt3A_1083 = arith.cmpi slt, %gather3A, %xor3A_1071 : vector<16xi32>
      %and3A_1084 = arith.andi %eq3A, %lt3A_1083 : vector<16xi1>
      %or3A_1085 = arith.ori %lt3A, %and3A_1084 : vector<16xi1>
      %select_n3A = arith.select %or3A_1085, %add3A_1079, %broadcast_in_dim3A_1076 : vector<16xi1>, vector<16xi32>
      %add3A_1086 = arith.constant 32 : i32
      %add3A_1087 = vector.broadcast %add3A_1086 : i32 to vector<16xi32>
      %add3A_1088 = arith.addi %select_n3A, %add3A_1087 : vector<16xi32>
      %sub3A_1089 = arith.constant 1 : i32
      %sub3A_1090 = vector.broadcast %sub3A_1089 : i32 to vector<16xi32>
      %sub3A_1091 = arith.subi %add3A_1088, %sub3A_1090 : vector<16xi32>
      %gather3A_1092 = tpu.vector_load_idx %arg8[%sub3A_1091] : memref<128xi32, #tpu.memory_space<vmem>>[vector<16xi32>], vector<16xi32>,
      %gather3A_1093 = tpu.vector_load_idx %arg9[%sub3A_1091] : memref<128xi32, #tpu.memory_space<vmem>>[vector<16xi32>], vector<16xi32>,
      %lt3A_1094 = arith.cmpi slt, %gather3A_1093, %xor3A_1074 : vector<16xi32>
      %eq3A_1095 = arith.cmpi eq, %gather3A_1093, %xor3A_1074 : vector<16xi32>
      %lt3A_1096 = arith.cmpi slt, %gather3A_1092, %xor3A_1071 : vector<16xi32>
      %and3A_1097 = arith.andi %eq3A_1095, %lt3A_1096 : vector<16xi1>
      %or3A_1098 = arith.ori %lt3A_1094, %and3A_1097 : vector<16xi1>
      %select_n3A_1099 = arith.select %or3A_1098, %add3A_1088, %select_n3A : vector<16xi1>, vector<16xi32>
      %add3A_1100 = arith.constant 16 : i32
      %add3A_1101 = vector.broadcast %add3A_1100 : i32 to vector<16xi32>
      %add3A_1102 = arith.addi %select_n3A_1099, %add3A_1101 : vector<16xi32>
      %sub3A_1103 = arith.constant 1 : i32
      %sub3A_1104 = vector.broadcast %sub3A_1103 : i32 to vector<16xi32>
      %sub3A_1105 = arith.subi %add3A_1102, %sub3A_1104 : vector<16xi32>
      %gather3A_1106 = tpu.vector_load_idx %arg8[%sub3A_1105] : memref<128xi32, #tpu.memory_space<vmem>>[vector<16xi32>], vector<16xi32>,
      %gather3A_1107 = tpu.vector_load_idx %arg9[%sub3A_1105] : memref<128xi32, #tpu.memory_space<vmem>>[vector<16xi32>], vector<16xi32>,
      %lt3A_1108 = arith.cmpi slt, %gather3A_1107, %xor3A_1074 : vector<16xi32>
      %eq3A_1109 = arith.cmpi eq, %gather3A_1107, %xor3A_1074 : vector<16xi32>
      %lt3A_1110 = arith.cmpi slt, %gather3A_1106, %xor3A_1071 : vector<16xi32>
      %and3A_1111 = arith.andi %eq3A_1109, %lt3A_1110 : vector<16xi1>
      %or3A_1112 = arith.ori %lt3A_1108, %and3A_1111 : vector<16xi1>
      %select_n3A_1113 = arith.select %or3A_1112, %add3A_1102, %select_n3A_1099 : vector<16xi1>, vector<16xi32>
      %add3A_1114 = arith.constant 8 : i32
      %add3A_1115 = vector.broadcast %add3A_1114 : i32 to vector<16xi32>
      %add3A_1116 = arith.addi %select_n3A_1113, %add3A_1115 : vector<16xi32>
      %sub3A_1117 = arith.constant 1 : i32
      %sub3A_1118 = vector.broadcast %sub3A_1117 : i32 to vector<16xi32>
      %sub3A_1119 = arith.subi %add3A_1116, %sub3A_1118 : vector<16xi32>
      %gather3A_1120 = tpu.vector_load_idx %arg8[%sub3A_1119] : memref<128xi32, #tpu.memory_space<vmem>>[vector<16xi32>], vector<16xi32>,
      %gather3A_1121 = tpu.vector_load_idx %arg9[%sub3A_1119] : memref<128xi32, #tpu.memory_space<vmem>>[vector<16xi32>], vector<16xi32>,
      %lt3A_1122 = arith.cmpi slt, %gather3A_1121, %xor3A_1074 : vector<16xi32>
      %eq3A_1123 = arith.cmpi eq, %gather3A_1121, %xor3A_1074 : vector<16xi32>
      %lt3A_1124 = arith.cmpi slt, %gather3A_1120, %xor3A_1071 : vector<16xi32>
      %and3A_1125 = arith.andi %eq3A_1123, %lt3A_1124 : vector<16xi1>
      %or3A_1126 = arith.ori %lt3A_1122, %and3A_1125 : vector<16xi1>
      %select_n3A_1127 = arith.select %or3A_1126, %add3A_1116, %select_n3A_1113 : vector<16xi1>, vector<16xi32>
      %add3A_1128 = arith.constant 4 : i32
      %add3A_1129 = vector.broadcast %add3A_1128 : i32 to vector<16xi32>
      %add3A_1130 = arith.addi %select_n3A_1127, %add3A_1129 : vector<16xi32>
      %sub3A_1131 = arith.constant 1 : i32
      %sub3A_1132 = vector.broadcast %sub3A_1131 : i32 to vector<16xi32>
      %sub3A_1133 = arith.subi %add3A_1130, %sub3A_1132 : vector<16xi32>
      %gather3A_1134 = tpu.vector_load_idx %arg8[%sub3A_1133] : memref<128xi32, #tpu.memory_space<vmem>>[vector<16xi32>], vector<16xi32>,
      %gather3A_1135 = tpu.vector_load_idx %arg9[%sub3A_1133] : memref<128xi32, #tpu.memory_space<vmem>>[vector<16xi32>], vector<16xi32>,
      %lt3A_1136 = arith.cmpi slt, %gather3A_1135, %xor3A_1074 : vector<16xi32>
      %eq3A_1137 = arith.cmpi eq, %gather3A_1135, %xor3A_1074 : vector<16xi32>
      %lt3A_1138 = arith.cmpi slt, %gather3A_1134, %xor3A_1071 : vector<16xi32>
      %and3A_1139 = arith.andi %eq3A_1137, %lt3A_1138 : vector<16xi1>
      %or3A_1140 = arith.ori %lt3A_1136, %and3A_1139 : vector<16xi1>
      %select_n3A_1141 = arith.select %or3A_1140, %add3A_1130, %select_n3A_1127 : vector<16xi1>, vector<16xi32>
      %add3A_1142 = arith.constant 2 : i32
      %add3A_1143 = vector.broadcast %add3A_1142 : i32 to vector<16xi32>
      %add3A_1144 = arith.addi %select_n3A_1141, %add3A_1143 : vector<16xi32>
      %sub3A_1145 = arith.constant 1 : i32
      %sub3A_1146 = vector.broadcast %sub3A_1145 : i32 to vector<16xi32>
      %sub3A_1147 = arith.subi %add3A_1144, %sub3A_1146 : vector<16xi32>
      %gather3A_1148 = tpu.vector_load_idx %arg8[%sub3A_1147] : memref<128xi32, #tpu.memory_space<vmem>>[vector<16xi32>], vector<16xi32>,
      %gather3A_1149 = tpu.vector_load_idx %arg9[%sub3A_1147] : memref<128xi32, #tpu.memory_space<vmem>>[vector<16xi32>], vector<16xi32>,
      %lt3A_1150 = arith.cmpi slt, %gather3A_1149, %xor3A_1074 : vector<16xi32>
      %eq3A_1151 = arith.cmpi eq, %gather3A_1149, %xor3A_1074 : vector<16xi32>
      %lt3A_1152 = arith.cmpi slt, %gather3A_1148, %xor3A_1071 : vector<16xi32>
      %and3A_1153 = arith.andi %eq3A_1151, %lt3A_1152 : vector<16xi1>
      %or3A_1154 = arith.ori %lt3A_1150, %and3A_1153 : vector<16xi1>
      %select_n3A_1155 = arith.select %or3A_1154, %add3A_1144, %select_n3A_1141 : vector<16xi1>, vector<16xi32>
      %add3A_1156 = arith.constant 1 : i32
      %add3A_1157 = vector.broadcast %add3A_1156 : i32 to vector<16xi32>
      %add3A_1158 = arith.addi %select_n3A_1155, %add3A_1157 : vector<16xi32>
      %sub3A_1159 = arith.constant 1 : i32
      %sub3A_1160 = vector.broadcast %sub3A_1159 : i32 to vector<16xi32>
      %sub3A_1161 = arith.subi %add3A_1158, %sub3A_1160 : vector<16xi32>
      %gather3A_1162 = tpu.vector_load_idx %arg8[%sub3A_1161] : memref<128xi32, #tpu.memory_space<vmem>>[vector<16xi32>], vector<16xi32>,
      %gather3A_1163 = tpu.vector_load_idx %arg9[%sub3A_1161] : memref<128xi32, #tpu.memory_space<vmem>>[vector<16xi32>], vector<16xi32>,
      %lt3A_1164 = arith.cmpi slt, %gather3A_1163, %xor3A_1074 : vector<16xi32>
      %eq3A_1165 = arith.cmpi eq, %gather3A_1163, %xor3A_1074 : vector<16xi32>
      %lt3A_1166 = arith.cmpi slt, %gather3A_1162, %xor3A_1071 : vector<16xi32>
      %and3A_1167 = arith.andi %eq3A_1165, %lt3A_1166 : vector<16xi1>
      %or3A_1168 = arith.ori %lt3A_1164, %and3A_1167 : vector<16xi1>
      %select_n3A_1169 = arith.select %or3A_1168, %add3A_1158, %select_n3A_1155 : vector<16xi1>, vector<16xi32>
      %gather3A_1170 = tpu.vector_load_idx %arg8[%select_n3A_1169] : memref<128xi32, #tpu.memory_space<vmem>>[vector<16xi32>], vector<16xi32>,
      %gather3A_1171 = tpu.vector_load_idx %arg9[%select_n3A_1169] : memref<128xi32, #tpu.memory_space<vmem>>[vector<16xi32>], vector<16xi32>,
      %eq3A_1172 = arith.cmpi eq, %gather3A_1170, %xor3A_1071 : vector<16xi32>
      %eq3A_1173 = arith.cmpi eq, %gather3A_1171, %xor3A_1074 : vector<16xi32>
      %and3A_1174 = arith.andi %eq3A_1172, %eq3A_1173 : vector<16xi1>
      %broadcast_in_dim3A_1175 = arith.constant 1.000000e+00 : f32
      %broadcast_in_dim3A_1176 = vector.broadcast %broadcast_in_dim3A_1175 : f32 to vector<16xf32>
      tpu.vector_store_idx %arg10[%select_n3A_1169], %broadcast_in_dim3A_1176 masked %and3A_1174 {add = true} : memref<128xf32, #tpu.memory_space<vmem>>[vector<16xi32>], vector<16xf32>, vector<16xi1>
      %mul3A_1177 = arith.constant 2 : i32
      %mul3A_1178 = arith.muli %mul3A_1177, %scan3A_168 : i32
      %add3A_1179 = arith.constant 1 : i32
      %add3A_1180 = arith.addi %mul3A_1178, %add3A_1179 : i32
      %mul3A_1181 = arith.constant 16 : i32
      %mul3A_1182 = arith.muli %add3A_1180, %mul3A_1181 : i32
      %broadcast_in_dim3A_1183 = arith.constant 0 : i32
      %broadcast_in_dim3A_1184 = vector.broadcast %broadcast_in_dim3A_1183 : i32 to vector<16xi32>
      %broadcast_in_dim3A_1185 = arith.constant 0 : i32
      %broadcast_in_dim3A_1186 = vector.broadcast %broadcast_in_dim3A_1185 : i32 to vector<16xi32>
      %get3A_1187 = arith.constant 0 : i32
      %get3A_1188 = arith.constant 0 : i32
      %get3A_1189 = arith.index_cast %get3A_1187 : i32 to index
      %get3A_1190 = arith.index_cast %get3A_1188 : i32 to index
      %get3A_1191 = arith.index_cast %mul3A_1182 : i32 to index
      %get3A_1192 = tpu.vector_load %arg11[%get3A_1189, %get3A_1190, %get3A_1191] {strides = array<i32>} : memref<2x64x512xf32, #tpu.memory_space<vmem>>, vector<16xf32>,
      %bitcast3A_1193 = vector.bitcast %get3A_1192 : vector<16xf32> to vector<16xi32>
      %get3A_1194 = arith.constant 0 : i32
      %get3A_1195 = arith.constant 32 : i32
      %get3A_1196 = arith.index_cast %get3A_1194 : i32 to index
      %get3A_1197 = arith.index_cast %get3A_1195 : i32 to index
      %get3A_1198 = arith.index_cast %mul3A_1182 : i32 to index
      %get3A_1199 = tpu.vector_load %arg11[%get3A_1196, %get3A_1197, %get3A_1198] {strides = array<i32>} : memref<2x64x512xf32, #tpu.memory_space<vmem>>, vector<16xf32>,
      %bitcast3A_1200 = vector.bitcast %get3A_1199 : vector<16xf32> to vector<16xi32>
      %shift_right_logical3A_1201 = arith.constant 31 : i32
      %shift_right_logical3A_1202 = vector.broadcast %shift_right_logical3A_1201 : i32 to vector<16xi32>
      %shift_right_logical3A_1203 = arith.shrui %bitcast3A_1193, %shift_right_logical3A_1202 : vector<16xi32>
      %and3A_1204 = arith.constant 1 : i32
      %and3A_1205 = vector.broadcast %and3A_1204 : i32 to vector<16xi32>
      %and3A_1206 = arith.andi %shift_right_logical3A_1203, %and3A_1205 : vector<16xi32>
      %or3A_1207 = arith.ori %broadcast_in_dim3A_1184, %and3A_1206 : vector<16xi32>
      %shift_right_logical3A_1208 = arith.constant 31 : i32
      %shift_right_logical3A_1209 = vector.broadcast %shift_right_logical3A_1208 : i32 to vector<16xi32>
      %shift_right_logical3A_1210 = arith.shrui %bitcast3A_1200, %shift_right_logical3A_1209 : vector<16xi32>
      %and3A_1211 = arith.constant 1 : i32
      %and3A_1212 = vector.broadcast %and3A_1211 : i32 to vector<16xi32>
      %and3A_1213 = arith.andi %shift_right_logical3A_1210, %and3A_1212 : vector<16xi32>
      %or3A_1214 = arith.ori %broadcast_in_dim3A_1186, %and3A_1213 : vector<16xi32>
      %get3A_1215 = arith.constant 0 : i32
      %get3A_1216 = arith.constant 1 : i32
      %get3A_1217 = arith.index_cast %get3A_1215 : i32 to index
      %get3A_1218 = arith.index_cast %get3A_1216 : i32 to index
      %get3A_1219 = arith.index_cast %mul3A_1182 : i32 to index
      %get3A_1220 = tpu.vector_load %arg11[%get3A_1217, %get3A_1218, %get3A_1219] {strides = array<i32>} : memref<2x64x512xf32, #tpu.memory_space<vmem>>, vector<16xf32>,
      %bitcast3A_1221 = vector.bitcast %get3A_1220 : vector<16xf32> to vector<16xi32>
      %get3A_1222 = arith.constant 0 : i32
      %get3A_1223 = arith.constant 33 : i32
      %get3A_1224 = arith.index_cast %get3A_1222 : i32 to index
      %get3A_1225 = arith.index_cast %get3A_1223 : i32 to index
      %get3A_1226 = arith.index_cast %mul3A_1182 : i32 to index
      %get3A_1227 = tpu.vector_load %arg11[%get3A_1224, %get3A_1225, %get3A_1226] {strides = array<i32>} : memref<2x64x512xf32, #tpu.memory_space<vmem>>, vector<16xf32>,
      %bitcast3A_1228 = vector.bitcast %get3A_1227 : vector<16xf32> to vector<16xi32>
      %shift_right_logical3A_1229 = arith.constant 30 : i32
      %shift_right_logical3A_1230 = vector.broadcast %shift_right_logical3A_1229 : i32 to vector<16xi32>
      %shift_right_logical3A_1231 = arith.shrui %bitcast3A_1221, %shift_right_logical3A_1230 : vector<16xi32>
      %and3A_1232 = arith.constant 2 : i32
      %and3A_1233 = vector.broadcast %and3A_1232 : i32 to vector<16xi32>
      %and3A_1234 = arith.andi %shift_right_logical3A_1231, %and3A_1233 : vector<16xi32>
      %or3A_1235 = arith.ori %or3A_1207, %and3A_1234 : vector<16xi32>
      %shift_right_logical3A_1236 = arith.constant 30 : i32
      %shift_right_logical3A_1237 = vector.broadcast %shift_right_logical3A_1236 : i32 to vector<16xi32>
      %shift_right_logical3A_1238 = arith.shrui %bitcast3A_1228, %shift_right_logical3A_1237 : vector<16xi32>
      %and3A_1239 = arith.constant 2 : i32
      %and3A_1240 = vector.broadcast %and3A_1239 : i32 to vector<16xi32>
      %and3A_1241 = arith.andi %shift_right_logical3A_1238, %and3A_1240 : vector<16xi32>
      %or3A_1242 = arith.ori %or3A_1214, %and3A_1241 : vector<16xi32>
      %get3A_1243 = arith.constant 0 : i32
      %get3A_1244 = arith.constant 2 : i32
      %get3A_1245 = arith.index_cast %get3A_1243 : i32 to index
      %get3A_1246 = arith.index_cast %get3A_1244 : i32 to index
      %get3A_1247 = arith.index_cast %mul3A_1182 : i32 to index
      %get3A_1248 = tpu.vector_load %arg11[%get3A_1245, %get3A_1246, %get3A_1247] {strides = array<i32>} : memref<2x64x512xf32, #tpu.memory_space<vmem>>, vector<16xf32>,
      %bitcast3A_1249 = vector.bitcast %get3A_1248 : vector<16xf32> to vector<16xi32>
      %get3A_1250 = arith.constant 0 : i32
      %get3A_1251 = arith.constant 34 : i32
      %get3A_1252 = arith.index_cast %get3A_1250 : i32 to index
      %get3A_1253 = arith.index_cast %get3A_1251 : i32 to index
      %get3A_1254 = arith.index_cast %mul3A_1182 : i32 to index
      %get3A_1255 = tpu.vector_load %arg11[%get3A_1252, %get3A_1253, %get3A_1254] {strides = array<i32>} : memref<2x64x512xf32, #tpu.memory_space<vmem>>, vector<16xf32>,
      %bitcast3A_1256 = vector.bitcast %get3A_1255 : vector<16xf32> to vector<16xi32>
      %shift_right_logical3A_1257 = arith.constant 29 : i32
      %shift_right_logical3A_1258 = vector.broadcast %shift_right_logical3A_1257 : i32 to vector<16xi32>
      %shift_right_logical3A_1259 = arith.shrui %bitcast3A_1249, %shift_right_logical3A_1258 : vector<16xi32>
      %and3A_1260 = arith.constant 4 : i32
      %and3A_1261 = vector.broadcast %and3A_1260 : i32 to vector<16xi32>
      %and3A_1262 = arith.andi %shift_right_logical3A_1259, %and3A_1261 : vector<16xi32>
      %or3A_1263 = arith.ori %or3A_1235, %and3A_1262 : vector<16xi32>
      %shift_right_logical3A_1264 = arith.constant 29 : i32
      %shift_right_logical3A_1265 = vector.broadcast %shift_right_logical3A_1264 : i32 to vector<16xi32>
      %shift_right_logical3A_1266 = arith.shrui %bitcast3A_1256, %shift_right_logical3A_1265 : vector<16xi32>
      %and3A_1267 = arith.constant 4 : i32
      %and3A_1268 = vector.broadcast %and3A_1267 : i32 to vector<16xi32>
      %and3A_1269 = arith.andi %shift_right_logical3A_1266, %and3A_1268 : vector<16xi32>
      %or3A_1270 = arith.ori %or3A_1242, %and3A_1269 : vector<16xi32>
      %get3A_1271 = arith.constant 0 : i32
      %get3A_1272 = arith.constant 3 : i32
      %get3A_1273 = arith.index_cast %get3A_1271 : i32 to index
      %get3A_1274 = arith.index_cast %get3A_1272 : i32 to index
      %get3A_1275 = arith.index_cast %mul3A_1182 : i32 to index
      %get3A_1276 = tpu.vector_load %arg11[%get3A_1273, %get3A_1274, %get3A_1275] {strides = array<i32>} : memref<2x64x512xf32, #tpu.memory_space<vmem>>, vector<16xf32>,
      %bitcast3A_1277 = vector.bitcast %get3A_1276 : vector<16xf32> to vector<16xi32>
      %get3A_1278 = arith.constant 0 : i32
      %get3A_1279 = arith.constant 35 : i32
      %get3A_1280 = arith.index_cast %get3A_1278 : i32 to index
      %get3A_1281 = arith.index_cast %get3A_1279 : i32 to index
      %get3A_1282 = arith.index_cast %mul3A_1182 : i32 to index
      %get3A_1283 = tpu.vector_load %arg11[%get3A_1280, %get3A_1281, %get3A_1282] {strides = array<i32>} : memref<2x64x512xf32, #tpu.memory_space<vmem>>, vector<16xf32>,
      %bitcast3A_1284 = vector.bitcast %get3A_1283 : vector<16xf32> to vector<16xi32>
      %shift_right_logical3A_1285 = arith.constant 28 : i32
      %shift_right_logical3A_1286 = vector.broadcast %shift_right_logical3A_1285 : i32 to vector<16xi32>
      %shift_right_logical3A_1287 = arith.shrui %bitcast3A_1277, %shift_right_logical3A_1286 : vector<16xi32>
      %and3A_1288 = arith.constant 8 : i32
      %and3A_1289 = vector.broadcast %and3A_1288 : i32 to vector<16xi32>
      %and3A_1290 = arith.andi %shift_right_logical3A_1287, %and3A_1289 : vector<16xi32>
      %or3A_1291 = arith.ori %or3A_1263, %and3A_1290 : vector<16xi32>
      %shift_right_logical3A_1292 = arith.constant 28 : i32
      %shift_right_logical3A_1293 = vector.broadcast %shift_right_logical3A_1292 : i32 to vector<16xi32>
      %shift_right_logical3A_1294 = arith.shrui %bitcast3A_1284, %shift_right_logical3A_1293 : vector<16xi32>
      %and3A_1295 = arith.constant 8 : i32
      %and3A_1296 = vector.broadcast %and3A_1295 : i32 to vector<16xi32>
      %and3A_1297 = arith.andi %shift_right_logical3A_1294, %and3A_1296 : vector<16xi32>
      %or3A_1298 = arith.ori %or3A_1270, %and3A_1297 : vector<16xi32>
      %get3A_1299 = arith.constant 0 : i32
      %get3A_1300 = arith.constant 4 : i32
      %get3A_1301 = arith.index_cast %get3A_1299 : i32 to index
      %get3A_1302 = arith.index_cast %get3A_1300 : i32 to index
      %get3A_1303 = arith.index_cast %mul3A_1182 : i32 to index
      %get3A_1304 = tpu.vector_load %arg11[%get3A_1301, %get3A_1302, %get3A_1303] {strides = array<i32>} : memref<2x64x512xf32, #tpu.memory_space<vmem>>, vector<16xf32>,
      %bitcast3A_1305 = vector.bitcast %get3A_1304 : vector<16xf32> to vector<16xi32>
      %get3A_1306 = arith.constant 0 : i32
      %get3A_1307 = arith.constant 36 : i32
      %get3A_1308 = arith.index_cast %get3A_1306 : i32 to index
      %get3A_1309 = arith.index_cast %get3A_1307 : i32 to index
      %get3A_1310 = arith.index_cast %mul3A_1182 : i32 to index
      %get3A_1311 = tpu.vector_load %arg11[%get3A_1308, %get3A_1309, %get3A_1310] {strides = array<i32>} : memref<2x64x512xf32, #tpu.memory_space<vmem>>, vector<16xf32>,
      %bitcast3A_1312 = vector.bitcast %get3A_1311 : vector<16xf32> to vector<16xi32>
      %shift_right_logical3A_1313 = arith.constant 27 : i32
      %shift_right_logical3A_1314 = vector.broadcast %shift_right_logical3A_1313 : i32 to vector<16xi32>
      %shift_right_logical3A_1315 = arith.shrui %bitcast3A_1305, %shift_right_logical3A_1314 : vector<16xi32>
      %and3A_1316 = arith.constant 16 : i32
      %and3A_1317 = vector.broadcast %and3A_1316 : i32 to vector<16xi32>
      %and3A_1318 = arith.andi %shift_right_logical3A_1315, %and3A_1317 : vector<16xi32>
      %or3A_1319 = arith.ori %or3A_1291, %and3A_1318 : vector<16xi32>
      %shift_right_logical3A_1320 = arith.constant 27 : i32
      %shift_right_logical3A_1321 = vector.broadcast %shift_right_logical3A_1320 : i32 to vector<16xi32>
      %shift_right_logical3A_1322 = arith.shrui %bitcast3A_1312, %shift_right_logical3A_1321 : vector<16xi32>
      %and3A_1323 = arith.constant 16 : i32
      %and3A_1324 = vector.broadcast %and3A_1323 : i32 to vector<16xi32>
      %and3A_1325 = arith.andi %shift_right_logical3A_1322, %and3A_1324 : vector<16xi32>
      %or3A_1326 = arith.ori %or3A_1298, %and3A_1325 : vector<16xi32>
      %get3A_1327 = arith.constant 0 : i32
      %get3A_1328 = arith.constant 5 : i32
      %get3A_1329 = arith.index_cast %get3A_1327 : i32 to index
      %get3A_1330 = arith.index_cast %get3A_1328 : i32 to index
      %get3A_1331 = arith.index_cast %mul3A_1182 : i32 to index
      %get3A_1332 = tpu.vector_load %arg11[%get3A_1329, %get3A_1330, %get3A_1331] {strides = array<i32>} : memref<2x64x512xf32, #tpu.memory_space<vmem>>, vector<16xf32>,
      %bitcast3A_1333 = vector.bitcast %get3A_1332 : vector<16xf32> to vector<16xi32>
      %get3A_1334 = arith.constant 0 : i32
      %get3A_1335 = arith.constant 37 : i32
      %get3A_1336 = arith.index_cast %get3A_1334 : i32 to index
      %get3A_1337 = arith.index_cast %get3A_1335 : i32 to index
      %get3A_1338 = arith.index_cast %mul3A_1182 : i32 to index
      %get3A_1339 = tpu.vector_load %arg11[%get3A_1336, %get3A_1337, %get3A_1338] {strides = array<i32>} : memref<2x64x512xf32, #tpu.memory_space<vmem>>, vector<16xf32>,
      %bitcast3A_1340 = vector.bitcast %get3A_1339 : vector<16xf32> to vector<16xi32>
      %shift_right_logical3A_1341 = arith.constant 26 : i32
      %shift_right_logical3A_1342 = vector.broadcast %shift_right_logical3A_1341 : i32 to vector<16xi32>
      %shift_right_logical3A_1343 = arith.shrui %bitcast3A_1333, %shift_right_logical3A_1342 : vector<16xi32>
      %and3A_1344 = arith.constant 32 : i32
      %and3A_1345 = vector.broadcast %and3A_1344 : i32 to vector<16xi32>
      %and3A_1346 = arith.andi %shift_right_logical3A_1343, %and3A_1345 : vector<16xi32>
      %or3A_1347 = arith.ori %or3A_1319, %and3A_1346 : vector<16xi32>
      %shift_right_logical3A_1348 = arith.constant 26 : i32
      %shift_right_logical3A_1349 = vector.broadcast %shift_right_logical3A_1348 : i32 to vector<16xi32>
      %shift_right_logical3A_1350 = arith.shrui %bitcast3A_1340, %shift_right_logical3A_1349 : vector<16xi32>
      %and3A_1351 = arith.constant 32 : i32
      %and3A_1352 = vector.broadcast %and3A_1351 : i32 to vector<16xi32>
      %and3A_1353 = arith.andi %shift_right_logical3A_1350, %and3A_1352 : vector<16xi32>
      %or3A_1354 = arith.ori %or3A_1326, %and3A_1353 : vector<16xi32>
      %get3A_1355 = arith.constant 0 : i32
      %get3A_1356 = arith.constant 6 : i32
      %get3A_1357 = arith.index_cast %get3A_1355 : i32 to index
      %get3A_1358 = arith.index_cast %get3A_1356 : i32 to index
      %get3A_1359 = arith.index_cast %mul3A_1182 : i32 to index
      %get3A_1360 = tpu.vector_load %arg11[%get3A_1357, %get3A_1358, %get3A_1359] {strides = array<i32>} : memref<2x64x512xf32, #tpu.memory_space<vmem>>, vector<16xf32>,
      %bitcast3A_1361 = vector.bitcast %get3A_1360 : vector<16xf32> to vector<16xi32>
      %get3A_1362 = arith.constant 0 : i32
      %get3A_1363 = arith.constant 38 : i32
      %get3A_1364 = arith.index_cast %get3A_1362 : i32 to index
      %get3A_1365 = arith.index_cast %get3A_1363 : i32 to index
      %get3A_1366 = arith.index_cast %mul3A_1182 : i32 to index
      %get3A_1367 = tpu.vector_load %arg11[%get3A_1364, %get3A_1365, %get3A_1366] {strides = array<i32>} : memref<2x64x512xf32, #tpu.memory_space<vmem>>, vector<16xf32>,
      %bitcast3A_1368 = vector.bitcast %get3A_1367 : vector<16xf32> to vector<16xi32>
      %shift_right_logical3A_1369 = arith.constant 25 : i32
      %shift_right_logical3A_1370 = vector.broadcast %shift_right_logical3A_1369 : i32 to vector<16xi32>
      %shift_right_logical3A_1371 = arith.shrui %bitcast3A_1361, %shift_right_logical3A_1370 : vector<16xi32>
      %and3A_1372 = arith.constant 64 : i32
      %and3A_1373 = vector.broadcast %and3A_1372 : i32 to vector<16xi32>
      %and3A_1374 = arith.andi %shift_right_logical3A_1371, %and3A_1373 : vector<16xi32>
      %or3A_1375 = arith.ori %or3A_1347, %and3A_1374 : vector<16xi32>
      %shift_right_logical3A_1376 = arith.constant 25 : i32
      %shift_right_logical3A_1377 = vector.broadcast %shift_right_logical3A_1376 : i32 to vector<16xi32>
      %shift_right_logical3A_1378 = arith.shrui %bitcast3A_1368, %shift_right_logical3A_1377 : vector<16xi32>
      %and3A_1379 = arith.constant 64 : i32
      %and3A_1380 = vector.broadcast %and3A_1379 : i32 to vector<16xi32>
      %and3A_1381 = arith.andi %shift_right_logical3A_1378, %and3A_1380 : vector<16xi32>
      %or3A_1382 = arith.ori %or3A_1354, %and3A_1381 : vector<16xi32>
      %get3A_1383 = arith.constant 0 : i32
      %get3A_1384 = arith.constant 7 : i32
      %get3A_1385 = arith.index_cast %get3A_1383 : i32 to index
      %get3A_1386 = arith.index_cast %get3A_1384 : i32 to index
      %get3A_1387 = arith.index_cast %mul3A_1182 : i32 to index
      %get3A_1388 = tpu.vector_load %arg11[%get3A_1385, %get3A_1386, %get3A_1387] {strides = array<i32>} : memref<2x64x512xf32, #tpu.memory_space<vmem>>, vector<16xf32>,
      %bitcast3A_1389 = vector.bitcast %get3A_1388 : vector<16xf32> to vector<16xi32>
      %get3A_1390 = arith.constant 0 : i32
      %get3A_1391 = arith.constant 39 : i32
      %get3A_1392 = arith.index_cast %get3A_1390 : i32 to index
      %get3A_1393 = arith.index_cast %get3A_1391 : i32 to index
      %get3A_1394 = arith.index_cast %mul3A_1182 : i32 to index
      %get3A_1395 = tpu.vector_load %arg11[%get3A_1392, %get3A_1393, %get3A_1394] {strides = array<i32>} : memref<2x64x512xf32, #tpu.memory_space<vmem>>, vector<16xf32>,
      %bitcast3A_1396 = vector.bitcast %get3A_1395 : vector<16xf32> to vector<16xi32>
      %shift_right_logical3A_1397 = arith.constant 24 : i32
      %shift_right_logical3A_1398 = vector.broadcast %shift_right_logical3A_1397 : i32 to vector<16xi32>
      %shift_right_logical3A_1399 = arith.shrui %bitcast3A_1389, %shift_right_logical3A_1398 : vector<16xi32>
      %and3A_1400 = arith.constant 128 : i32
      %and3A_1401 = vector.broadcast %and3A_1400 : i32 to vector<16xi32>
      %and3A_1402 = arith.andi %shift_right_logical3A_1399, %and3A_1401 : vector<16xi32>
      %or3A_1403 = arith.ori %or3A_1375, %and3A_1402 : vector<16xi32>
      %shift_right_logical3A_1404 = arith.constant 24 : i32
      %shift_right_logical3A_1405 = vector.broadcast %shift_right_logical3A_1404 : i32 to vector<16xi32>
      %shift_right_logical3A_1406 = arith.shrui %bitcast3A_1396, %shift_right_logical3A_1405 : vector<16xi32>
      %and3A_1407 = arith.constant 128 : i32
      %and3A_1408 = vector.broadcast %and3A_1407 : i32 to vector<16xi32>
      %and3A_1409 = arith.andi %shift_right_logical3A_1406, %and3A_1408 : vector<16xi32>
      %or3A_1410 = arith.ori %or3A_1382, %and3A_1409 : vector<16xi32>
      %get3A_1411 = arith.constant 0 : i32
      %get3A_1412 = arith.constant 8 : i32
      %get3A_1413 = arith.index_cast %get3A_1411 : i32 to index
      %get3A_1414 = arith.index_cast %get3A_1412 : i32 to index
      %get3A_1415 = arith.index_cast %mul3A_1182 : i32 to index
      %get3A_1416 = tpu.vector_load %arg11[%get3A_1413, %get3A_1414, %get3A_1415] {strides = array<i32>} : memref<2x64x512xf32, #tpu.memory_space<vmem>>, vector<16xf32>,
      %bitcast3A_1417 = vector.bitcast %get3A_1416 : vector<16xf32> to vector<16xi32>
      %get3A_1418 = arith.constant 0 : i32
      %get3A_1419 = arith.constant 40 : i32
      %get3A_1420 = arith.index_cast %get3A_1418 : i32 to index
      %get3A_1421 = arith.index_cast %get3A_1419 : i32 to index
      %get3A_1422 = arith.index_cast %mul3A_1182 : i32 to index
      %get3A_1423 = tpu.vector_load %arg11[%get3A_1420, %get3A_1421, %get3A_1422] {strides = array<i32>} : memref<2x64x512xf32, #tpu.memory_space<vmem>>, vector<16xf32>,
      %bitcast3A_1424 = vector.bitcast %get3A_1423 : vector<16xf32> to vector<16xi32>
      %shift_right_logical3A_1425 = arith.constant 23 : i32
      %shift_right_logical3A_1426 = vector.broadcast %shift_right_logical3A_1425 : i32 to vector<16xi32>
      %shift_right_logical3A_1427 = arith.shrui %bitcast3A_1417, %shift_right_logical3A_1426 : vector<16xi32>
      %and3A_1428 = arith.constant 256 : i32
      %and3A_1429 = vector.broadcast %and3A_1428 : i32 to vector<16xi32>
      %and3A_1430 = arith.andi %shift_right_logical3A_1427, %and3A_1429 : vector<16xi32>
      %or3A_1431 = arith.ori %or3A_1403, %and3A_1430 : vector<16xi32>
      %shift_right_logical3A_1432 = arith.constant 23 : i32
      %shift_right_logical3A_1433 = vector.broadcast %shift_right_logical3A_1432 : i32 to vector<16xi32>
      %shift_right_logical3A_1434 = arith.shrui %bitcast3A_1424, %shift_right_logical3A_1433 : vector<16xi32>
      %and3A_1435 = arith.constant 256 : i32
      %and3A_1436 = vector.broadcast %and3A_1435 : i32 to vector<16xi32>
      %and3A_1437 = arith.andi %shift_right_logical3A_1434, %and3A_1436 : vector<16xi32>
      %or3A_1438 = arith.ori %or3A_1410, %and3A_1437 : vector<16xi32>
      %get3A_1439 = arith.constant 0 : i32
      %get3A_1440 = arith.constant 9 : i32
      %get3A_1441 = arith.index_cast %get3A_1439 : i32 to index
      %get3A_1442 = arith.index_cast %get3A_1440 : i32 to index
      %get3A_1443 = arith.index_cast %mul3A_1182 : i32 to index
      %get3A_1444 = tpu.vector_load %arg11[%get3A_1441, %get3A_1442, %get3A_1443] {strides = array<i32>} : memref<2x64x512xf32, #tpu.memory_space<vmem>>, vector<16xf32>,
      %bitcast3A_1445 = vector.bitcast %get3A_1444 : vector<16xf32> to vector<16xi32>
      %get3A_1446 = arith.constant 0 : i32
      %get3A_1447 = arith.constant 41 : i32
      %get3A_1448 = arith.index_cast %get3A_1446 : i32 to index
      %get3A_1449 = arith.index_cast %get3A_1447 : i32 to index
      %get3A_1450 = arith.index_cast %mul3A_1182 : i32 to index
      %get3A_1451 = tpu.vector_load %arg11[%get3A_1448, %get3A_1449, %get3A_1450] {strides = array<i32>} : memref<2x64x512xf32, #tpu.memory_space<vmem>>, vector<16xf32>,
      %bitcast3A_1452 = vector.bitcast %get3A_1451 : vector<16xf32> to vector<16xi32>
      %shift_right_logical3A_1453 = arith.constant 22 : i32
      %shift_right_logical3A_1454 = vector.broadcast %shift_right_logical3A_1453 : i32 to vector<16xi32>
      %shift_right_logical3A_1455 = arith.shrui %bitcast3A_1445, %shift_right_logical3A_1454 : vector<16xi32>
      %and3A_1456 = arith.constant 512 : i32
      %and3A_1457 = vector.broadcast %and3A_1456 : i32 to vector<16xi32>
      %and3A_1458 = arith.andi %shift_right_logical3A_1455, %and3A_1457 : vector<16xi32>
      %or3A_1459 = arith.ori %or3A_1431, %and3A_1458 : vector<16xi32>
      %shift_right_logical3A_1460 = arith.constant 22 : i32
      %shift_right_logical3A_1461 = vector.broadcast %shift_right_logical3A_1460 : i32 to vector<16xi32>
      %shift_right_logical3A_1462 = arith.shrui %bitcast3A_1452, %shift_right_logical3A_1461 : vector<16xi32>
      %and3A_1463 = arith.constant 512 : i32
      %and3A_1464 = vector.broadcast %and3A_1463 : i32 to vector<16xi32>
      %and3A_1465 = arith.andi %shift_right_logical3A_1462, %and3A_1464 : vector<16xi32>
      %or3A_1466 = arith.ori %or3A_1438, %and3A_1465 : vector<16xi32>
      %get3A_1467 = arith.constant 0 : i32
      %get3A_1468 = arith.constant 10 : i32
      %get3A_1469 = arith.index_cast %get3A_1467 : i32 to index
      %get3A_1470 = arith.index_cast %get3A_1468 : i32 to index
      %get3A_1471 = arith.index_cast %mul3A_1182 : i32 to index
      %get3A_1472 = tpu.vector_load %arg11[%get3A_1469, %get3A_1470, %get3A_1471] {strides = array<i32>} : memref<2x64x512xf32, #tpu.memory_space<vmem>>, vector<16xf32>,
      %bitcast3A_1473 = vector.bitcast %get3A_1472 : vector<16xf32> to vector<16xi32>
      %get3A_1474 = arith.constant 0 : i32
      %get3A_1475 = arith.constant 42 : i32
      %get3A_1476 = arith.index_cast %get3A_1474 : i32 to index
      %get3A_1477 = arith.index_cast %get3A_1475 : i32 to index
      %get3A_1478 = arith.index_cast %mul3A_1182 : i32 to index
      %get3A_1479 = tpu.vector_load %arg11[%get3A_1476, %get3A_1477, %get3A_1478] {strides = array<i32>} : memref<2x64x512xf32, #tpu.memory_space<vmem>>, vector<16xf32>,
      %bitcast3A_1480 = vector.bitcast %get3A_1479 : vector<16xf32> to vector<16xi32>
      %shift_right_logical3A_1481 = arith.constant 21 : i32
      %shift_right_logical3A_1482 = vector.broadcast %shift_right_logical3A_1481 : i32 to vector<16xi32>
      %shift_right_logical3A_1483 = arith.shrui %bitcast3A_1473, %shift_right_logical3A_1482 : vector<16xi32>
      %and3A_1484 = arith.constant 1024 : i32
      %and3A_1485 = vector.broadcast %and3A_1484 : i32 to vector<16xi32>
      %and3A_1486 = arith.andi %shift_right_logical3A_1483, %and3A_1485 : vector<16xi32>
      %or3A_1487 = arith.ori %or3A_1459, %and3A_1486 : vector<16xi32>
      %shift_right_logical3A_1488 = arith.constant 21 : i32
      %shift_right_logical3A_1489 = vector.broadcast %shift_right_logical3A_1488 : i32 to vector<16xi32>
      %shift_right_logical3A_1490 = arith.shrui %bitcast3A_1480, %shift_right_logical3A_1489 : vector<16xi32>
      %and3A_1491 = arith.constant 1024 : i32
      %and3A_1492 = vector.broadcast %and3A_1491 : i32 to vector<16xi32>
      %and3A_1493 = arith.andi %shift_right_logical3A_1490, %and3A_1492 : vector<16xi32>
      %or3A_1494 = arith.ori %or3A_1466, %and3A_1493 : vector<16xi32>
      %get3A_1495 = arith.constant 0 : i32
      %get3A_1496 = arith.constant 11 : i32
      %get3A_1497 = arith.index_cast %get3A_1495 : i32 to index
      %get3A_1498 = arith.index_cast %get3A_1496 : i32 to index
      %get3A_1499 = arith.index_cast %mul3A_1182 : i32 to index
      %get3A_1500 = tpu.vector_load %arg11[%get3A_1497, %get3A_1498, %get3A_1499] {strides = array<i32>} : memref<2x64x512xf32, #tpu.memory_space<vmem>>, vector<16xf32>,
      %bitcast3A_1501 = vector.bitcast %get3A_1500 : vector<16xf32> to vector<16xi32>
      %get3A_1502 = arith.constant 0 : i32
      %get3A_1503 = arith.constant 43 : i32
      %get3A_1504 = arith.index_cast %get3A_1502 : i32 to index
      %get3A_1505 = arith.index_cast %get3A_1503 : i32 to index
      %get3A_1506 = arith.index_cast %mul3A_1182 : i32 to index
      %get3A_1507 = tpu.vector_load %arg11[%get3A_1504, %get3A_1505, %get3A_1506] {strides = array<i32>} : memref<2x64x512xf32, #tpu.memory_space<vmem>>, vector<16xf32>,
      %bitcast3A_1508 = vector.bitcast %get3A_1507 : vector<16xf32> to vector<16xi32>
      %shift_right_logical3A_1509 = arith.constant 20 : i32
      %shift_right_logical3A_1510 = vector.broadcast %shift_right_logical3A_1509 : i32 to vector<16xi32>
      %shift_right_logical3A_1511 = arith.shrui %bitcast3A_1501, %shift_right_logical3A_1510 : vector<16xi32>
      %and3A_1512 = arith.constant 2048 : i32
      %and3A_1513 = vector.broadcast %and3A_1512 : i32 to vector<16xi32>
      %and3A_1514 = arith.andi %shift_right_logical3A_1511, %and3A_1513 : vector<16xi32>
      %or3A_1515 = arith.ori %or3A_1487, %and3A_1514 : vector<16xi32>
      %shift_right_logical3A_1516 = arith.constant 20 : i32
      %shift_right_logical3A_1517 = vector.broadcast %shift_right_logical3A_1516 : i32 to vector<16xi32>
      %shift_right_logical3A_1518 = arith.shrui %bitcast3A_1508, %shift_right_logical3A_1517 : vector<16xi32>
      %and3A_1519 = arith.constant 2048 : i32
      %and3A_1520 = vector.broadcast %and3A_1519 : i32 to vector<16xi32>
      %and3A_1521 = arith.andi %shift_right_logical3A_1518, %and3A_1520 : vector<16xi32>
      %or3A_1522 = arith.ori %or3A_1494, %and3A_1521 : vector<16xi32>
      %get3A_1523 = arith.constant 0 : i32
      %get3A_1524 = arith.constant 12 : i32
      %get3A_1525 = arith.index_cast %get3A_1523 : i32 to index
      %get3A_1526 = arith.index_cast %get3A_1524 : i32 to index
      %get3A_1527 = arith.index_cast %mul3A_1182 : i32 to index
      %get3A_1528 = tpu.vector_load %arg11[%get3A_1525, %get3A_1526, %get3A_1527] {strides = array<i32>} : memref<2x64x512xf32, #tpu.memory_space<vmem>>, vector<16xf32>,
      %bitcast3A_1529 = vector.bitcast %get3A_1528 : vector<16xf32> to vector<16xi32>
      %get3A_1530 = arith.constant 0 : i32
      %get3A_1531 = arith.constant 44 : i32
      %get3A_1532 = arith.index_cast %get3A_1530 : i32 to index
      %get3A_1533 = arith.index_cast %get3A_1531 : i32 to index
      %get3A_1534 = arith.index_cast %mul3A_1182 : i32 to index
      %get3A_1535 = tpu.vector_load %arg11[%get3A_1532, %get3A_1533, %get3A_1534] {strides = array<i32>} : memref<2x64x512xf32, #tpu.memory_space<vmem>>, vector<16xf32>,
      %bitcast3A_1536 = vector.bitcast %get3A_1535 : vector<16xf32> to vector<16xi32>
      %shift_right_logical3A_1537 = arith.constant 19 : i32
      %shift_right_logical3A_1538 = vector.broadcast %shift_right_logical3A_1537 : i32 to vector<16xi32>
      %shift_right_logical3A_1539 = arith.shrui %bitcast3A_1529, %shift_right_logical3A_1538 : vector<16xi32>
      %and3A_1540 = arith.constant 4096 : i32
      %and3A_1541 = vector.broadcast %and3A_1540 : i32 to vector<16xi32>
      %and3A_1542 = arith.andi %shift_right_logical3A_1539, %and3A_1541 : vector<16xi32>
      %or3A_1543 = arith.ori %or3A_1515, %and3A_1542 : vector<16xi32>
      %shift_right_logical3A_1544 = arith.constant 19 : i32
      %shift_right_logical3A_1545 = vector.broadcast %shift_right_logical3A_1544 : i32 to vector<16xi32>
      %shift_right_logical3A_1546 = arith.shrui %bitcast3A_1536, %shift_right_logical3A_1545 : vector<16xi32>
      %and3A_1547 = arith.constant 4096 : i32
      %and3A_1548 = vector.broadcast %and3A_1547 : i32 to vector<16xi32>
      %and3A_1549 = arith.andi %shift_right_logical3A_1546, %and3A_1548 : vector<16xi32>
      %or3A_1550 = arith.ori %or3A_1522, %and3A_1549 : vector<16xi32>
      %get3A_1551 = arith.constant 0 : i32
      %get3A_1552 = arith.constant 13 : i32
      %get3A_1553 = arith.index_cast %get3A_1551 : i32 to index
      %get3A_1554 = arith.index_cast %get3A_1552 : i32 to index
      %get3A_1555 = arith.index_cast %mul3A_1182 : i32 to index
      %get3A_1556 = tpu.vector_load %arg11[%get3A_1553, %get3A_1554, %get3A_1555] {strides = array<i32>} : memref<2x64x512xf32, #tpu.memory_space<vmem>>, vector<16xf32>,
      %bitcast3A_1557 = vector.bitcast %get3A_1556 : vector<16xf32> to vector<16xi32>
      %get3A_1558 = arith.constant 0 : i32
      %get3A_1559 = arith.constant 45 : i32
      %get3A_1560 = arith.index_cast %get3A_1558 : i32 to index
      %get3A_1561 = arith.index_cast %get3A_1559 : i32 to index
      %get3A_1562 = arith.index_cast %mul3A_1182 : i32 to index
      %get3A_1563 = tpu.vector_load %arg11[%get3A_1560, %get3A_1561, %get3A_1562] {strides = array<i32>} : memref<2x64x512xf32, #tpu.memory_space<vmem>>, vector<16xf32>,
      %bitcast3A_1564 = vector.bitcast %get3A_1563 : vector<16xf32> to vector<16xi32>
      %shift_right_logical3A_1565 = arith.constant 18 : i32
      %shift_right_logical3A_1566 = vector.broadcast %shift_right_logical3A_1565 : i32 to vector<16xi32>
      %shift_right_logical3A_1567 = arith.shrui %bitcast3A_1557, %shift_right_logical3A_1566 : vector<16xi32>
      %and3A_1568 = arith.constant 8192 : i32
      %and3A_1569 = vector.broadcast %and3A_1568 : i32 to vector<16xi32>
      %and3A_1570 = arith.andi %shift_right_logical3A_1567, %and3A_1569 : vector<16xi32>
      %or3A_1571 = arith.ori %or3A_1543, %and3A_1570 : vector<16xi32>
      %shift_right_logical3A_1572 = arith.constant 18 : i32
      %shift_right_logical3A_1573 = vector.broadcast %shift_right_logical3A_1572 : i32 to vector<16xi32>
      %shift_right_logical3A_1574 = arith.shrui %bitcast3A_1564, %shift_right_logical3A_1573 : vector<16xi32>
      %and3A_1575 = arith.constant 8192 : i32
      %and3A_1576 = vector.broadcast %and3A_1575 : i32 to vector<16xi32>
      %and3A_1577 = arith.andi %shift_right_logical3A_1574, %and3A_1576 : vector<16xi32>
      %or3A_1578 = arith.ori %or3A_1550, %and3A_1577 : vector<16xi32>
      %get3A_1579 = arith.constant 0 : i32
      %get3A_1580 = arith.constant 14 : i32
      %get3A_1581 = arith.index_cast %get3A_1579 : i32 to index
      %get3A_1582 = arith.index_cast %get3A_1580 : i32 to index
      %get3A_1583 = arith.index_cast %mul3A_1182 : i32 to index
      %get3A_1584 = tpu.vector_load %arg11[%get3A_1581, %get3A_1582, %get3A_1583] {strides = array<i32>} : memref<2x64x512xf32, #tpu.memory_space<vmem>>, vector<16xf32>,
      %bitcast3A_1585 = vector.bitcast %get3A_1584 : vector<16xf32> to vector<16xi32>
      %get3A_1586 = arith.constant 0 : i32
      %get3A_1587 = arith.constant 46 : i32
      %get3A_1588 = arith.index_cast %get3A_1586 : i32 to index
      %get3A_1589 = arith.index_cast %get3A_1587 : i32 to index
      %get3A_1590 = arith.index_cast %mul3A_1182 : i32 to index
      %get3A_1591 = tpu.vector_load %arg11[%get3A_1588, %get3A_1589, %get3A_1590] {strides = array<i32>} : memref<2x64x512xf32, #tpu.memory_space<vmem>>, vector<16xf32>,
      %bitcast3A_1592 = vector.bitcast %get3A_1591 : vector<16xf32> to vector<16xi32>
      %shift_right_logical3A_1593 = arith.constant 17 : i32
      %shift_right_logical3A_1594 = vector.broadcast %shift_right_logical3A_1593 : i32 to vector<16xi32>
      %shift_right_logical3A_1595 = arith.shrui %bitcast3A_1585, %shift_right_logical3A_1594 : vector<16xi32>
      %and3A_1596 = arith.constant 16384 : i32
      %and3A_1597 = vector.broadcast %and3A_1596 : i32 to vector<16xi32>
      %and3A_1598 = arith.andi %shift_right_logical3A_1595, %and3A_1597 : vector<16xi32>
      %or3A_1599 = arith.ori %or3A_1571, %and3A_1598 : vector<16xi32>
      %shift_right_logical3A_1600 = arith.constant 17 : i32
      %shift_right_logical3A_1601 = vector.broadcast %shift_right_logical3A_1600 : i32 to vector<16xi32>
      %shift_right_logical3A_1602 = arith.shrui %bitcast3A_1592, %shift_right_logical3A_1601 : vector<16xi32>
      %and3A_1603 = arith.constant 16384 : i32
      %and3A_1604 = vector.broadcast %and3A_1603 : i32 to vector<16xi32>
      %and3A_1605 = arith.andi %shift_right_logical3A_1602, %and3A_1604 : vector<16xi32>
      %or3A_1606 = arith.ori %or3A_1578, %and3A_1605 : vector<16xi32>
      %get3A_1607 = arith.constant 0 : i32
      %get3A_1608 = arith.constant 15 : i32
      %get3A_1609 = arith.index_cast %get3A_1607 : i32 to index
      %get3A_1610 = arith.index_cast %get3A_1608 : i32 to index
      %get3A_1611 = arith.index_cast %mul3A_1182 : i32 to index
      %get3A_1612 = tpu.vector_load %arg11[%get3A_1609, %get3A_1610, %get3A_1611] {strides = array<i32>} : memref<2x64x512xf32, #tpu.memory_space<vmem>>, vector<16xf32>,
      %bitcast3A_1613 = vector.bitcast %get3A_1612 : vector<16xf32> to vector<16xi32>
      %get3A_1614 = arith.constant 0 : i32
      %get3A_1615 = arith.constant 47 : i32
      %get3A_1616 = arith.index_cast %get3A_1614 : i32 to index
      %get3A_1617 = arith.index_cast %get3A_1615 : i32 to index
      %get3A_1618 = arith.index_cast %mul3A_1182 : i32 to index
      %get3A_1619 = tpu.vector_load %arg11[%get3A_1616, %get3A_1617, %get3A_1618] {strides = array<i32>} : memref<2x64x512xf32, #tpu.memory_space<vmem>>, vector<16xf32>,
      %bitcast3A_1620 = vector.bitcast %get3A_1619 : vector<16xf32> to vector<16xi32>
      %shift_right_logical3A_1621 = arith.constant 16 : i32
      %shift_right_logical3A_1622 = vector.broadcast %shift_right_logical3A_1621 : i32 to vector<16xi32>
      %shift_right_logical3A_1623 = arith.shrui %bitcast3A_1613, %shift_right_logical3A_1622 : vector<16xi32>
      %and3A_1624 = arith.constant 32768 : i32
      %and3A_1625 = vector.broadcast %and3A_1624 : i32 to vector<16xi32>
      %and3A_1626 = arith.andi %shift_right_logical3A_1623, %and3A_1625 : vector<16xi32>
      %or3A_1627 = arith.ori %or3A_1599, %and3A_1626 : vector<16xi32>
      %shift_right_logical3A_1628 = arith.constant 16 : i32
      %shift_right_logical3A_1629 = vector.broadcast %shift_right_logical3A_1628 : i32 to vector<16xi32>
      %shift_right_logical3A_1630 = arith.shrui %bitcast3A_1620, %shift_right_logical3A_1629 : vector<16xi32>
      %and3A_1631 = arith.constant 32768 : i32
      %and3A_1632 = vector.broadcast %and3A_1631 : i32 to vector<16xi32>
      %and3A_1633 = arith.andi %shift_right_logical3A_1630, %and3A_1632 : vector<16xi32>
      %or3A_1634 = arith.ori %or3A_1606, %and3A_1633 : vector<16xi32>
      %get3A_1635 = arith.constant 0 : i32
      %get3A_1636 = arith.constant 16 : i32
      %get3A_1637 = arith.index_cast %get3A_1635 : i32 to index
      %get3A_1638 = arith.index_cast %get3A_1636 : i32 to index
      %get3A_1639 = arith.index_cast %mul3A_1182 : i32 to index
      %get3A_1640 = tpu.vector_load %arg11[%get3A_1637, %get3A_1638, %get3A_1639] {strides = array<i32>} : memref<2x64x512xf32, #tpu.memory_space<vmem>>, vector<16xf32>,
      %bitcast3A_1641 = vector.bitcast %get3A_1640 : vector<16xf32> to vector<16xi32>
      %get3A_1642 = arith.constant 0 : i32
      %get3A_1643 = arith.constant 48 : i32
      %get3A_1644 = arith.index_cast %get3A_1642 : i32 to index
      %get3A_1645 = arith.index_cast %get3A_1643 : i32 to index
      %get3A_1646 = arith.index_cast %mul3A_1182 : i32 to index
      %get3A_1647 = tpu.vector_load %arg11[%get3A_1644, %get3A_1645, %get3A_1646] {strides = array<i32>} : memref<2x64x512xf32, #tpu.memory_space<vmem>>, vector<16xf32>,
      %bitcast3A_1648 = vector.bitcast %get3A_1647 : vector<16xf32> to vector<16xi32>
      %shift_right_logical3A_1649 = arith.constant 15 : i32
      %shift_right_logical3A_1650 = vector.broadcast %shift_right_logical3A_1649 : i32 to vector<16xi32>
      %shift_right_logical3A_1651 = arith.shrui %bitcast3A_1641, %shift_right_logical3A_1650 : vector<16xi32>
      %and3A_1652 = arith.constant 65536 : i32
      %and3A_1653 = vector.broadcast %and3A_1652 : i32 to vector<16xi32>
      %and3A_1654 = arith.andi %shift_right_logical3A_1651, %and3A_1653 : vector<16xi32>
      %or3A_1655 = arith.ori %or3A_1627, %and3A_1654 : vector<16xi32>
      %shift_right_logical3A_1656 = arith.constant 15 : i32
      %shift_right_logical3A_1657 = vector.broadcast %shift_right_logical3A_1656 : i32 to vector<16xi32>
      %shift_right_logical3A_1658 = arith.shrui %bitcast3A_1648, %shift_right_logical3A_1657 : vector<16xi32>
      %and3A_1659 = arith.constant 65536 : i32
      %and3A_1660 = vector.broadcast %and3A_1659 : i32 to vector<16xi32>
      %and3A_1661 = arith.andi %shift_right_logical3A_1658, %and3A_1660 : vector<16xi32>
      %or3A_1662 = arith.ori %or3A_1634, %and3A_1661 : vector<16xi32>
      %get3A_1663 = arith.constant 0 : i32
      %get3A_1664 = arith.constant 17 : i32
      %get3A_1665 = arith.index_cast %get3A_1663 : i32 to index
      %get3A_1666 = arith.index_cast %get3A_1664 : i32 to index
      %get3A_1667 = arith.index_cast %mul3A_1182 : i32 to index
      %get3A_1668 = tpu.vector_load %arg11[%get3A_1665, %get3A_1666, %get3A_1667] {strides = array<i32>} : memref<2x64x512xf32, #tpu.memory_space<vmem>>, vector<16xf32>,
      %bitcast3A_1669 = vector.bitcast %get3A_1668 : vector<16xf32> to vector<16xi32>
      %get3A_1670 = arith.constant 0 : i32
      %get3A_1671 = arith.constant 49 : i32
      %get3A_1672 = arith.index_cast %get3A_1670 : i32 to index
      %get3A_1673 = arith.index_cast %get3A_1671 : i32 to index
      %get3A_1674 = arith.index_cast %mul3A_1182 : i32 to index
      %get3A_1675 = tpu.vector_load %arg11[%get3A_1672, %get3A_1673, %get3A_1674] {strides = array<i32>} : memref<2x64x512xf32, #tpu.memory_space<vmem>>, vector<16xf32>,
      %bitcast3A_1676 = vector.bitcast %get3A_1675 : vector<16xf32> to vector<16xi32>
      %shift_right_logical3A_1677 = arith.constant 14 : i32
      %shift_right_logical3A_1678 = vector.broadcast %shift_right_logical3A_1677 : i32 to vector<16xi32>
      %shift_right_logical3A_1679 = arith.shrui %bitcast3A_1669, %shift_right_logical3A_1678 : vector<16xi32>
      %and3A_1680 = arith.constant 131072 : i32
      %and3A_1681 = vector.broadcast %and3A_1680 : i32 to vector<16xi32>
      %and3A_1682 = arith.andi %shift_right_logical3A_1679, %and3A_1681 : vector<16xi32>
      %or3A_1683 = arith.ori %or3A_1655, %and3A_1682 : vector<16xi32>
      %shift_right_logical3A_1684 = arith.constant 14 : i32
      %shift_right_logical3A_1685 = vector.broadcast %shift_right_logical3A_1684 : i32 to vector<16xi32>
      %shift_right_logical3A_1686 = arith.shrui %bitcast3A_1676, %shift_right_logical3A_1685 : vector<16xi32>
      %and3A_1687 = arith.constant 131072 : i32
      %and3A_1688 = vector.broadcast %and3A_1687 : i32 to vector<16xi32>
      %and3A_1689 = arith.andi %shift_right_logical3A_1686, %and3A_1688 : vector<16xi32>
      %or3A_1690 = arith.ori %or3A_1662, %and3A_1689 : vector<16xi32>
      %get3A_1691 = arith.constant 0 : i32
      %get3A_1692 = arith.constant 18 : i32
      %get3A_1693 = arith.index_cast %get3A_1691 : i32 to index
      %get3A_1694 = arith.index_cast %get3A_1692 : i32 to index
      %get3A_1695 = arith.index_cast %mul3A_1182 : i32 to index
      %get3A_1696 = tpu.vector_load %arg11[%get3A_1693, %get3A_1694, %get3A_1695] {strides = array<i32>} : memref<2x64x512xf32, #tpu.memory_space<vmem>>, vector<16xf32>,
      %bitcast3A_1697 = vector.bitcast %get3A_1696 : vector<16xf32> to vector<16xi32>
      %get3A_1698 = arith.constant 0 : i32
      %get3A_1699 = arith.constant 50 : i32
      %get3A_1700 = arith.index_cast %get3A_1698 : i32 to index
      %get3A_1701 = arith.index_cast %get3A_1699 : i32 to index
      %get3A_1702 = arith.index_cast %mul3A_1182 : i32 to index
      %get3A_1703 = tpu.vector_load %arg11[%get3A_1700, %get3A_1701, %get3A_1702] {strides = array<i32>} : memref<2x64x512xf32, #tpu.memory_space<vmem>>, vector<16xf32>,
      %bitcast3A_1704 = vector.bitcast %get3A_1703 : vector<16xf32> to vector<16xi32>
      %shift_right_logical3A_1705 = arith.constant 13 : i32
      %shift_right_logical3A_1706 = vector.broadcast %shift_right_logical3A_1705 : i32 to vector<16xi32>
      %shift_right_logical3A_1707 = arith.shrui %bitcast3A_1697, %shift_right_logical3A_1706 : vector<16xi32>
      %and3A_1708 = arith.constant 262144 : i32
      %and3A_1709 = vector.broadcast %and3A_1708 : i32 to vector<16xi32>
      %and3A_1710 = arith.andi %shift_right_logical3A_1707, %and3A_1709 : vector<16xi32>
      %or3A_1711 = arith.ori %or3A_1683, %and3A_1710 : vector<16xi32>
      %shift_right_logical3A_1712 = arith.constant 13 : i32
      %shift_right_logical3A_1713 = vector.broadcast %shift_right_logical3A_1712 : i32 to vector<16xi32>
      %shift_right_logical3A_1714 = arith.shrui %bitcast3A_1704, %shift_right_logical3A_1713 : vector<16xi32>
      %and3A_1715 = arith.constant 262144 : i32
      %and3A_1716 = vector.broadcast %and3A_1715 : i32 to vector<16xi32>
      %and3A_1717 = arith.andi %shift_right_logical3A_1714, %and3A_1716 : vector<16xi32>
      %or3A_1718 = arith.ori %or3A_1690, %and3A_1717 : vector<16xi32>
      %get3A_1719 = arith.constant 0 : i32
      %get3A_1720 = arith.constant 19 : i32
      %get3A_1721 = arith.index_cast %get3A_1719 : i32 to index
      %get3A_1722 = arith.index_cast %get3A_1720 : i32 to index
      %get3A_1723 = arith.index_cast %mul3A_1182 : i32 to index
      %get3A_1724 = tpu.vector_load %arg11[%get3A_1721, %get3A_1722, %get3A_1723] {strides = array<i32>} : memref<2x64x512xf32, #tpu.memory_space<vmem>>, vector<16xf32>,
      %bitcast3A_1725 = vector.bitcast %get3A_1724 : vector<16xf32> to vector<16xi32>
      %get3A_1726 = arith.constant 0 : i32
      %get3A_1727 = arith.constant 51 : i32
      %get3A_1728 = arith.index_cast %get3A_1726 : i32 to index
      %get3A_1729 = arith.index_cast %get3A_1727 : i32 to index
      %get3A_1730 = arith.index_cast %mul3A_1182 : i32 to index
      %get3A_1731 = tpu.vector_load %arg11[%get3A_1728, %get3A_1729, %get3A_1730] {strides = array<i32>} : memref<2x64x512xf32, #tpu.memory_space<vmem>>, vector<16xf32>,
      %bitcast3A_1732 = vector.bitcast %get3A_1731 : vector<16xf32> to vector<16xi32>
      %shift_right_logical3A_1733 = arith.constant 12 : i32
      %shift_right_logical3A_1734 = vector.broadcast %shift_right_logical3A_1733 : i32 to vector<16xi32>
      %shift_right_logical3A_1735 = arith.shrui %bitcast3A_1725, %shift_right_logical3A_1734 : vector<16xi32>
      %and3A_1736 = arith.constant 524288 : i32
      %and3A_1737 = vector.broadcast %and3A_1736 : i32 to vector<16xi32>
      %and3A_1738 = arith.andi %shift_right_logical3A_1735, %and3A_1737 : vector<16xi32>
      %or3A_1739 = arith.ori %or3A_1711, %and3A_1738 : vector<16xi32>
      %shift_right_logical3A_1740 = arith.constant 12 : i32
      %shift_right_logical3A_1741 = vector.broadcast %shift_right_logical3A_1740 : i32 to vector<16xi32>
      %shift_right_logical3A_1742 = arith.shrui %bitcast3A_1732, %shift_right_logical3A_1741 : vector<16xi32>
      %and3A_1743 = arith.constant 524288 : i32
      %and3A_1744 = vector.broadcast %and3A_1743 : i32 to vector<16xi32>
      %and3A_1745 = arith.andi %shift_right_logical3A_1742, %and3A_1744 : vector<16xi32>
      %or3A_1746 = arith.ori %or3A_1718, %and3A_1745 : vector<16xi32>
      %get3A_1747 = arith.constant 0 : i32
      %get3A_1748 = arith.constant 20 : i32
      %get3A_1749 = arith.index_cast %get3A_1747 : i32 to index
      %get3A_1750 = arith.index_cast %get3A_1748 : i32 to index
      %get3A_1751 = arith.index_cast %mul3A_1182 : i32 to index
      %get3A_1752 = tpu.vector_load %arg11[%get3A_1749, %get3A_1750, %get3A_1751] {strides = array<i32>} : memref<2x64x512xf32, #tpu.memory_space<vmem>>, vector<16xf32>,
      %bitcast3A_1753 = vector.bitcast %get3A_1752 : vector<16xf32> to vector<16xi32>
      %get3A_1754 = arith.constant 0 : i32
      %get3A_1755 = arith.constant 52 : i32
      %get3A_1756 = arith.index_cast %get3A_1754 : i32 to index
      %get3A_1757 = arith.index_cast %get3A_1755 : i32 to index
      %get3A_1758 = arith.index_cast %mul3A_1182 : i32 to index
      %get3A_1759 = tpu.vector_load %arg11[%get3A_1756, %get3A_1757, %get3A_1758] {strides = array<i32>} : memref<2x64x512xf32, #tpu.memory_space<vmem>>, vector<16xf32>,
      %bitcast3A_1760 = vector.bitcast %get3A_1759 : vector<16xf32> to vector<16xi32>
      %shift_right_logical3A_1761 = arith.constant 11 : i32
      %shift_right_logical3A_1762 = vector.broadcast %shift_right_logical3A_1761 : i32 to vector<16xi32>
      %shift_right_logical3A_1763 = arith.shrui %bitcast3A_1753, %shift_right_logical3A_1762 : vector<16xi32>
      %and3A_1764 = arith.constant 1048576 : i32
      %and3A_1765 = vector.broadcast %and3A_1764 : i32 to vector<16xi32>
      %and3A_1766 = arith.andi %shift_right_logical3A_1763, %and3A_1765 : vector<16xi32>
      %or3A_1767 = arith.ori %or3A_1739, %and3A_1766 : vector<16xi32>
      %shift_right_logical3A_1768 = arith.constant 11 : i32
      %shift_right_logical3A_1769 = vector.broadcast %shift_right_logical3A_1768 : i32 to vector<16xi32>
      %shift_right_logical3A_1770 = arith.shrui %bitcast3A_1760, %shift_right_logical3A_1769 : vector<16xi32>
      %and3A_1771 = arith.constant 1048576 : i32
      %and3A_1772 = vector.broadcast %and3A_1771 : i32 to vector<16xi32>
      %and3A_1773 = arith.andi %shift_right_logical3A_1770, %and3A_1772 : vector<16xi32>
      %or3A_1774 = arith.ori %or3A_1746, %and3A_1773 : vector<16xi32>
      %get3A_1775 = arith.constant 0 : i32
      %get3A_1776 = arith.constant 21 : i32
      %get3A_1777 = arith.index_cast %get3A_1775 : i32 to index
      %get3A_1778 = arith.index_cast %get3A_1776 : i32 to index
      %get3A_1779 = arith.index_cast %mul3A_1182 : i32 to index
      %get3A_1780 = tpu.vector_load %arg11[%get3A_1777, %get3A_1778, %get3A_1779] {strides = array<i32>} : memref<2x64x512xf32, #tpu.memory_space<vmem>>, vector<16xf32>,
      %bitcast3A_1781 = vector.bitcast %get3A_1780 : vector<16xf32> to vector<16xi32>
      %get3A_1782 = arith.constant 0 : i32
      %get3A_1783 = arith.constant 53 : i32
      %get3A_1784 = arith.index_cast %get3A_1782 : i32 to index
      %get3A_1785 = arith.index_cast %get3A_1783 : i32 to index
      %get3A_1786 = arith.index_cast %mul3A_1182 : i32 to index
      %get3A_1787 = tpu.vector_load %arg11[%get3A_1784, %get3A_1785, %get3A_1786] {strides = array<i32>} : memref<2x64x512xf32, #tpu.memory_space<vmem>>, vector<16xf32>,
      %bitcast3A_1788 = vector.bitcast %get3A_1787 : vector<16xf32> to vector<16xi32>
      %shift_right_logical3A_1789 = arith.constant 10 : i32
      %shift_right_logical3A_1790 = vector.broadcast %shift_right_logical3A_1789 : i32 to vector<16xi32>
      %shift_right_logical3A_1791 = arith.shrui %bitcast3A_1781, %shift_right_logical3A_1790 : vector<16xi32>
      %and3A_1792 = arith.constant 2097152 : i32
      %and3A_1793 = vector.broadcast %and3A_1792 : i32 to vector<16xi32>
      %and3A_1794 = arith.andi %shift_right_logical3A_1791, %and3A_1793 : vector<16xi32>
      %or3A_1795 = arith.ori %or3A_1767, %and3A_1794 : vector<16xi32>
      %shift_right_logical3A_1796 = arith.constant 10 : i32
      %shift_right_logical3A_1797 = vector.broadcast %shift_right_logical3A_1796 : i32 to vector<16xi32>
      %shift_right_logical3A_1798 = arith.shrui %bitcast3A_1788, %shift_right_logical3A_1797 : vector<16xi32>
      %and3A_1799 = arith.constant 2097152 : i32
      %and3A_1800 = vector.broadcast %and3A_1799 : i32 to vector<16xi32>
      %and3A_1801 = arith.andi %shift_right_logical3A_1798, %and3A_1800 : vector<16xi32>
      %or3A_1802 = arith.ori %or3A_1774, %and3A_1801 : vector<16xi32>
      %get3A_1803 = arith.constant 0 : i32
      %get3A_1804 = arith.constant 22 : i32
      %get3A_1805 = arith.index_cast %get3A_1803 : i32 to index
      %get3A_1806 = arith.index_cast %get3A_1804 : i32 to index
      %get3A_1807 = arith.index_cast %mul3A_1182 : i32 to index
      %get3A_1808 = tpu.vector_load %arg11[%get3A_1805, %get3A_1806, %get3A_1807] {strides = array<i32>} : memref<2x64x512xf32, #tpu.memory_space<vmem>>, vector<16xf32>,
      %bitcast3A_1809 = vector.bitcast %get3A_1808 : vector<16xf32> to vector<16xi32>
      %get3A_1810 = arith.constant 0 : i32
      %get3A_1811 = arith.constant 54 : i32
      %get3A_1812 = arith.index_cast %get3A_1810 : i32 to index
      %get3A_1813 = arith.index_cast %get3A_1811 : i32 to index
      %get3A_1814 = arith.index_cast %mul3A_1182 : i32 to index
      %get3A_1815 = tpu.vector_load %arg11[%get3A_1812, %get3A_1813, %get3A_1814] {strides = array<i32>} : memref<2x64x512xf32, #tpu.memory_space<vmem>>, vector<16xf32>,
      %bitcast3A_1816 = vector.bitcast %get3A_1815 : vector<16xf32> to vector<16xi32>
      %shift_right_logical3A_1817 = arith.constant 9 : i32
      %shift_right_logical3A_1818 = vector.broadcast %shift_right_logical3A_1817 : i32 to vector<16xi32>
      %shift_right_logical3A_1819 = arith.shrui %bitcast3A_1809, %shift_right_logical3A_1818 : vector<16xi32>
      %and3A_1820 = arith.constant 4194304 : i32
      %and3A_1821 = vector.broadcast %and3A_1820 : i32 to vector<16xi32>
      %and3A_1822 = arith.andi %shift_right_logical3A_1819, %and3A_1821 : vector<16xi32>
      %or3A_1823 = arith.ori %or3A_1795, %and3A_1822 : vector<16xi32>
      %shift_right_logical3A_1824 = arith.constant 9 : i32
      %shift_right_logical3A_1825 = vector.broadcast %shift_right_logical3A_1824 : i32 to vector<16xi32>
      %shift_right_logical3A_1826 = arith.shrui %bitcast3A_1816, %shift_right_logical3A_1825 : vector<16xi32>
      %and3A_1827 = arith.constant 4194304 : i32
      %and3A_1828 = vector.broadcast %and3A_1827 : i32 to vector<16xi32>
      %and3A_1829 = arith.andi %shift_right_logical3A_1826, %and3A_1828 : vector<16xi32>
      %or3A_1830 = arith.ori %or3A_1802, %and3A_1829 : vector<16xi32>
      %get3A_1831 = arith.constant 0 : i32
      %get3A_1832 = arith.constant 23 : i32
      %get3A_1833 = arith.index_cast %get3A_1831 : i32 to index
      %get3A_1834 = arith.index_cast %get3A_1832 : i32 to index
      %get3A_1835 = arith.index_cast %mul3A_1182 : i32 to index
      %get3A_1836 = tpu.vector_load %arg11[%get3A_1833, %get3A_1834, %get3A_1835] {strides = array<i32>} : memref<2x64x512xf32, #tpu.memory_space<vmem>>, vector<16xf32>,
      %bitcast3A_1837 = vector.bitcast %get3A_1836 : vector<16xf32> to vector<16xi32>
      %get3A_1838 = arith.constant 0 : i32
      %get3A_1839 = arith.constant 55 : i32
      %get3A_1840 = arith.index_cast %get3A_1838 : i32 to index
      %get3A_1841 = arith.index_cast %get3A_1839 : i32 to index
      %get3A_1842 = arith.index_cast %mul3A_1182 : i32 to index
      %get3A_1843 = tpu.vector_load %arg11[%get3A_1840, %get3A_1841, %get3A_1842] {strides = array<i32>} : memref<2x64x512xf32, #tpu.memory_space<vmem>>, vector<16xf32>,
      %bitcast3A_1844 = vector.bitcast %get3A_1843 : vector<16xf32> to vector<16xi32>
      %shift_right_logical3A_1845 = arith.constant 8 : i32
      %shift_right_logical3A_1846 = vector.broadcast %shift_right_logical3A_1845 : i32 to vector<16xi32>
      %shift_right_logical3A_1847 = arith.shrui %bitcast3A_1837, %shift_right_logical3A_1846 : vector<16xi32>
      %and3A_1848 = arith.constant 8388608 : i32
      %and3A_1849 = vector.broadcast %and3A_1848 : i32 to vector<16xi32>
      %and3A_1850 = arith.andi %shift_right_logical3A_1847, %and3A_1849 : vector<16xi32>
      %or3A_1851 = arith.ori %or3A_1823, %and3A_1850 : vector<16xi32>
      %shift_right_logical3A_1852 = arith.constant 8 : i32
      %shift_right_logical3A_1853 = vector.broadcast %shift_right_logical3A_1852 : i32 to vector<16xi32>
      %shift_right_logical3A_1854 = arith.shrui %bitcast3A_1844, %shift_right_logical3A_1853 : vector<16xi32>
      %and3A_1855 = arith.constant 8388608 : i32
      %and3A_1856 = vector.broadcast %and3A_1855 : i32 to vector<16xi32>
      %and3A_1857 = arith.andi %shift_right_logical3A_1854, %and3A_1856 : vector<16xi32>
      %or3A_1858 = arith.ori %or3A_1830, %and3A_1857 : vector<16xi32>
      %get3A_1859 = arith.constant 0 : i32
      %get3A_1860 = arith.constant 24 : i32
      %get3A_1861 = arith.index_cast %get3A_1859 : i32 to index
      %get3A_1862 = arith.index_cast %get3A_1860 : i32 to index
      %get3A_1863 = arith.index_cast %mul3A_1182 : i32 to index
      %get3A_1864 = tpu.vector_load %arg11[%get3A_1861, %get3A_1862, %get3A_1863] {strides = array<i32>} : memref<2x64x512xf32, #tpu.memory_space<vmem>>, vector<16xf32>,
      %bitcast3A_1865 = vector.bitcast %get3A_1864 : vector<16xf32> to vector<16xi32>
      %get3A_1866 = arith.constant 0 : i32
      %get3A_1867 = arith.constant 56 : i32
      %get3A_1868 = arith.index_cast %get3A_1866 : i32 to index
      %get3A_1869 = arith.index_cast %get3A_1867 : i32 to index
      %get3A_1870 = arith.index_cast %mul3A_1182 : i32 to index
      %get3A_1871 = tpu.vector_load %arg11[%get3A_1868, %get3A_1869, %get3A_1870] {strides = array<i32>} : memref<2x64x512xf32, #tpu.memory_space<vmem>>, vector<16xf32>,
      %bitcast3A_1872 = vector.bitcast %get3A_1871 : vector<16xf32> to vector<16xi32>
      %shift_right_logical3A_1873 = arith.constant 7 : i32
      %shift_right_logical3A_1874 = vector.broadcast %shift_right_logical3A_1873 : i32 to vector<16xi32>
      %shift_right_logical3A_1875 = arith.shrui %bitcast3A_1865, %shift_right_logical3A_1874 : vector<16xi32>
      %and3A_1876 = arith.constant 16777216 : i32
      %and3A_1877 = vector.broadcast %and3A_1876 : i32 to vector<16xi32>
      %and3A_1878 = arith.andi %shift_right_logical3A_1875, %and3A_1877 : vector<16xi32>
      %or3A_1879 = arith.ori %or3A_1851, %and3A_1878 : vector<16xi32>
      %shift_right_logical3A_1880 = arith.constant 7 : i32
      %shift_right_logical3A_1881 = vector.broadcast %shift_right_logical3A_1880 : i32 to vector<16xi32>
      %shift_right_logical3A_1882 = arith.shrui %bitcast3A_1872, %shift_right_logical3A_1881 : vector<16xi32>
      %and3A_1883 = arith.constant 16777216 : i32
      %and3A_1884 = vector.broadcast %and3A_1883 : i32 to vector<16xi32>
      %and3A_1885 = arith.andi %shift_right_logical3A_1882, %and3A_1884 : vector<16xi32>
      %or3A_1886 = arith.ori %or3A_1858, %and3A_1885 : vector<16xi32>
      %get3A_1887 = arith.constant 0 : i32
      %get3A_1888 = arith.constant 25 : i32
      %get3A_1889 = arith.index_cast %get3A_1887 : i32 to index
      %get3A_1890 = arith.index_cast %get3A_1888 : i32 to index
      %get3A_1891 = arith.index_cast %mul3A_1182 : i32 to index
      %get3A_1892 = tpu.vector_load %arg11[%get3A_1889, %get3A_1890, %get3A_1891] {strides = array<i32>} : memref<2x64x512xf32, #tpu.memory_space<vmem>>, vector<16xf32>,
      %bitcast3A_1893 = vector.bitcast %get3A_1892 : vector<16xf32> to vector<16xi32>
      %get3A_1894 = arith.constant 0 : i32
      %get3A_1895 = arith.constant 57 : i32
      %get3A_1896 = arith.index_cast %get3A_1894 : i32 to index
      %get3A_1897 = arith.index_cast %get3A_1895 : i32 to index
      %get3A_1898 = arith.index_cast %mul3A_1182 : i32 to index
      %get3A_1899 = tpu.vector_load %arg11[%get3A_1896, %get3A_1897, %get3A_1898] {strides = array<i32>} : memref<2x64x512xf32, #tpu.memory_space<vmem>>, vector<16xf32>,
      %bitcast3A_1900 = vector.bitcast %get3A_1899 : vector<16xf32> to vector<16xi32>
      %shift_right_logical3A_1901 = arith.constant 6 : i32
      %shift_right_logical3A_1902 = vector.broadcast %shift_right_logical3A_1901 : i32 to vector<16xi32>
      %shift_right_logical3A_1903 = arith.shrui %bitcast3A_1893, %shift_right_logical3A_1902 : vector<16xi32>
      %and3A_1904 = arith.constant 33554432 : i32
      %and3A_1905 = vector.broadcast %and3A_1904 : i32 to vector<16xi32>
      %and3A_1906 = arith.andi %shift_right_logical3A_1903, %and3A_1905 : vector<16xi32>
      %or3A_1907 = arith.ori %or3A_1879, %and3A_1906 : vector<16xi32>
      %shift_right_logical3A_1908 = arith.constant 6 : i32
      %shift_right_logical3A_1909 = vector.broadcast %shift_right_logical3A_1908 : i32 to vector<16xi32>
      %shift_right_logical3A_1910 = arith.shrui %bitcast3A_1900, %shift_right_logical3A_1909 : vector<16xi32>
      %and3A_1911 = arith.constant 33554432 : i32
      %and3A_1912 = vector.broadcast %and3A_1911 : i32 to vector<16xi32>
      %and3A_1913 = arith.andi %shift_right_logical3A_1910, %and3A_1912 : vector<16xi32>
      %or3A_1914 = arith.ori %or3A_1886, %and3A_1913 : vector<16xi32>
      %get3A_1915 = arith.constant 0 : i32
      %get3A_1916 = arith.constant 26 : i32
      %get3A_1917 = arith.index_cast %get3A_1915 : i32 to index
      %get3A_1918 = arith.index_cast %get3A_1916 : i32 to index
      %get3A_1919 = arith.index_cast %mul3A_1182 : i32 to index
      %get3A_1920 = tpu.vector_load %arg11[%get3A_1917, %get3A_1918, %get3A_1919] {strides = array<i32>} : memref<2x64x512xf32, #tpu.memory_space<vmem>>, vector<16xf32>,
      %bitcast3A_1921 = vector.bitcast %get3A_1920 : vector<16xf32> to vector<16xi32>
      %get3A_1922 = arith.constant 0 : i32
      %get3A_1923 = arith.constant 58 : i32
      %get3A_1924 = arith.index_cast %get3A_1922 : i32 to index
      %get3A_1925 = arith.index_cast %get3A_1923 : i32 to index
      %get3A_1926 = arith.index_cast %mul3A_1182 : i32 to index
      %get3A_1927 = tpu.vector_load %arg11[%get3A_1924, %get3A_1925, %get3A_1926] {strides = array<i32>} : memref<2x64x512xf32, #tpu.memory_space<vmem>>, vector<16xf32>,
      %bitcast3A_1928 = vector.bitcast %get3A_1927 : vector<16xf32> to vector<16xi32>
      %shift_right_logical3A_1929 = arith.constant 5 : i32
      %shift_right_logical3A_1930 = vector.broadcast %shift_right_logical3A_1929 : i32 to vector<16xi32>
      %shift_right_logical3A_1931 = arith.shrui %bitcast3A_1921, %shift_right_logical3A_1930 : vector<16xi32>
      %and3A_1932 = arith.constant 67108864 : i32
      %and3A_1933 = vector.broadcast %and3A_1932 : i32 to vector<16xi32>
      %and3A_1934 = arith.andi %shift_right_logical3A_1931, %and3A_1933 : vector<16xi32>
      %or3A_1935 = arith.ori %or3A_1907, %and3A_1934 : vector<16xi32>
      %shift_right_logical3A_1936 = arith.constant 5 : i32
      %shift_right_logical3A_1937 = vector.broadcast %shift_right_logical3A_1936 : i32 to vector<16xi32>
      %shift_right_logical3A_1938 = arith.shrui %bitcast3A_1928, %shift_right_logical3A_1937 : vector<16xi32>
      %and3A_1939 = arith.constant 67108864 : i32
      %and3A_1940 = vector.broadcast %and3A_1939 : i32 to vector<16xi32>
      %and3A_1941 = arith.andi %shift_right_logical3A_1938, %and3A_1940 : vector<16xi32>
      %or3A_1942 = arith.ori %or3A_1914, %and3A_1941 : vector<16xi32>
      %get3A_1943 = arith.constant 0 : i32
      %get3A_1944 = arith.constant 27 : i32
      %get3A_1945 = arith.index_cast %get3A_1943 : i32 to index
      %get3A_1946 = arith.index_cast %get3A_1944 : i32 to index
      %get3A_1947 = arith.index_cast %mul3A_1182 : i32 to index
      %get3A_1948 = tpu.vector_load %arg11[%get3A_1945, %get3A_1946, %get3A_1947] {strides = array<i32>} : memref<2x64x512xf32, #tpu.memory_space<vmem>>, vector<16xf32>,
      %bitcast3A_1949 = vector.bitcast %get3A_1948 : vector<16xf32> to vector<16xi32>
      %get3A_1950 = arith.constant 0 : i32
      %get3A_1951 = arith.constant 59 : i32
      %get3A_1952 = arith.index_cast %get3A_1950 : i32 to index
      %get3A_1953 = arith.index_cast %get3A_1951 : i32 to index
      %get3A_1954 = arith.index_cast %mul3A_1182 : i32 to index
      %get3A_1955 = tpu.vector_load %arg11[%get3A_1952, %get3A_1953, %get3A_1954] {strides = array<i32>} : memref<2x64x512xf32, #tpu.memory_space<vmem>>, vector<16xf32>,
      %bitcast3A_1956 = vector.bitcast %get3A_1955 : vector<16xf32> to vector<16xi32>
      %shift_right_logical3A_1957 = arith.constant 4 : i32
      %shift_right_logical3A_1958 = vector.broadcast %shift_right_logical3A_1957 : i32 to vector<16xi32>
      %shift_right_logical3A_1959 = arith.shrui %bitcast3A_1949, %shift_right_logical3A_1958 : vector<16xi32>
      %and3A_1960 = arith.constant 134217728 : i32
      %and3A_1961 = vector.broadcast %and3A_1960 : i32 to vector<16xi32>
      %and3A_1962 = arith.andi %shift_right_logical3A_1959, %and3A_1961 : vector<16xi32>
      %or3A_1963 = arith.ori %or3A_1935, %and3A_1962 : vector<16xi32>
      %shift_right_logical3A_1964 = arith.constant 4 : i32
      %shift_right_logical3A_1965 = vector.broadcast %shift_right_logical3A_1964 : i32 to vector<16xi32>
      %shift_right_logical3A_1966 = arith.shrui %bitcast3A_1956, %shift_right_logical3A_1965 : vector<16xi32>
      %and3A_1967 = arith.constant 134217728 : i32
      %and3A_1968 = vector.broadcast %and3A_1967 : i32 to vector<16xi32>
      %and3A_1969 = arith.andi %shift_right_logical3A_1966, %and3A_1968 : vector<16xi32>
      %or3A_1970 = arith.ori %or3A_1942, %and3A_1969 : vector<16xi32>
      %get3A_1971 = arith.constant 0 : i32
      %get3A_1972 = arith.constant 28 : i32
      %get3A_1973 = arith.index_cast %get3A_1971 : i32 to index
      %get3A_1974 = arith.index_cast %get3A_1972 : i32 to index
      %get3A_1975 = arith.index_cast %mul3A_1182 : i32 to index
      %get3A_1976 = tpu.vector_load %arg11[%get3A_1973, %get3A_1974, %get3A_1975] {strides = array<i32>} : memref<2x64x512xf32, #tpu.memory_space<vmem>>, vector<16xf32>,
      %bitcast3A_1977 = vector.bitcast %get3A_1976 : vector<16xf32> to vector<16xi32>
      %get3A_1978 = arith.constant 0 : i32
      %get3A_1979 = arith.constant 60 : i32
      %get3A_1980 = arith.index_cast %get3A_1978 : i32 to index
      %get3A_1981 = arith.index_cast %get3A_1979 : i32 to index
      %get3A_1982 = arith.index_cast %mul3A_1182 : i32 to index
      %get3A_1983 = tpu.vector_load %arg11[%get3A_1980, %get3A_1981, %get3A_1982] {strides = array<i32>} : memref<2x64x512xf32, #tpu.memory_space<vmem>>, vector<16xf32>,
      %bitcast3A_1984 = vector.bitcast %get3A_1983 : vector<16xf32> to vector<16xi32>
      %shift_right_logical3A_1985 = arith.constant 3 : i32
      %shift_right_logical3A_1986 = vector.broadcast %shift_right_logical3A_1985 : i32 to vector<16xi32>
      %shift_right_logical3A_1987 = arith.shrui %bitcast3A_1977, %shift_right_logical3A_1986 : vector<16xi32>
      %and3A_1988 = arith.constant 268435456 : i32
      %and3A_1989 = vector.broadcast %and3A_1988 : i32 to vector<16xi32>
      %and3A_1990 = arith.andi %shift_right_logical3A_1987, %and3A_1989 : vector<16xi32>
      %or3A_1991 = arith.ori %or3A_1963, %and3A_1990 : vector<16xi32>
      %shift_right_logical3A_1992 = arith.constant 3 : i32
      %shift_right_logical3A_1993 = vector.broadcast %shift_right_logical3A_1992 : i32 to vector<16xi32>
      %shift_right_logical3A_1994 = arith.shrui %bitcast3A_1984, %shift_right_logical3A_1993 : vector<16xi32>
      %and3A_1995 = arith.constant 268435456 : i32
      %and3A_1996 = vector.broadcast %and3A_1995 : i32 to vector<16xi32>
      %and3A_1997 = arith.andi %shift_right_logical3A_1994, %and3A_1996 : vector<16xi32>
      %or3A_1998 = arith.ori %or3A_1970, %and3A_1997 : vector<16xi32>
      %get3A_1999 = arith.constant 0 : i32
      %get3A_2000 = arith.constant 29 : i32
      %get3A_2001 = arith.index_cast %get3A_1999 : i32 to index
      %get3A_2002 = arith.index_cast %get3A_2000 : i32 to index
      %get3A_2003 = arith.index_cast %mul3A_1182 : i32 to index
      %get3A_2004 = tpu.vector_load %arg11[%get3A_2001, %get3A_2002, %get3A_2003] {strides = array<i32>} : memref<2x64x512xf32, #tpu.memory_space<vmem>>, vector<16xf32>,
      %bitcast3A_2005 = vector.bitcast %get3A_2004 : vector<16xf32> to vector<16xi32>
      %get3A_2006 = arith.constant 0 : i32
      %get3A_2007 = arith.constant 61 : i32
      %get3A_2008 = arith.index_cast %get3A_2006 : i32 to index
      %get3A_2009 = arith.index_cast %get3A_2007 : i32 to index
      %get3A_2010 = arith.index_cast %mul3A_1182 : i32 to index
      %get3A_2011 = tpu.vector_load %arg11[%get3A_2008, %get3A_2009, %get3A_2010] {strides = array<i32>} : memref<2x64x512xf32, #tpu.memory_space<vmem>>, vector<16xf32>,
      %bitcast3A_2012 = vector.bitcast %get3A_2011 : vector<16xf32> to vector<16xi32>
      %shift_right_logical3A_2013 = arith.constant 2 : i32
      %shift_right_logical3A_2014 = vector.broadcast %shift_right_logical3A_2013 : i32 to vector<16xi32>
      %shift_right_logical3A_2015 = arith.shrui %bitcast3A_2005, %shift_right_logical3A_2014 : vector<16xi32>
      %and3A_2016 = arith.constant 536870912 : i32
      %and3A_2017 = vector.broadcast %and3A_2016 : i32 to vector<16xi32>
      %and3A_2018 = arith.andi %shift_right_logical3A_2015, %and3A_2017 : vector<16xi32>
      %or3A_2019 = arith.ori %or3A_1991, %and3A_2018 : vector<16xi32>
      %shift_right_logical3A_2020 = arith.constant 2 : i32
      %shift_right_logical3A_2021 = vector.broadcast %shift_right_logical3A_2020 : i32 to vector<16xi32>
      %shift_right_logical3A_2022 = arith.shrui %bitcast3A_2012, %shift_right_logical3A_2021 : vector<16xi32>
      %and3A_2023 = arith.constant 536870912 : i32
      %and3A_2024 = vector.broadcast %and3A_2023 : i32 to vector<16xi32>
      %and3A_2025 = arith.andi %shift_right_logical3A_2022, %and3A_2024 : vector<16xi32>
      %or3A_2026 = arith.ori %or3A_1998, %and3A_2025 : vector<16xi32>
      %get3A_2027 = arith.constant 0 : i32
      %get3A_2028 = arith.constant 30 : i32
      %get3A_2029 = arith.index_cast %get3A_2027 : i32 to index
      %get3A_2030 = arith.index_cast %get3A_2028 : i32 to index
      %get3A_2031 = arith.index_cast %mul3A_1182 : i32 to index
      %get3A_2032 = tpu.vector_load %arg11[%get3A_2029, %get3A_2030, %get3A_2031] {strides = array<i32>} : memref<2x64x512xf32, #tpu.memory_space<vmem>>, vector<16xf32>,
      %bitcast3A_2033 = vector.bitcast %get3A_2032 : vector<16xf32> to vector<16xi32>
      %get3A_2034 = arith.constant 0 : i32
      %get3A_2035 = arith.constant 62 : i32
      %get3A_2036 = arith.index_cast %get3A_2034 : i32 to index
      %get3A_2037 = arith.index_cast %get3A_2035 : i32 to index
      %get3A_2038 = arith.index_cast %mul3A_1182 : i32 to index
      %get3A_2039 = tpu.vector_load %arg11[%get3A_2036, %get3A_2037, %get3A_2038] {strides = array<i32>} : memref<2x64x512xf32, #tpu.memory_space<vmem>>, vector<16xf32>,
      %bitcast3A_2040 = vector.bitcast %get3A_2039 : vector<16xf32> to vector<16xi32>
      %shift_right_logical3A_2041 = arith.constant 1 : i32
      %shift_right_logical3A_2042 = vector.broadcast %shift_right_logical3A_2041 : i32 to vector<16xi32>
      %shift_right_logical3A_2043 = arith.shrui %bitcast3A_2033, %shift_right_logical3A_2042 : vector<16xi32>
      %and3A_2044 = arith.constant 1073741824 : i32
      %and3A_2045 = vector.broadcast %and3A_2044 : i32 to vector<16xi32>
      %and3A_2046 = arith.andi %shift_right_logical3A_2043, %and3A_2045 : vector<16xi32>
      %or3A_2047 = arith.ori %or3A_2019, %and3A_2046 : vector<16xi32>
      %shift_right_logical3A_2048 = arith.constant 1 : i32
      %shift_right_logical3A_2049 = vector.broadcast %shift_right_logical3A_2048 : i32 to vector<16xi32>
      %shift_right_logical3A_2050 = arith.shrui %bitcast3A_2040, %shift_right_logical3A_2049 : vector<16xi32>
      %and3A_2051 = arith.constant 1073741824 : i32
      %and3A_2052 = vector.broadcast %and3A_2051 : i32 to vector<16xi32>
      %and3A_2053 = arith.andi %shift_right_logical3A_2050, %and3A_2052 : vector<16xi32>
      %or3A_2054 = arith.ori %or3A_2026, %and3A_2053 : vector<16xi32>
      %get3A_2055 = arith.constant 0 : i32
      %get3A_2056 = arith.constant 31 : i32
      %get3A_2057 = arith.index_cast %get3A_2055 : i32 to index
      %get3A_2058 = arith.index_cast %get3A_2056 : i32 to index
      %get3A_2059 = arith.index_cast %mul3A_1182 : i32 to index
      %get3A_2060 = tpu.vector_load %arg11[%get3A_2057, %get3A_2058, %get3A_2059] {strides = array<i32>} : memref<2x64x512xf32, #tpu.memory_space<vmem>>, vector<16xf32>,
      %bitcast3A_2061 = vector.bitcast %get3A_2060 : vector<16xf32> to vector<16xi32>
      %get3A_2062 = arith.constant 0 : i32
      %get3A_2063 = arith.constant 63 : i32
      %get3A_2064 = arith.index_cast %get3A_2062 : i32 to index
      %get3A_2065 = arith.index_cast %get3A_2063 : i32 to index
      %get3A_2066 = arith.index_cast %mul3A_1182 : i32 to index
      %get3A_2067 = tpu.vector_load %arg11[%get3A_2064, %get3A_2065, %get3A_2066] {strides = array<i32>} : memref<2x64x512xf32, #tpu.memory_space<vmem>>, vector<16xf32>,
      %bitcast3A_2068 = vector.bitcast %get3A_2067 : vector<16xf32> to vector<16xi32>
      %shift_right_logical3A_2069 = arith.constant 0 : i32
      %shift_right_logical3A_2070 = vector.broadcast %shift_right_logical3A_2069 : i32 to vector<16xi32>
      %shift_right_logical3A_2071 = arith.shrui %bitcast3A_2061, %shift_right_logical3A_2070 : vector<16xi32>
      %and3A_2072 = arith.constant -2147483648 : i32
      %and3A_2073 = vector.broadcast %and3A_2072 : i32 to vector<16xi32>
      %and3A_2074 = arith.andi %shift_right_logical3A_2071, %and3A_2073 : vector<16xi32>
      %or3A_2075 = arith.ori %or3A_2047, %and3A_2074 : vector<16xi32>
      %shift_right_logical3A_2076 = arith.constant 0 : i32
      %shift_right_logical3A_2077 = vector.broadcast %shift_right_logical3A_2076 : i32 to vector<16xi32>
      %shift_right_logical3A_2078 = arith.shrui %bitcast3A_2068, %shift_right_logical3A_2077 : vector<16xi32>
      %and3A_2079 = arith.constant -2147483648 : i32
      %and3A_2080 = vector.broadcast %and3A_2079 : i32 to vector<16xi32>
      %and3A_2081 = arith.andi %shift_right_logical3A_2078, %and3A_2080 : vector<16xi32>
      %or3A_2082 = arith.ori %or3A_2054, %and3A_2081 : vector<16xi32>
      %xor3A_2083 = arith.constant -2147483648 : i32
      %xor3A_2084 = vector.broadcast %xor3A_2083 : i32 to vector<16xi32>
      %xor3A_2085 = arith.xori %or3A_2075, %xor3A_2084 : vector<16xi32>
      %xor3A_2086 = arith.constant -2147483648 : i32
      %xor3A_2087 = vector.broadcast %xor3A_2086 : i32 to vector<16xi32>
      %xor3A_2088 = arith.xori %or3A_2082, %xor3A_2087 : vector<16xi32>
      %broadcast_in_dim3A_2089 = arith.constant 0 : i32
      %broadcast_in_dim3A_2090 = vector.broadcast %broadcast_in_dim3A_2089 : i32 to vector<16xi32>
      %add3A_2091 = arith.constant 64 : i32
      %add3A_2092 = vector.broadcast %add3A_2091 : i32 to vector<16xi32>
      %add3A_2093 = arith.addi %broadcast_in_dim3A_2090, %add3A_2092 : vector<16xi32>
      %sub3A_2094 = arith.constant 1 : i32
      %sub3A_2095 = vector.broadcast %sub3A_2094 : i32 to vector<16xi32>
      %sub3A_2096 = arith.subi %add3A_2093, %sub3A_2095 : vector<16xi32>
      %gather3A_2097 = tpu.vector_load_idx %arg8[%sub3A_2096] : memref<128xi32, #tpu.memory_space<vmem>>[vector<16xi32>], vector<16xi32>,
      %gather3A_2098 = tpu.vector_load_idx %arg9[%sub3A_2096] : memref<128xi32, #tpu.memory_space<vmem>>[vector<16xi32>], vector<16xi32>,
      %lt3A_2099 = arith.cmpi slt, %gather3A_2098, %xor3A_2088 : vector<16xi32>
      %eq3A_2100 = arith.cmpi eq, %gather3A_2098, %xor3A_2088 : vector<16xi32>
      %lt3A_2101 = arith.cmpi slt, %gather3A_2097, %xor3A_2085 : vector<16xi32>
      %and3A_2102 = arith.andi %eq3A_2100, %lt3A_2101 : vector<16xi1>
      %or3A_2103 = arith.ori %lt3A_2099, %and3A_2102 : vector<16xi1>
      %select_n3A_2104 = arith.select %or3A_2103, %add3A_2093, %broadcast_in_dim3A_2090 : vector<16xi1>, vector<16xi32>
      %add3A_2105 = arith.constant 32 : i32
      %add3A_2106 = vector.broadcast %add3A_2105 : i32 to vector<16xi32>
      %add3A_2107 = arith.addi %select_n3A_2104, %add3A_2106 : vector<16xi32>
      %sub3A_2108 = arith.constant 1 : i32
      %sub3A_2109 = vector.broadcast %sub3A_2108 : i32 to vector<16xi32>
      %sub3A_2110 = arith.subi %add3A_2107, %sub3A_2109 : vector<16xi32>
      %gather3A_2111 = tpu.vector_load_idx %arg8[%sub3A_2110] : memref<128xi32, #tpu.memory_space<vmem>>[vector<16xi32>], vector<16xi32>,
      %gather3A_2112 = tpu.vector_load_idx %arg9[%sub3A_2110] : memref<128xi32, #tpu.memory_space<vmem>>[vector<16xi32>], vector<16xi32>,
      %lt3A_2113 = arith.cmpi slt, %gather3A_2112, %xor3A_2088 : vector<16xi32>
      %eq3A_2114 = arith.cmpi eq, %gather3A_2112, %xor3A_2088 : vector<16xi32>
      %lt3A_2115 = arith.cmpi slt, %gather3A_2111, %xor3A_2085 : vector<16xi32>
      %and3A_2116 = arith.andi %eq3A_2114, %lt3A_2115 : vector<16xi1>
      %or3A_2117 = arith.ori %lt3A_2113, %and3A_2116 : vector<16xi1>
      %select_n3A_2118 = arith.select %or3A_2117, %add3A_2107, %select_n3A_2104 : vector<16xi1>, vector<16xi32>
      %add3A_2119 = arith.constant 16 : i32
      %add3A_2120 = vector.broadcast %add3A_2119 : i32 to vector<16xi32>
      %add3A_2121 = arith.addi %select_n3A_2118, %add3A_2120 : vector<16xi32>
      %sub3A_2122 = arith.constant 1 : i32
      %sub3A_2123 = vector.broadcast %sub3A_2122 : i32 to vector<16xi32>
      %sub3A_2124 = arith.subi %add3A_2121, %sub3A_2123 : vector<16xi32>
      %gather3A_2125 = tpu.vector_load_idx %arg8[%sub3A_2124] : memref<128xi32, #tpu.memory_space<vmem>>[vector<16xi32>], vector<16xi32>,
      %gather3A_2126 = tpu.vector_load_idx %arg9[%sub3A_2124] : memref<128xi32, #tpu.memory_space<vmem>>[vector<16xi32>], vector<16xi32>,
      %lt3A_2127 = arith.cmpi slt, %gather3A_2126, %xor3A_2088 : vector<16xi32>
      %eq3A_2128 = arith.cmpi eq, %gather3A_2126, %xor3A_2088 : vector<16xi32>
      %lt3A_2129 = arith.cmpi slt, %gather3A_2125, %xor3A_2085 : vector<16xi32>
      %and3A_2130 = arith.andi %eq3A_2128, %lt3A_2129 : vector<16xi1>
      %or3A_2131 = arith.ori %lt3A_2127, %and3A_2130 : vector<16xi1>
      %select_n3A_2132 = arith.select %or3A_2131, %add3A_2121, %select_n3A_2118 : vector<16xi1>, vector<16xi32>
      %add3A_2133 = arith.constant 8 : i32
      %add3A_2134 = vector.broadcast %add3A_2133 : i32 to vector<16xi32>
      %add3A_2135 = arith.addi %select_n3A_2132, %add3A_2134 : vector<16xi32>
      %sub3A_2136 = arith.constant 1 : i32
      %sub3A_2137 = vector.broadcast %sub3A_2136 : i32 to vector<16xi32>
      %sub3A_2138 = arith.subi %add3A_2135, %sub3A_2137 : vector<16xi32>
      %gather3A_2139 = tpu.vector_load_idx %arg8[%sub3A_2138] : memref<128xi32, #tpu.memory_space<vmem>>[vector<16xi32>], vector<16xi32>,
      %gather3A_2140 = tpu.vector_load_idx %arg9[%sub3A_2138] : memref<128xi32, #tpu.memory_space<vmem>>[vector<16xi32>], vector<16xi32>,
      %lt3A_2141 = arith.cmpi slt, %gather3A_2140, %xor3A_2088 : vector<16xi32>
      %eq3A_2142 = arith.cmpi eq, %gather3A_2140, %xor3A_2088 : vector<16xi32>
      %lt3A_2143 = arith.cmpi slt, %gather3A_2139, %xor3A_2085 : vector<16xi32>
      %and3A_2144 = arith.andi %eq3A_2142, %lt3A_2143 : vector<16xi1>
      %or3A_2145 = arith.ori %lt3A_2141, %and3A_2144 : vector<16xi1>
      %select_n3A_2146 = arith.select %or3A_2145, %add3A_2135, %select_n3A_2132 : vector<16xi1>, vector<16xi32>
      %add3A_2147 = arith.constant 4 : i32
      %add3A_2148 = vector.broadcast %add3A_2147 : i32 to vector<16xi32>
      %add3A_2149 = arith.addi %select_n3A_2146, %add3A_2148 : vector<16xi32>
      %sub3A_2150 = arith.constant 1 : i32
      %sub3A_2151 = vector.broadcast %sub3A_2150 : i32 to vector<16xi32>
      %sub3A_2152 = arith.subi %add3A_2149, %sub3A_2151 : vector<16xi32>
      %gather3A_2153 = tpu.vector_load_idx %arg8[%sub3A_2152] : memref<128xi32, #tpu.memory_space<vmem>>[vector<16xi32>], vector<16xi32>,
      %gather3A_2154 = tpu.vector_load_idx %arg9[%sub3A_2152] : memref<128xi32, #tpu.memory_space<vmem>>[vector<16xi32>], vector<16xi32>,
      %lt3A_2155 = arith.cmpi slt, %gather3A_2154, %xor3A_2088 : vector<16xi32>
      %eq3A_2156 = arith.cmpi eq, %gather3A_2154, %xor3A_2088 : vector<16xi32>
      %lt3A_2157 = arith.cmpi slt, %gather3A_2153, %xor3A_2085 : vector<16xi32>
      %and3A_2158 = arith.andi %eq3A_2156, %lt3A_2157 : vector<16xi1>
      %or3A_2159 = arith.ori %lt3A_2155, %and3A_2158 : vector<16xi1>
      %select_n3A_2160 = arith.select %or3A_2159, %add3A_2149, %select_n3A_2146 : vector<16xi1>, vector<16xi32>
      %add3A_2161 = arith.constant 2 : i32
      %add3A_2162 = vector.broadcast %add3A_2161 : i32 to vector<16xi32>
      %add3A_2163 = arith.addi %select_n3A_2160, %add3A_2162 : vector<16xi32>
      %sub3A_2164 = arith.constant 1 : i32
      %sub3A_2165 = vector.broadcast %sub3A_2164 : i32 to vector<16xi32>
      %sub3A_2166 = arith.subi %add3A_2163, %sub3A_2165 : vector<16xi32>
      %gather3A_2167 = tpu.vector_load_idx %arg8[%sub3A_2166] : memref<128xi32, #tpu.memory_space<vmem>>[vector<16xi32>], vector<16xi32>,
      %gather3A_2168 = tpu.vector_load_idx %arg9[%sub3A_2166] : memref<128xi32, #tpu.memory_space<vmem>>[vector<16xi32>], vector<16xi32>,
      %lt3A_2169 = arith.cmpi slt, %gather3A_2168, %xor3A_2088 : vector<16xi32>
      %eq3A_2170 = arith.cmpi eq, %gather3A_2168, %xor3A_2088 : vector<16xi32>
      %lt3A_2171 = arith.cmpi slt, %gather3A_2167, %xor3A_2085 : vector<16xi32>
      %and3A_2172 = arith.andi %eq3A_2170, %lt3A_2171 : vector<16xi1>
      %or3A_2173 = arith.ori %lt3A_2169, %and3A_2172 : vector<16xi1>
      %select_n3A_2174 = arith.select %or3A_2173, %add3A_2163, %select_n3A_2160 : vector<16xi1>, vector<16xi32>
      %add3A_2175 = arith.constant 1 : i32
      %add3A_2176 = vector.broadcast %add3A_2175 : i32 to vector<16xi32>
      %add3A_2177 = arith.addi %select_n3A_2174, %add3A_2176 : vector<16xi32>
      %sub3A_2178 = arith.constant 1 : i32
      %sub3A_2179 = vector.broadcast %sub3A_2178 : i32 to vector<16xi32>
      %sub3A_2180 = arith.subi %add3A_2177, %sub3A_2179 : vector<16xi32>
      %gather3A_2181 = tpu.vector_load_idx %arg8[%sub3A_2180] : memref<128xi32, #tpu.memory_space<vmem>>[vector<16xi32>], vector<16xi32>,
      %gather3A_2182 = tpu.vector_load_idx %arg9[%sub3A_2180] : memref<128xi32, #tpu.memory_space<vmem>>[vector<16xi32>], vector<16xi32>,
      %lt3A_2183 = arith.cmpi slt, %gather3A_2182, %xor3A_2088 : vector<16xi32>
      %eq3A_2184 = arith.cmpi eq, %gather3A_2182, %xor3A_2088 : vector<16xi32>
      %lt3A_2185 = arith.cmpi slt, %gather3A_2181, %xor3A_2085 : vector<16xi32>
      %and3A_2186 = arith.andi %eq3A_2184, %lt3A_2185 : vector<16xi1>
      %or3A_2187 = arith.ori %lt3A_2183, %and3A_2186 : vector<16xi1>
      %select_n3A_2188 = arith.select %or3A_2187, %add3A_2177, %select_n3A_2174 : vector<16xi1>, vector<16xi32>
      %gather3A_2189 = tpu.vector_load_idx %arg8[%select_n3A_2188] : memref<128xi32, #tpu.memory_space<vmem>>[vector<16xi32>], vector<16xi32>,
      %gather3A_2190 = tpu.vector_load_idx %arg9[%select_n3A_2188] : memref<128xi32, #tpu.memory_space<vmem>>[vector<16xi32>], vector<16xi32>,
      %eq3A_2191 = arith.cmpi eq, %gather3A_2189, %xor3A_2085 : vector<16xi32>
      %eq3A_2192 = arith.cmpi eq, %gather3A_2190, %xor3A_2088 : vector<16xi32>
      %and3A_2193 = arith.andi %eq3A_2191, %eq3A_2192 : vector<16xi1>
      %broadcast_in_dim3A_2194 = arith.constant 1.000000e+00 : f32
      %broadcast_in_dim3A_2195 = vector.broadcast %broadcast_in_dim3A_2194 : f32 to vector<16xf32>
      tpu.vector_store_idx %arg10[%select_n3A_2188], %broadcast_in_dim3A_2195 masked %and3A_2193 {add = true} : memref<128xf32, #tpu.memory_space<vmem>>[vector<16xi32>], vector<16xf32>, vector<16xi1>
      %scan3A_2196 = arith.constant 0 : i32
      scf.yield %scan3A_2196 : i32
    }
    %scan3A_167 = arith.constant 16 : i32
    "tpu.region"() ({
      %run_scoped3A = tpu.sem_alloc : memref<!tpu.dma_semaphore, #tpu.memory_space<semaphore_mem>>
      %dma_start3A_168 = arith.constant 0 : i32
      %dma_start3A_169 = tpu.memref_slice %arg5[%add3A, %dma_start3A_168] : memref<32x128xf32, #tpu.memory_space<hbm>> -> memref<1x128xf32, #tpu.memory_space<hbm>>
      %dma_start3A_170 = tpu.memref_squeeze %dma_start3A_169 : memref<1x128xf32, #tpu.memory_space<hbm>> -> memref<128xf32, #tpu.memory_space<hbm>>
      %dma_start3A_171 = arith.constant 0 : i32
      %dma_start3A_172 = tpu.memref_slice %arg5[%add3A, %dma_start3A_171] : memref<32x128xf32, #tpu.memory_space<hbm>> -> memref<1x128xf32, #tpu.memory_space<hbm>>
      %dma_start3A_173 = tpu.memref_squeeze %dma_start3A_172 : memref<1x128xf32, #tpu.memory_space<hbm>> -> memref<128xf32, #tpu.memory_space<hbm>>
      tpu.enqueue_dma source(%arg10 : memref<128xf32, #tpu.memory_space<vmem>>) target(%dma_start3A_173 : memref<128xf32, #tpu.memory_space<hbm>>) target_semaphore(%run_scoped3A : memref<!tpu.dma_semaphore, #tpu.memory_space<semaphore_mem>>)
      %dma_wait3A_174 = arith.constant 0 : i32
      %dma_wait3A_175 = tpu.memref_slice %arg5[%add3A, %dma_wait3A_174] : memref<32x128xf32, #tpu.memory_space<hbm>> -> memref<1x128xf32, #tpu.memory_space<hbm>>
      %dma_wait3A_176 = tpu.memref_squeeze %dma_wait3A_175 : memref<1x128xf32, #tpu.memory_space<hbm>> -> memref<128xf32, #tpu.memory_space<hbm>>
      %dma_wait3A_177 = arith.constant 0 : i32
      %dma_wait3A_178 = tpu.memref_slice %arg5[%add3A, %dma_wait3A_177] : memref<32x128xf32, #tpu.memory_space<hbm>> -> memref<1x128xf32, #tpu.memory_space<hbm>>
      %dma_wait3A_179 = tpu.memref_squeeze %dma_wait3A_178 : memref<1x128xf32, #tpu.memory_space<hbm>> -> memref<128xf32, #tpu.memory_space<hbm>>
      tpu.wait_dma2 semaphore(%run_scoped3A : memref<!tpu.dma_semaphore, #tpu.memory_space<semaphore_mem>>) src(%arg10 : memref<128xf32, #tpu.memory_space<vmem>>) dst(%dma_wait3A_179 : memref<128xf32, #tpu.memory_space<hbm>>)
      tpu.yield
    }) : () -> ()
    return
  }
}

module attributes {stable_mosaic.version = 14 : i64} {
  func.func @_stream_body(%arg0: i32, %arg1: memref<100x64xf32, #tpu.memory_space<vmem>>, %arg2: memref<64x8000xf32, #tpu.memory_space<vmem>>, %arg3: memref<64x200000xf32, #tpu.memory_space<any>>, %arg4: memref<100x128xf32, #tpu.memory_space<vmem>>, %arg5: memref<100x64xbf16, #tpu.memory_space<vmem>>, %arg6: memref<2x64x25088xf32, #tpu.memory_space<vmem>>, %arg7: memref<100x128xf32, #tpu.memory_space<vmem>>, %arg8: memref<2x!tpu.dma_semaphore, #tpu.memory_space<semaphore_mem>>) attributes {dimension_semantics = [#tpu.dimension_semantics<arbitrary>], iteration_bounds = array<i64: 7>, scalar_prefetch = 0 : i64, scratch_operands = 4 : i64, tpu.core_type = #tpu.core_type<tc>, window_params = [{pipeline_mode = #tpu.pipeline_mode<synchronous>, transform_indices = @transform_0, window_bounds = array<i64: 100, 64>}, {pipeline_mode = #tpu.pipeline_mode<synchronous>, transform_indices = @transform_1, window_bounds = array<i64: 64, 8000>}, {}, {pipeline_mode = #tpu.pipeline_mode<synchronous>, transform_indices = @transform_3, window_bounds = array<i64: 100, 128>}]} {
    %eq3A = arith.constant 0 : i32
    %eq3A_0 = arith.cmpi eq, %arg0, %eq3A : i32
    %convert_element_type3A = arith.extui %eq3A_0 : i1 to i32
    %cond3A = arith.constant 0 : i32
    %cond3A_1 = arith.cmpi ne, %convert_element_type3A, %cond3A : i32
    scf.if %cond3A_1 {
      %multiple_of3A_44 = arith.constant 0 : i32
      %multiple_of3A_45 = tpu.assume_multiple %multiple_of3A_44, 128 : i32
      %dma_start3A = arith.constant 0 : i32
      %dma_start3A_46 = arith.constant 0 : i32
      %dma_start3A_47 = tpu.memref_slice %arg8[%dma_start3A_46] : memref<2x!tpu.dma_semaphore, #tpu.memory_space<semaphore_mem>> -> memref<1x!tpu.dma_semaphore, #tpu.memory_space<semaphore_mem>>
      %dma_start3A_48 = tpu.memref_squeeze %dma_start3A_47 : memref<1x!tpu.dma_semaphore, #tpu.memory_space<semaphore_mem>> -> memref<!tpu.dma_semaphore, #tpu.memory_space<semaphore_mem>>
      %dma_start3A_49 = arith.constant 0 : i32
      %dma_start3A_50 = arith.constant 0 : i32
      %dma_start3A_51 = tpu.memref_slice %arg6[%dma_start3A, %dma_start3A_49, %dma_start3A_50] : memref<2x64x25088xf32, #tpu.memory_space<vmem>> -> memref<1x64x25088xf32, #tpu.memory_space<vmem>>
      %dma_start3A_52 = tpu.memref_squeeze %dma_start3A_51 : memref<1x64x25088xf32, #tpu.memory_space<vmem>> -> memref<64x25088xf32, #tpu.memory_space<vmem>>
      %dma_start3A_53 = arith.constant 0 : i32
      %dma_start3A_54 = tpu.memref_slice %arg3[%dma_start3A_53, %multiple_of3A_45] : memref<64x200000xf32, #tpu.memory_space<any>> -> memref<64x25088xf32, #tpu.memory_space<any>>
      tpu.enqueue_dma source(%dma_start3A_54 : memref<64x25088xf32, #tpu.memory_space<any>>) target(%dma_start3A_52 : memref<64x25088xf32, #tpu.memory_space<vmem>>) target_semaphore(%dma_start3A_48 : memref<!tpu.dma_semaphore, #tpu.memory_space<semaphore_mem>>)
      %multiple_of3A_55 = arith.constant 25088 : i32
      %multiple_of3A_56 = tpu.assume_multiple %multiple_of3A_55, 128 : i32
      %dma_start3A_57 = arith.constant 1 : i32
      %dma_start3A_58 = arith.constant 1 : i32
      %dma_start3A_59 = tpu.memref_slice %arg8[%dma_start3A_58] : memref<2x!tpu.dma_semaphore, #tpu.memory_space<semaphore_mem>> -> memref<1x!tpu.dma_semaphore, #tpu.memory_space<semaphore_mem>>
      %dma_start3A_60 = tpu.memref_squeeze %dma_start3A_59 : memref<1x!tpu.dma_semaphore, #tpu.memory_space<semaphore_mem>> -> memref<!tpu.dma_semaphore, #tpu.memory_space<semaphore_mem>>
      %dma_start3A_61 = arith.constant 0 : i32
      %dma_start3A_62 = arith.constant 0 : i32
      %dma_start3A_63 = tpu.memref_slice %arg6[%dma_start3A_57, %dma_start3A_61, %dma_start3A_62] : memref<2x64x25088xf32, #tpu.memory_space<vmem>> -> memref<1x64x25088xf32, #tpu.memory_space<vmem>>
      %dma_start3A_64 = tpu.memref_squeeze %dma_start3A_63 : memref<1x64x25088xf32, #tpu.memory_space<vmem>> -> memref<64x25088xf32, #tpu.memory_space<vmem>>
      %dma_start3A_65 = arith.constant 0 : i32
      %dma_start3A_66 = tpu.memref_slice %arg3[%dma_start3A_65, %multiple_of3A_56] : memref<64x200000xf32, #tpu.memory_space<any>> -> memref<64x25088xf32, #tpu.memory_space<any>>
      tpu.enqueue_dma source(%dma_start3A_66 : memref<64x25088xf32, #tpu.memory_space<any>>) target(%dma_start3A_64 : memref<64x25088xf32, #tpu.memory_space<vmem>>) target_semaphore(%dma_start3A_60 : memref<!tpu.dma_semaphore, #tpu.memory_space<semaphore_mem>>)
      %get3A_67 = arith.constant 0 : index
      %get3A_68 = arith.constant 0 : index
      %get3A_69 = vector.load %arg1[%get3A_67, %get3A_68] : memref<100x64xf32, #tpu.memory_space<vmem>>, vector<100x64xf32>
      %convert_element_type3A_70 = arith.truncf %get3A_69 : vector<100x64xf32> to vector<100x64xbf16>
      %swap3A_71 = arith.constant 0 : index
      %swap3A_72 = arith.constant 0 : index
      %swap3A_73 = vector.load %arg5[%swap3A_71, %swap3A_72] : memref<100x64xbf16, #tpu.memory_space<vmem>>, vector<100x64xbf16>
      tpu.vector_store %arg5[%swap3A_71, %swap3A_72], %convert_element_type3A_70 {strides = array<i32>} : memref<100x64xbf16, #tpu.memory_space<vmem>>, vector<100x64xbf16>,
      %get3A_74 = arith.constant 0 : index
      %get3A_75 = arith.constant 0 : index
      %get3A_76 = vector.load %arg2[%get3A_74, %get3A_75] : memref<64x8000xf32, #tpu.memory_space<vmem>>, vector<64x8000xf32>
      %convert_element_type3A_77 = arith.truncf %get3A_76 : vector<64x8000xf32> to vector<64x8000xbf16>
      %dot_general3A_78 = arith.constant dense<0.000000e+00> : vector<100x8000xf32>
      %dot_general3A_79 = tpu.matmul %convert_element_type3A_70, %convert_element_type3A_77, %dot_general3A_78 {dimension_numbers = #tpu.dot_dimension_numbers<[1], [0], [0], [1], [0, 0, 1, 1], [], []>, transpose_lhs_hint = false} : vector<100x64xbf16>, vector<64x8000xbf16>, vector<100x8000xf32> -> vector<100x8000xf32>
      %gt3A_80 = arith.constant 6.200000e+01 : f32
      %gt3A_81 = vector.broadcast %gt3A_80 : f32 to vector<100x8000xf32>
      %gt3A_82 = arith.cmpf ogt, %dot_general3A_79, %gt3A_81 : vector<100x8000xf32>
      %convert_element_type3A_83 = arith.extui %gt3A_82 : vector<100x8000xi1> to vector<100x8000xi32>
      %convert_element_type3A_84 = arith.sitofp %convert_element_type3A_83 : vector<100x8000xi32> to vector<100x8000xf32>
      %convert_element_type3A_85 = arith.truncf %convert_element_type3A_84 : vector<100x8000xf32> to vector<100x8000xbf16>
      %broadcast_in_dim3A_86 = arith.constant 1.000000e+00 : bf16
      %broadcast_in_dim3A_87 = vector.broadcast %broadcast_in_dim3A_86 : bf16 to vector<8000x128xbf16>
      %dot_general3A_88 = arith.constant dense<0.000000e+00> : vector<100x128xf32>
      %dot_general3A_89 = tpu.matmul %convert_element_type3A_85, %broadcast_in_dim3A_87, %dot_general3A_88 {dimension_numbers = #tpu.dot_dimension_numbers<[1], [0], [0], [1], [0, 0, 1, 1], [], []>, transpose_lhs_hint = false} : vector<100x8000xbf16>, vector<8000x128xbf16>, vector<100x128xf32> -> vector<100x128xf32>
      %swap3A_90 = arith.constant 0 : index
      %swap3A_91 = arith.constant 0 : index
      %swap3A_92 = vector.load %arg7[%swap3A_90, %swap3A_91] : memref<100x128xf32, #tpu.memory_space<vmem>>, vector<100x128xf32>
      tpu.vector_store %arg7[%swap3A_90, %swap3A_91], %dot_general3A_89 {strides = array<i32>} : memref<100x128xf32, #tpu.memory_space<vmem>>, vector<100x128xf32>,
    } else {
    }
    %rem3A = arith.constant 2 : i32
    %rem3A_2 = arith.remsi %arg0, %rem3A : i32
    %mul3A = arith.constant 25088 : i32
    %mul3A_3 = arith.muli %arg0, %mul3A : i32
    %multiple_of3A = tpu.assume_multiple %mul3A_3, 128 : i32
    %dma_wait3A = tpu.memref_slice %arg8[%rem3A_2] : memref<2x!tpu.dma_semaphore, #tpu.memory_space<semaphore_mem>> -> memref<1x!tpu.dma_semaphore, #tpu.memory_space<semaphore_mem>>
    %dma_wait3A_4 = tpu.memref_squeeze %dma_wait3A : memref<1x!tpu.dma_semaphore, #tpu.memory_space<semaphore_mem>> -> memref<!tpu.dma_semaphore, #tpu.memory_space<semaphore_mem>>
    %dma_wait3A_5 = arith.constant 0 : i32
    %dma_wait3A_6 = arith.constant 0 : i32
    %dma_wait3A_7 = tpu.memref_slice %arg6[%rem3A_2, %dma_wait3A_5, %dma_wait3A_6] : memref<2x64x25088xf32, #tpu.memory_space<vmem>> -> memref<1x64x25088xf32, #tpu.memory_space<vmem>>
    %dma_wait3A_8 = tpu.memref_squeeze %dma_wait3A_7 : memref<1x64x25088xf32, #tpu.memory_space<vmem>> -> memref<64x25088xf32, #tpu.memory_space<vmem>>
    %dma_wait3A_9 = arith.constant 0 : i32
    %dma_wait3A_10 = tpu.memref_slice %arg3[%dma_wait3A_9, %multiple_of3A] : memref<64x200000xf32, #tpu.memory_space<any>> -> memref<64x25088xf32, #tpu.memory_space<any>>
    tpu.wait_dma2 semaphore(%dma_wait3A_4 : memref<!tpu.dma_semaphore, #tpu.memory_space<semaphore_mem>>) src(%dma_wait3A_10 : memref<64x25088xf32, #tpu.memory_space<any>>) dst(%dma_wait3A_8 : memref<64x25088xf32, #tpu.memory_space<vmem>>)
    %get3A = arith.index_cast %rem3A_2 : i32 to index
    %get3A_11 = arith.constant 0 : index
    %get3A_12 = arith.constant 0 : index
    %get3A_13 = vector.load %arg6[%get3A, %get3A_11, %get3A_12] : memref<2x64x25088xf32, #tpu.memory_space<vmem>>, vector<1x64x25088xf32>
    %get3A_14 = vector.shape_cast %get3A_13 : vector<1x64x25088xf32> to vector<64x25088xf32>
    %convert_element_type3A_15 = arith.truncf %get3A_14 : vector<64x25088xf32> to vector<64x25088xbf16>
    %get3A_16 = arith.constant 0 : index
    %get3A_17 = arith.constant 0 : index
    %get3A_18 = vector.load %arg7[%get3A_16, %get3A_17] : memref<100x128xf32, #tpu.memory_space<vmem>>, vector<100x128xf32>
    %get3A_19 = arith.constant 0 : index
    %get3A_20 = arith.constant 0 : index
    %get3A_21 = vector.load %arg5[%get3A_19, %get3A_20] : memref<100x64xbf16, #tpu.memory_space<vmem>>, vector<100x64xbf16>
    %dot_general3A = arith.constant dense<0.000000e+00> : vector<100x25088xf32>
    %dot_general3A_22 = tpu.matmul %get3A_21, %convert_element_type3A_15, %dot_general3A {dimension_numbers = #tpu.dot_dimension_numbers<[1], [0], [0], [1], [0, 0, 1, 1], [], []>, transpose_lhs_hint = false} : vector<100x64xbf16>, vector<64x25088xbf16>, vector<100x25088xf32> -> vector<100x25088xf32>
    %gt3A = arith.constant 6.200000e+01 : f32
    %gt3A_23 = vector.broadcast %gt3A : f32 to vector<100x25088xf32>
    %gt3A_24 = arith.cmpf ogt, %dot_general3A_22, %gt3A_23 : vector<100x25088xf32>
    %convert_element_type3A_25 = arith.extui %gt3A_24 : vector<100x25088xi1> to vector<100x25088xi32>
    %convert_element_type3A_26 = arith.sitofp %convert_element_type3A_25 : vector<100x25088xi32> to vector<100x25088xf32>
    %convert_element_type3A_27 = arith.truncf %convert_element_type3A_26 : vector<100x25088xf32> to vector<100x25088xbf16>
    %broadcast_in_dim3A = arith.constant 1.000000e+00 : bf16
    %broadcast_in_dim3A_28 = vector.broadcast %broadcast_in_dim3A : bf16 to vector<25088x128xbf16>
    %dot_general3A_29 = arith.constant dense<0.000000e+00> : vector<100x128xf32>
    %dot_general3A_30 = tpu.matmul %convert_element_type3A_27, %broadcast_in_dim3A_28, %dot_general3A_29 {dimension_numbers = #tpu.dot_dimension_numbers<[1], [0], [0], [1], [0, 0, 1, 1], [], []>, transpose_lhs_hint = false} : vector<100x25088xbf16>, vector<25088x128xbf16>, vector<100x128xf32> -> vector<100x128xf32>
    %add3A = arith.addf %get3A_18, %dot_general3A_30 : vector<100x128xf32>
    %swap3A = arith.constant 0 : index
    %swap3A_31 = arith.constant 0 : index
    %swap3A_32 = vector.load %arg7[%swap3A, %swap3A_31] : memref<100x128xf32, #tpu.memory_space<vmem>>, vector<100x128xf32>
    tpu.vector_store %arg7[%swap3A, %swap3A_31], %add3A {strides = array<i32>} : memref<100x128xf32, #tpu.memory_space<vmem>>, vector<100x128xf32>,
    %add3A_33 = arith.constant 2 : i32
    %add3A_34 = arith.addi %arg0, %add3A_33 : i32
    %lt3A = arith.constant 7 : i32
    %lt3A_35 = arith.cmpi slt, %add3A_34, %lt3A : i32
    %convert_element_type3A_36 = arith.extui %lt3A_35 : i1 to i32
    %cond3A_37 = arith.constant 0 : i32
    %cond3A_38 = arith.cmpi ne, %convert_element_type3A_36, %cond3A_37 : i32
    scf.if %cond3A_38 {
      %add3A_44 = arith.constant 2 : i32
      %add3A_45 = arith.addi %arg0, %add3A_44 : i32
      %mul3A_46 = arith.constant 25088 : i32
      %mul3A_47 = arith.muli %add3A_45, %mul3A_46 : i32
      %multiple_of3A_48 = tpu.assume_multiple %mul3A_47, 128 : i32
      %dma_start3A = tpu.memref_slice %arg8[%rem3A_2] : memref<2x!tpu.dma_semaphore, #tpu.memory_space<semaphore_mem>> -> memref<1x!tpu.dma_semaphore, #tpu.memory_space<semaphore_mem>>
      %dma_start3A_49 = tpu.memref_squeeze %dma_start3A : memref<1x!tpu.dma_semaphore, #tpu.memory_space<semaphore_mem>> -> memref<!tpu.dma_semaphore, #tpu.memory_space<semaphore_mem>>
      %dma_start3A_50 = arith.constant 0 : i32
      %dma_start3A_51 = arith.constant 0 : i32
      %dma_start3A_52 = tpu.memref_slice %arg6[%rem3A_2, %dma_start3A_50, %dma_start3A_51] : memref<2x64x25088xf32, #tpu.memory_space<vmem>> -> memref<1x64x25088xf32, #tpu.memory_space<vmem>>
      %dma_start3A_53 = tpu.memref_squeeze %dma_start3A_52 : memref<1x64x25088xf32, #tpu.memory_space<vmem>> -> memref<64x25088xf32, #tpu.memory_space<vmem>>
      %dma_start3A_54 = arith.constant 0 : i32
      %dma_start3A_55 = tpu.memref_slice %arg3[%dma_start3A_54, %multiple_of3A_48] : memref<64x200000xf32, #tpu.memory_space<any>> -> memref<64x25088xf32, #tpu.memory_space<any>>
      tpu.enqueue_dma source(%dma_start3A_55 : memref<64x25088xf32, #tpu.memory_space<any>>) target(%dma_start3A_53 : memref<64x25088xf32, #tpu.memory_space<vmem>>) target_semaphore(%dma_start3A_49 : memref<!tpu.dma_semaphore, #tpu.memory_space<semaphore_mem>>)
    } else {
    }
    %eq3A_39 = arith.constant 6 : i32
    %eq3A_40 = arith.cmpi eq, %arg0, %eq3A_39 : i32
    %convert_element_type3A_41 = arith.extui %eq3A_40 : i1 to i32
    %cond3A_42 = arith.constant 0 : i32
    %cond3A_43 = arith.cmpi ne, %convert_element_type3A_41, %cond3A_42 : i32
    scf.if %cond3A_43 {
      %get3A_44 = arith.constant 0 : index
      %get3A_45 = arith.constant 0 : index
      %get3A_46 = vector.load %arg7[%get3A_44, %get3A_45] : memref<100x128xf32, #tpu.memory_space<vmem>>, vector<100x128xf32>
      %swap3A_47 = arith.constant 0 : index
      %swap3A_48 = arith.constant 0 : index
      %swap3A_49 = vector.load %arg4[%swap3A_47, %swap3A_48] : memref<100x128xf32, #tpu.memory_space<vmem>>, vector<100x128xf32>
      tpu.vector_store %arg4[%swap3A_47, %swap3A_48], %get3A_46 {strides = array<i32>} : memref<100x128xf32, #tpu.memory_space<vmem>>, vector<100x128xf32>,
    } else {
    }
    return
  }
  func.func @transform_0(%arg0: i32) -> (i32, i32) {
    %c0_i32 = arith.constant 0 : i32
    %c0_i32_0 = arith.constant 0 : i32
    %c0_i32_1 = arith.constant 0 : i32
    return %c0_i32, %c0_i32_0 : i32, i32
  }
  func.func @transform_1(%arg0: i32) -> (i32, i32) {
    %c0_i32 = arith.constant 0 : i32
    %c0_i32_0 = arith.constant 0 : i32
    %c0_i32_1 = arith.constant 0 : i32
    return %c0_i32, %c0_i32_0 : i32, i32
  }
  func.func @transform_3(%arg0: i32) -> (i32, i32) {
    %c0_i32 = arith.constant 0 : i32
    %c0_i32_0 = arith.constant 0 : i32
    %c0_i32_1 = arith.constant 0 : i32
    return %c0_i32, %c0_i32_0 : i32, i32
  }
}

module attributes {stable_mosaic.version = 14 : i64} {
  func.func @_anchor_body(%arg0: i32, %arg1: memref<100x100xi32, #tpu.memory_space<vmem>>, %arg2: memref<100x13000xi32, #tpu.memory_space<vmem>>, %arg3: memref<64x13000xf32, #tpu.memory_space<vmem>>, %arg4: memref<100x64xf32, #tpu.memory_space<vmem>>, %arg5: memref<2x128xi32, #tpu.memory_space<vmem>>, %arg6: memref<1x128xi32, #tpu.memory_space<vmem>>, %arg7: memref<100x128xf32, #tpu.memory_space<vmem>>) attributes {dimension_semantics = [#tpu.dimension_semantics<arbitrary>], iteration_bounds = array<i64: 1>, scalar_prefetch = 0 : i64, scratch_operands = 0 : i64, tpu.core_type = #tpu.core_type<tc>, window_params = [{pipeline_mode = #tpu.pipeline_mode<synchronous>, transform_indices = @transform_0, window_bounds = array<i64: 100, 100>}, {pipeline_mode = #tpu.pipeline_mode<synchronous>, transform_indices = @transform_1, window_bounds = array<i64: 100, 13000>}, {pipeline_mode = #tpu.pipeline_mode<synchronous>, transform_indices = @transform_2, window_bounds = array<i64: 64, 13000>}, {pipeline_mode = #tpu.pipeline_mode<synchronous>, transform_indices = @transform_3, window_bounds = array<i64: 100, 64>}, {pipeline_mode = #tpu.pipeline_mode<synchronous>, transform_indices = @transform_4, window_bounds = array<i64: 2, 128>}, {pipeline_mode = #tpu.pipeline_mode<synchronous>, transform_indices = @transform_5, window_bounds = array<i64: 1, 128>}, {pipeline_mode = #tpu.pipeline_mode<synchronous>, transform_indices = @transform_6, window_bounds = array<i64: 100, 128>}]} {
    %get3A = arith.constant 0 : index
    %get3A_0 = arith.constant 0 : index
    %get3A_1 = vector.load %arg1[%get3A, %get3A_0] : memref<100x100xi32, #tpu.memory_space<vmem>>, vector<100x100xi32>
    %convert_element_type3A = arith.sitofp %get3A_1 : vector<100x100xi32> to vector<100x100xbf16>
    %get3A_2 = arith.constant 0 : index
    %get3A_3 = arith.constant 0 : index
    %get3A_4 = vector.load %arg2[%get3A_2, %get3A_3] : memref<100x13000xi32, #tpu.memory_space<vmem>>, vector<100x13000xi32>
    %convert_element_type3A_5 = arith.sitofp %get3A_4 : vector<100x13000xi32> to vector<100x13000xbf16>
    %dot_general3A = arith.constant dense<0.000000e+00> : vector<100x13000xf32>
    %dot_general3A_6 = tpu.matmul %convert_element_type3A, %convert_element_type3A_5, %dot_general3A {dimension_numbers = #tpu.dot_dimension_numbers<[1], [0], [0], [1], [0, 0, 1, 1], [], []>, transpose_lhs_hint = false} : vector<100x100xbf16>, vector<100x13000xbf16>, vector<100x13000xf32> -> vector<100x13000xf32>
    %gt3A = arith.constant 0.000000e+00 : f32
    %gt3A_7 = vector.broadcast %gt3A : f32 to vector<100x13000xf32>
    %gt3A_8 = arith.cmpf ogt, %dot_general3A_6, %gt3A_7 : vector<100x13000xf32>
    %convert_element_type3A_9 = arith.extui %gt3A_8 : vector<100x13000xi1> to vector<100x13000xi32>
    %convert_element_type3A_10 = arith.sitofp %convert_element_type3A_9 : vector<100x13000xi32> to vector<100x13000xf32>
    %convert_element_type3A_11 = arith.truncf %convert_element_type3A_10 : vector<100x13000xf32> to vector<100x13000xbf16>
    %get3A_12 = arith.constant 0 : index
    %get3A_13 = arith.constant 0 : index
    %get3A_14 = vector.load %arg3[%get3A_12, %get3A_13] : memref<64x13000xf32, #tpu.memory_space<vmem>>, vector<64x13000xf32>
    %convert_element_type3A_15 = arith.truncf %get3A_14 : vector<64x13000xf32> to vector<64x13000xbf16>
    %dot_general3A_16 = arith.constant dense<0.000000e+00> : vector<100x64xf32>
    %dot_general3A_17 = tpu.matmul %convert_element_type3A_11, %convert_element_type3A_15, %dot_general3A_16 {dimension_numbers = #tpu.dot_dimension_numbers<[1], [1], [0], [0], [0, 0, 1, 0], [], []>, transpose_lhs_hint = false} : vector<100x13000xbf16>, vector<64x13000xbf16>, vector<100x64xf32> -> vector<100x64xf32>
    %sign3A = tpu.bitcast %dot_general3A_17 : vector<100x64xf32> -> vector<100x64xi32>
    %sign3A_18 = arith.constant -2147483648 : i32
    %sign3A_19 = vector.broadcast %sign3A_18 : i32 to vector<100x64xi32>
    %sign3A_20 = arith.andi %sign3A, %sign3A_19 : vector<100x64xi32>
    %sign3A_21 = arith.constant 1065353216 : i32
    %sign3A_22 = vector.broadcast %sign3A_21 : i32 to vector<100x64xi32>
    %sign3A_23 = arith.ori %sign3A_22, %sign3A_20 : vector<100x64xi32>
    %sign3A_24 = tpu.bitcast %sign3A_23 : vector<100x64xi32> -> vector<100x64xf32>
    %sign3A_25 = math.absf %dot_general3A_17 : vector<100x64xf32>
    %sign3A_26 = arith.constant 0.000000e+00 : f32
    %sign3A_27 = vector.broadcast %sign3A_26 : f32 to vector<100x64xf32>
    %sign3A_28 = arith.cmpf ogt, %sign3A_25, %sign3A_27 : vector<100x64xf32>
    %sign3A_29 = arith.select %sign3A_28, %sign3A_24, %dot_general3A_17 : vector<100x64xi1>, vector<100x64xf32>
    %swap3A = arith.constant 0 : index
    %swap3A_30 = arith.constant 0 : index
    %swap3A_31 = vector.load %arg4[%swap3A, %swap3A_30] : memref<100x64xf32, #tpu.memory_space<vmem>>, vector<100x64xf32>
    tpu.vector_store %arg4[%swap3A, %swap3A_30], %sign3A_29 {strides = array<i32>} : memref<100x64xf32, #tpu.memory_space<vmem>>, vector<100x64xf32>,
    %lt3A = arith.constant 0.000000e+00 : f32
    %lt3A_32 = vector.broadcast %lt3A : f32 to vector<100x64xf32>
    %lt3A_33 = arith.cmpf olt, %sign3A_29, %lt3A_32 : vector<100x64xf32>
    %convert_element_type3A_34 = arith.extui %lt3A_33 : vector<100x64xi1> to vector<100x64xi32>
    %iota3A = tpu.iota {dimensions = array<i32: 1>} : vector<1x32xi32>
    %shift_left3A = arith.constant 1 : i32
    %shift_left3A_35 = vector.broadcast %shift_left3A : i32 to vector<1x32xi32>
    %shift_left3A_36 = arith.shli %shift_left3A_35, %iota3A : vector<1x32xi32>
    %slice3A = vector.extract_strided_slice %convert_element_type3A_34 {offsets = [0, 0], sizes = [100, 32], strides = [1, 1]} : vector<100x64xi32> to vector<100x32xi32>
    %mul3A = vector.broadcast %shift_left3A_36 : vector<1x32xi32> to vector<100x32xi32>
    %mul3A_37 = arith.muli %slice3A, %mul3A : vector<100x32xi32>
    %reduce_sum3A = arith.constant dense<0> : vector<100xi32>
    %reduce_sum3A_38 = vector.multi_reduction <add>, %mul3A_37, %reduce_sum3A [1] : vector<100x32xi32> to vector<100xi32>
    %broadcast_in_dim3A = vector.shape_cast %reduce_sum3A_38 : vector<100xi32> to vector<100x1xi32>
    %slice3A_39 = vector.extract_strided_slice %convert_element_type3A_34 {offsets = [0, 32], sizes = [100, 32], strides = [1, 1]} : vector<100x64xi32> to vector<100x32xi32>
    %mul3A_40 = vector.broadcast %shift_left3A_36 : vector<1x32xi32> to vector<100x32xi32>
    %mul3A_41 = arith.muli %slice3A_39, %mul3A_40 : vector<100x32xi32>
    %reduce_sum3A_42 = arith.constant dense<0> : vector<100xi32>
    %reduce_sum3A_43 = vector.multi_reduction <add>, %mul3A_41, %reduce_sum3A_42 [1] : vector<100x32xi32> to vector<100xi32>
    %broadcast_in_dim3A_44 = vector.shape_cast %reduce_sum3A_43 : vector<100xi32> to vector<100x1xi32>
    %xor3A = arith.constant -2147483648 : i32
    %xor3A_45 = vector.broadcast %xor3A : i32 to vector<100x1xi32>
    %xor3A_46 = arith.xori %broadcast_in_dim3A, %xor3A_45 : vector<100x1xi32>
    %xor3A_47 = arith.constant -2147483648 : i32
    %xor3A_48 = vector.broadcast %xor3A_47 : i32 to vector<100x1xi32>
    %xor3A_49 = arith.xori %broadcast_in_dim3A_44, %xor3A_48 : vector<100x1xi32>
    %eq3A = arith.constant 0.000000e+00 : f32
    %eq3A_50 = vector.broadcast %eq3A : f32 to vector<100x64xf32>
    %eq3A_51 = arith.cmpf oeq, %sign3A_29, %eq3A_50 : vector<100x64xf32>
    %convert_element_type3A_52 = arith.extui %eq3A_51 : vector<100x64xi1> to vector<100x64xi32>
    %convert_element_type3A_53 = arith.sitofp %convert_element_type3A_52 : vector<100x64xi32> to vector<100x64xf32>
    %reduce_sum3A_54 = arith.constant dense<0.000000e+00> : vector<100xf32>
    %reduce_sum3A_55 = vector.multi_reduction <add>, %convert_element_type3A_53, %reduce_sum3A_54 [1] : vector<100x64xf32> to vector<100xf32>
    %broadcast_in_dim3A_56 = vector.shape_cast %reduce_sum3A_55 : vector<100xf32> to vector<100x1xf32>
    %eq3A_57 = arith.constant 0.000000e+00 : f32
    %eq3A_58 = vector.broadcast %eq3A_57 : f32 to vector<100x1xf32>
    %eq3A_59 = arith.cmpf oeq, %broadcast_in_dim3A_56, %eq3A_58 : vector<100x1xf32>
    %broadcast_in_dim3A_60 = arith.constant 2147483647 : i32
    %broadcast_in_dim3A_61 = vector.broadcast %broadcast_in_dim3A_60 : i32 to vector<28x1xi32>
    %concatenate3A = tpu.concatenate %xor3A_46, %broadcast_in_dim3A_61 in 0 : vector<100x1xi32>, vector<28x1xi32> -> vector<128x1xi32>
    %broadcast_in_dim3A_62 = arith.constant 2147483647 : i32
    %broadcast_in_dim3A_63 = vector.broadcast %broadcast_in_dim3A_62 : i32 to vector<28x1xi32>
    %concatenate3A_64 = tpu.concatenate %xor3A_49, %broadcast_in_dim3A_63 in 0 : vector<100x1xi32>, vector<28x1xi32> -> vector<128x1xi32>
    %reshape3A = vector.shape_cast %concatenate3A : vector<128x1xi32> to vector<1x128xi32>
    %reshape3A_65 = vector.shape_cast %concatenate3A_64 : vector<128x1xi32> to vector<1x128xi32>
    %lt3A_66 = vector.broadcast %concatenate3A_64 : vector<128x1xi32> to vector<128x128xi32>
    %lt3A_67 = vector.broadcast %reshape3A_65 : vector<1x128xi32> to vector<128x128xi32>
    %lt3A_68 = arith.cmpi slt, %lt3A_66, %lt3A_67 : vector<128x128xi32>
    %eq3A_69 = vector.broadcast %concatenate3A_64 : vector<128x1xi32> to vector<128x128xi32>
    %eq3A_70 = vector.broadcast %reshape3A_65 : vector<1x128xi32> to vector<128x128xi32>
    %eq3A_71 = arith.cmpi eq, %eq3A_69, %eq3A_70 : vector<128x128xi32>
    %lt3A_72 = vector.broadcast %concatenate3A : vector<128x1xi32> to vector<128x128xi32>
    %lt3A_73 = vector.broadcast %reshape3A : vector<1x128xi32> to vector<128x128xi32>
    %lt3A_74 = arith.cmpi slt, %lt3A_72, %lt3A_73 : vector<128x128xi32>
    %and3A = arith.andi %eq3A_71, %lt3A_74 : vector<128x128xi1>
    %or3A = arith.ori %lt3A_68, %and3A : vector<128x128xi1>
    %eq3A_75 = vector.broadcast %concatenate3A_64 : vector<128x1xi32> to vector<128x128xi32>
    %eq3A_76 = vector.broadcast %reshape3A_65 : vector<1x128xi32> to vector<128x128xi32>
    %eq3A_77 = arith.cmpi eq, %eq3A_75, %eq3A_76 : vector<128x128xi32>
    %eq3A_78 = vector.broadcast %concatenate3A : vector<128x1xi32> to vector<128x128xi32>
    %eq3A_79 = vector.broadcast %reshape3A : vector<1x128xi32> to vector<128x128xi32>
    %eq3A_80 = arith.cmpi eq, %eq3A_78, %eq3A_79 : vector<128x128xi32>
    %and3A_81 = arith.andi %eq3A_77, %eq3A_80 : vector<128x128xi1>
    %iota3A_82 = tpu.iota {dimensions = array<i32: 0>} : vector<128x128xi32>
    %iota3A_83 = tpu.iota {dimensions = array<i32: 1>} : vector<128x128xi32>
    %lt3A_84 = arith.cmpi slt, %iota3A_82, %iota3A_83 : vector<128x128xi32>
    %and3A_85 = arith.andi %and3A_81, %lt3A_84 : vector<128x128xi1>
    %or3A_86 = arith.ori %or3A, %and3A_85 : vector<128x128xi1>
    %convert_element_type3A_87 = arith.extui %or3A_86 : vector<128x128xi1> to vector<128x128xi32>
    %convert_element_type3A_88 = arith.sitofp %convert_element_type3A_87 : vector<128x128xi32> to vector<128x128xf32>
    %reduce_sum3A_89 = arith.constant dense<0.000000e+00> : vector<128xf32>
    %reduce_sum3A_90 = vector.multi_reduction <add>, %convert_element_type3A_88, %reduce_sum3A_89 [0] : vector<128x128xf32> to vector<128xf32>
    %broadcast_in_dim3A_91 = vector.shape_cast %reduce_sum3A_90 : vector<128xf32> to vector<1x128xf32>
    %convert_element_type3A_92 = arith.extui %or3A : vector<128x128xi1> to vector<128x128xi32>
    %convert_element_type3A_93 = arith.sitofp %convert_element_type3A_92 : vector<128x128xi32> to vector<128x128xf32>
    %reduce_sum3A_94 = arith.constant dense<0.000000e+00> : vector<128xf32>
    %reduce_sum3A_95 = vector.multi_reduction <add>, %convert_element_type3A_93, %reduce_sum3A_94 [0] : vector<128x128xf32> to vector<128xf32>
    %reshape3A_96 = vector.shape_cast %concatenate3A : vector<128x1xi32> to vector<1x128xi32>
    %swap3A_97 = arith.constant 0 : index
    %swap3A_98 = arith.constant 0 : index
    %swap3A_99 = vector.load %arg5[%swap3A_97, %swap3A_98] : memref<2x128xi32, #tpu.memory_space<vmem>>, vector<1x128xi32>
    tpu.vector_store %arg5[%swap3A_97, %swap3A_98], %reshape3A_96 {strides = array<i32>} : memref<2x128xi32, #tpu.memory_space<vmem>>, vector<1x128xi32>,
    %reshape3A_100 = vector.shape_cast %concatenate3A_64 : vector<128x1xi32> to vector<1x128xi32>
    %swap3A_101 = arith.constant 1 : index
    %swap3A_102 = arith.constant 0 : index
    %swap3A_103 = vector.load %arg5[%swap3A_101, %swap3A_102] : memref<2x128xi32, #tpu.memory_space<vmem>>, vector<1x128xi32>
    tpu.vector_store %arg5[%swap3A_101, %swap3A_102], %reshape3A_100 {strides = array<i32>} : memref<2x128xi32, #tpu.memory_space<vmem>>, vector<1x128xi32>,
    %convert_element_type3A_104 = arith.fptosi %broadcast_in_dim3A_91 : vector<1x128xf32> to vector<1x128xi32>
    %swap3A_105 = arith.constant 0 : index
    %swap3A_106 = arith.constant 0 : index
    %swap3A_107 = vector.load %arg6[%swap3A_105, %swap3A_106] : memref<1x128xi32, #tpu.memory_space<vmem>>, vector<1x128xi32>
    tpu.vector_store %arg6[%swap3A_105, %swap3A_106], %convert_element_type3A_104 {strides = array<i32>} : memref<1x128xi32, #tpu.memory_space<vmem>>, vector<1x128xi32>,
    %reshape3A_108 = vector.shape_cast %reduce_sum3A_95 : vector<128xf32> to vector<128x1xf32>
    %slice3A_109 = vector.extract_strided_slice %reshape3A_108 {offsets = [0, 0], sizes = [100, 1], strides = [1, 1]} : vector<128x1xf32> to vector<100x1xf32>
    %iota3A_110 = tpu.iota {dimensions = array<i32: 1>} : vector<100x128xi32>
    %convert_element_type3A_111 = arith.sitofp %iota3A_110 : vector<100x128xi32> to vector<100x128xf32>
    %eq3A_112 = vector.broadcast %slice3A_109 : vector<100x1xf32> to vector<100x128xf32>
    %eq3A_113 = arith.cmpf oeq, %eq3A_112, %convert_element_type3A_111 : vector<100x128xf32>
    %and3A_114 = vector.broadcast %eq3A_59 : vector<100x1xi1> to vector<100x128xi1>
    %and3A_115 = arith.andi %eq3A_113, %and3A_114 : vector<100x128xi1>
    %convert_element_type3A_116 = arith.extui %and3A_115 : vector<100x128xi1> to vector<100x128xi32>
    %convert_element_type3A_117 = arith.sitofp %convert_element_type3A_116 : vector<100x128xi32> to vector<100x128xf32>
    %swap3A_118 = arith.constant 0 : index
    %swap3A_119 = arith.constant 0 : index
    %swap3A_120 = vector.load %arg7[%swap3A_118, %swap3A_119] : memref<100x128xf32, #tpu.memory_space<vmem>>, vector<100x128xf32>
    tpu.vector_store %arg7[%swap3A_118, %swap3A_119], %convert_element_type3A_117 {strides = array<i32>} : memref<100x128xf32, #tpu.memory_space<vmem>>, vector<100x128xf32>,
    return
  }
  func.func @transform_0(%arg0: i32) -> (i32, i32) {
    %c0_i32 = arith.constant 0 : i32
    %c0_i32_0 = arith.constant 0 : i32
    %c0_i32_1 = arith.constant 0 : i32
    return %c0_i32, %c0_i32_0 : i32, i32
  }
  func.func @transform_1(%arg0: i32) -> (i32, i32) {
    %c0_i32 = arith.constant 0 : i32
    %c0_i32_0 = arith.constant 0 : i32
    %c0_i32_1 = arith.constant 0 : i32
    return %c0_i32, %c0_i32_0 : i32, i32
  }
  func.func @transform_2(%arg0: i32) -> (i32, i32) {
    %c0_i32 = arith.constant 0 : i32
    %c0_i32_0 = arith.constant 0 : i32
    %c0_i32_1 = arith.constant 0 : i32
    return %c0_i32, %c0_i32_0 : i32, i32
  }
  func.func @transform_3(%arg0: i32) -> (i32, i32) {
    %c0_i32 = arith.constant 0 : i32
    %c0_i32_0 = arith.constant 0 : i32
    %c0_i32_1 = arith.constant 0 : i32
    return %c0_i32, %c0_i32_0 : i32, i32
  }
  func.func @transform_4(%arg0: i32) -> (i32, i32) {
    %c0_i32 = arith.constant 0 : i32
    %c0_i32_0 = arith.constant 0 : i32
    %c0_i32_1 = arith.constant 0 : i32
    return %c0_i32, %c0_i32_0 : i32, i32
  }
  func.func @transform_5(%arg0: i32) -> (i32, i32) {
    %c0_i32 = arith.constant 0 : i32
    %c0_i32_0 = arith.constant 0 : i32
    %c0_i32_1 = arith.constant 0 : i32
    return %c0_i32, %c0_i32_0 : i32, i32
  }
  func.func @transform_6(%arg0: i32) -> (i32, i32) {
    %c0_i32 = arith.constant 0 : i32
    %c0_i32_0 = arith.constant 0 : i32
    %c0_i32_1 = arith.constant 0 : i32
    return %c0_i32, %c0_i32_0 : i32, i32
  }
}

module attributes {stable_mosaic.version = 14 : i64} {
  func.func @_merge_body(%arg0: i32, %arg1: memref<100x128xf32, #tpu.memory_space<vmem>>, %arg2: memref<100x128xf32, #tpu.memory_space<vmem>>, %arg3: memref<32x128xf32, #tpu.memory_space<vmem>>, %arg4: memref<1x1xf32, #tpu.memory_space<vmem>>, %arg5: memref<1x1xf32, #tpu.memory_space<vmem>>) attributes {dimension_semantics = [#tpu.dimension_semantics<arbitrary>], iteration_bounds = array<i64: 1>, scalar_prefetch = 0 : i64, scratch_operands = 0 : i64, tpu.core_type = #tpu.core_type<tc>, window_params = [{pipeline_mode = #tpu.pipeline_mode<synchronous>, transform_indices = @transform_0, window_bounds = array<i64: 100, 128>}, {pipeline_mode = #tpu.pipeline_mode<synchronous>, transform_indices = @transform_1, window_bounds = array<i64: 100, 128>}, {pipeline_mode = #tpu.pipeline_mode<synchronous>, transform_indices = @transform_2, window_bounds = array<i64: 32, 128>}, {pipeline_mode = #tpu.pipeline_mode<synchronous>, transform_indices = @transform_3, window_bounds = array<i64: 1, 1>}, {pipeline_mode = #tpu.pipeline_mode<synchronous>, transform_indices = @transform_4, window_bounds = array<i64: 1, 1>}]} {
    %get3A = arith.constant 0 : index
    %get3A_0 = arith.constant 0 : index
    %get3A_1 = vector.load %arg3[%get3A, %get3A_0] : memref<32x128xf32, #tpu.memory_space<vmem>>, vector<32x128xf32>
    %reduce_sum3A = arith.constant dense<0.000000e+00> : vector<128xf32>
    %reduce_sum3A_2 = vector.multi_reduction <add>, %get3A_1, %reduce_sum3A [0] : vector<32x128xf32> to vector<128xf32>
    %broadcast_in_dim3A = vector.shape_cast %reduce_sum3A_2 : vector<128xf32> to vector<1x128xf32>
    %get3A_3 = arith.constant 0 : index
    %get3A_4 = arith.constant 0 : index
    %get3A_5 = vector.load %arg2[%get3A_3, %get3A_4] : memref<100x128xf32, #tpu.memory_space<vmem>>, vector<100x128xf32>
    %dot_general3A = arith.constant dense<0.000000e+00> : vector<100x1xf32>
    %dot_general3A_6 = tpu.matmul %get3A_5, %broadcast_in_dim3A, %dot_general3A {dimension_numbers = #tpu.dot_dimension_numbers<[1], [1], [0], [0], [0, 0, 1, 0], [], []>, transpose_lhs_hint = false} : vector<100x128xf32>, vector<1x128xf32>, vector<100x1xf32> -> vector<100x1xf32>
    %get3A_7 = arith.constant 0 : index
    %get3A_8 = arith.constant 0 : index
    %get3A_9 = vector.load %arg1[%get3A_7, %get3A_8] : memref<100x128xf32, #tpu.memory_space<vmem>>, vector<100x128xf32>
    %slice3A = vector.extract_strided_slice %get3A_9 {offsets = [0, 0], sizes = [100, 1], strides = [1, 1]} : vector<100x128xf32> to vector<100x1xf32>
    %add3A = arith.addf %slice3A, %dot_general3A_6 : vector<100x1xf32>
    %reduce_sum3A_10 = vector.shape_cast %add3A : vector<100x1xf32> to vector<1x100x1xf32>
    %reduce_sum3A_11 = arith.constant dense<0.000000e+00> : vector<1xf32>
    %reduce_sum3A_12 = vector.multi_reduction <add>, %reduce_sum3A_10, %reduce_sum3A_11 [1, 2] : vector<1x100x1xf32> to vector<1xf32>
    %reduce_sum3A_13 = vector.shape_cast %reduce_sum3A_12 : vector<1xf32> to vector<1x1x1xf32>
    %reduce_sum3A_14 = vector.extract %reduce_sum3A_13[0, 0, 0] : f32 from vector<1x1x1xf32>
    %div3A = arith.constant 1.000000e+02 : f32
    %div3A_15 = arith.divf %reduce_sum3A_14, %div3A : f32
    %reshape3A = vector.broadcast %div3A_15 : f32 to vector<1x1xf32>
    %swap3A = arith.constant 0 : index
    %swap3A_16 = arith.constant 0 : index
    %swap3A_17 = vector.load %arg4[%swap3A, %swap3A_16] : memref<1x1xf32, #tpu.memory_space<vmem>>, vector<1x1xf32>
    tpu.vector_store %arg4[%swap3A, %swap3A_16], %reshape3A {strides = array<i32>} : memref<1x1xf32, #tpu.memory_space<vmem>>, vector<1x1xf32>,
    %eq3A = arith.constant 0.000000e+00 : f32
    %eq3A_18 = vector.broadcast %eq3A : f32 to vector<100x1xf32>
    %eq3A_19 = arith.cmpf oeq, %add3A, %eq3A_18 : vector<100x1xf32>
    %convert_element_type3A = arith.extui %eq3A_19 : vector<100x1xi1> to vector<100x1xi32>
    %convert_element_type3A_20 = arith.sitofp %convert_element_type3A : vector<100x1xi32> to vector<100x1xf32>
    %reduce_sum3A_21 = vector.shape_cast %convert_element_type3A_20 : vector<100x1xf32> to vector<1x100x1xf32>
    %reduce_sum3A_22 = arith.constant dense<0.000000e+00> : vector<1xf32>
    %reduce_sum3A_23 = vector.multi_reduction <add>, %reduce_sum3A_21, %reduce_sum3A_22 [1, 2] : vector<1x100x1xf32> to vector<1xf32>
    %reduce_sum3A_24 = vector.shape_cast %reduce_sum3A_23 : vector<1xf32> to vector<1x1x1xf32>
    %reduce_sum3A_25 = vector.extract %reduce_sum3A_24[0, 0, 0] : f32 from vector<1x1x1xf32>
    %reshape3A_26 = vector.broadcast %reduce_sum3A_25 : f32 to vector<1x1xf32>
    %swap3A_27 = arith.constant 0 : index
    %swap3A_28 = arith.constant 0 : index
    %swap3A_29 = vector.load %arg5[%swap3A_27, %swap3A_28] : memref<1x1xf32, #tpu.memory_space<vmem>>, vector<1x1xf32>
    tpu.vector_store %arg5[%swap3A_27, %swap3A_28], %reshape3A_26 {strides = array<i32>} : memref<1x1xf32, #tpu.memory_space<vmem>>, vector<1x1xf32>,
    return
  }
  func.func @transform_0(%arg0: i32) -> (i32, i32) {
    %c0_i32 = arith.constant 0 : i32
    %c0_i32_0 = arith.constant 0 : i32
    %c0_i32_1 = arith.constant 0 : i32
    return %c0_i32, %c0_i32_0 : i32, i32
  }
  func.func @transform_1(%arg0: i32) -> (i32, i32) {
    %c0_i32 = arith.constant 0 : i32
    %c0_i32_0 = arith.constant 0 : i32
    %c0_i32_1 = arith.constant 0 : i32
    return %c0_i32, %c0_i32_0 : i32, i32
  }
  func.func @transform_2(%arg0: i32) -> (i32, i32) {
    %c0_i32 = arith.constant 0 : i32
    %c0_i32_0 = arith.constant 0 : i32
    %c0_i32_1 = arith.constant 0 : i32
    return %c0_i32, %c0_i32_0 : i32, i32
  }
  func.func @transform_3(%arg0: i32) -> (i32, i32) {
    %c0_i32 = arith.constant 0 : i32
    %c0_i32_0 = arith.constant 0 : i32
    %c0_i32_1 = arith.constant 0 : i32
    return %c0_i32, %c0_i32_0 : i32, i32
  }
  func.func @transform_4(%arg0: i32) -> (i32, i32) {
    %c0_i32 = arith.constant 0 : i32
    %c0_i32_0 = arith.constant 0 : i32
    %c0_i32_1 = arith.constant 0 : i32
    return %c0_i32, %c0_i32_0 : i32, i32
  }
}

</mosaic_0001>

<sc_bundles>
// kernel: kernel.6.cloned.1.call-start
scs
__scs_entry_jumppad:
0x0: {  	(pc) =	sbr.rel $0x88, $3  }
0x1: {  	(tag) =	ssettag $0x0;
	lr =	simm.s32 $0x1  }
0x2: {  	[smem:$0x3F9D] =	sst lr;
	_ =	strace $0xD0000000  }
0x3: {  	_ = 	snop  }
0x4: {  	_ = 	snop  }
0x5: {  	_ = 	snop  }
0x6: {  	_ = 	snop  }
0x7: {  	_ = 	snop  }
__scs_overlays_trampoline_lowered:
0x8: {  	[smem:$0x3FAC] =	sst s0  }
0x9: {  	[smem:$0x3FAD] =	sst s1  }
0xa: {  	[smem:$0x3FAE] =	sst s2  }
0xb: {  	[smem:$0x3FAF] =	sst s3  }
0xc: {  	[smem:$0x3FB0] =	sst s4  }
0xd: {  	[smem:$0x3FB1] =	sst s5  }
0xe: {  	[smem:$0x3FB2] =	sst s6  }
0xf: {  	[smem:$0x3FB3] =	sst s7  }
0x10: {  	[smem:$0x3FB4] =	sst s8  }
0x11: {  	[smem:$0x3FB5] =	sst s9;
	s0 =	simm.s32 @!p0 $0x0  }
0x12: {  	s1 =	sld [smem:$0x3F9B];
	s0 =	simm.s32 @p0 $0x1  }
0x13: {  	[smem:$0x3FB6] =	sst s0;
	s0 =	simm.s32 @!p1 $0x0  }
0x14: {  	s2 =	sld [smem:$0x3F9A];
	s0 =	simm.s32 @p1 $0x1  }
0x15: {  	[smem:$0x3FB7] =	sst s0;
	s0 =	simm.s32 @!p2 $0x0  }
0x16: {  	s3 =	sld [smem:$0x3FDB];
	s0 =	simm.s32 @p2 $0x1  }
0x17: {  	s4 =	simm.s32 $0x1BF5;
	[smem:$0x3FB9] =	sst s0  }
0x18: {  	s0 =	sld [smem:$0x3F9C];
	_ =	swait.ge [sflag:s4], $0x0  }
0x19: {  	s7 =	sld [smem:$0x3F9D]  }
0x1a: {  	s8 =	sadd.s32 $0xFFFFE003, lr  }
0x1b: {  	s9 =	sadd.s32 $0xFFFFFEF7, lr;
	s5 =	simm.s32 $0xFFFFFFFF;
	p2 =	slt.u32 s8, $0xFFFFF086  }
0x1c: {  	p1 =	slt.u32 s9, $0xF7A;
	s5 =	simm.s32 @!p2 $0x0  }
0x1d: {  	s5 =	simm.s32 @p1 $0x1;
	p0 =	seq.s32 s7, s2  }
0x1e: {  	s7 =	smul.u32 @!p0 $0xF7A, s2;
	p2 =	seq.s32 @!p0 s5, $0x0  }
0x1f: {  	s9 =	smul.u32 $0xF7A, s1;
	s8 =	simm.s32 @!p0 $0x1BF5;
	p2 =	por !p2, p0  }
0x20: {  	[sflag:s8] =	ssyncset.s32 @!p0 $0xFFFFF086;
	s6 =	sadd.s32 @!p0 s3, s7;
	s7 =	simm.s32 @!p0 $0x108  }
0x21: {  	s3 =	sadd.s32 s3, s9;
	s6 =	sadd.s32 @!p0 $0x88, s6;
	s7 =	simm.s32 @p2 $0x1082  }
0x22: {  	[simem:s7], [sflag:s8] =	dma.local @!p0 [hbm:s6], $0xF7A  }
0x23: {  	s9 =	sor.u32 $0xD0000000, s2;
	s6 =	simm.s32 $0x108;
	_ =	swait.ge @!p0 [sflag:s8], $0x0  }
0x24: {  	s3 =	sadd.s32 $0x88, s3;
	s6 =	simm.s32 @!p1 $0x1082;
	[sflag:s4] =	ssyncset.s32 $0xFFFFF086  }
0x25: {  	[simem:s6], [sflag:s4] =	dma.local [hbm:s3], $0xF7A  }
0x26: {  	[smem:$0x3F9D] =	sst s1;
	(tag) =	ssettag s2;
	_ =	strace s9  }
0x27: {  	s1 =	sld [smem:$0x3FAD]  }
0x28: {  	s2 =	sld [smem:$0x3FAE]  }
0x29: {  	s4 =	sld [smem:$0x3FB0]  }
0x2a: {  	p0 =	seq.s32 s5, $0x0;
	s5 =	sld [smem:$0x3FB1]  }
0x2b: {  	s6 =	sld [smem:$0x3FB2]  }
0x2c: {  	s7 =	sld [smem:$0x3FB3]  }
0x2d: {  	s3 =	simm.s32 $0x108;
	s8 =	sld [smem:$0x3FB4]  }
0x2e: {  	s3 =	simm.s32 @!p0 $0x1082;
	s9 =	sld [smem:$0x3FB5]  }
0x2f: {  	lr =	sadd.s32 s0, s3;
	s0 =	sld [smem:$0x3FAC]  }
0x30: {  	s3 =	sld [smem:$0x3FAF]  }
0x31: {  	[smem:$0x3FB8] =	sst s10  }
0x32: {  	s10 =	sld [smem:$0x3FB6];
	_ =	sdelay $0x3  }
0x33: {  	p0 =	seq.s32 s10, $0x1;
	s10 =	sld [smem:$0x3FB8];
	_ =	sdelay $0x3  }
0x34: {  	[smem:$0x3FB8] =	sst s10  }
0x35: {  	s10 =	sld [smem:$0x3FB7];
	_ =	sdelay $0x3  }
0x36: {  	p1 =	seq.s32 s10, $0x1;
	s10 =	sld [smem:$0x3FB8];
	_ =	sdelay $0x3  }
0x37: {  	[smem:$0x3FB8] =	sst s10  }
0x38: {  	s10 =	sld [smem:$0x3FB9]  }
0x39: {  	_ = 	snop;
	(pc) =	sbr.ind lr, $3  }
0x3a: {  	_ = 	snop  }
0x3b: {  	_ = 	snop  }
0x3c: {  	p2 =	seq.s32 s10, $0x1;
	s10 =	sld [smem:$0x3FB8]  }
0x3d: {  	_ =	shalt  }
0x3e: {  	_ =	shalt  }
0x3f: {  	_ =	shalt  }
0x40: {  	_ =	shalt  }
0x41: {  	_ =	shalt  }
0x42: {  	_ =	shalt  }
0x43: {  	_ =	shalt  }
0x44: {  	_ =	shalt  }
0x45: {  	_ =	shalt  }
0x46: {  	_ =	shalt  }
0x47: {  	_ =	shalt  }
0x48: {  	_ =	shalt  }
0x49: {  	_ =	shalt  }
0x4a: {  	_ =	shalt  }
0x4b: {  	_ =	shalt  }
0x4c: {  	_ =	shalt  }
0x4d: {  	_ =	shalt  }
0x4e: {  	_ =	shalt  }
0x4f: {  	_ =	shalt  }
0x50: {  	_ =	shalt  }
0x51: {  	_ =	shalt  }
0x52: {  	_ =	shalt  }
0x53: {  	_ =	shalt  }
0x54: {  	_ =	shalt  }
0x55: {  	_ =	shalt  }
0x56: {  	_ =	shalt  }
0x57: {  	_ =	shalt  }
0x58: {  	_ =	shalt  }
0x59: {  	_ =	shalt  }
0x5a: {  	_ =	shalt  }
0x5b: {  	_ =	shalt  }
0x5c: {  	_ =	shalt  }
0x5d: {  	_ =	shalt  }
0x5e: {  	_ =	shalt  }
0x5f: {  	_ =	shalt  }
0x60: {  	_ =	shalt  }
0x61: {  	_ =	shalt  }
0x62: {  	_ =	shalt  }
0x63: {  	_ =	shalt  }
0x64: {  	_ =	shalt  }
0x65: {  	_ =	shalt  }
0x66: {  	_ =	shalt  }
0x67: {  	_ =	shalt  }
0x68: {  	_ =	shalt  }
0x69: {  	_ =	shalt  }
0x6a: {  	_ =	shalt  }
0x6b: {  	_ =	shalt  }
0x6c: {  	_ =	shalt  }
0x6d: {  	_ =	shalt  }
0x6e: {  	_ =	shalt  }
0x6f: {  	_ =	shalt  }
0x70: {  	_ =	shalt  }
0x71: {  	_ =	shalt  }
0x72: {  	_ =	shalt  }
0x73: {  	_ =	shalt  }
0x74: {  	_ =	shalt  }
0x75: {  	_ =	shalt  }
0x76: {  	_ =	shalt  }
0x77: {  	_ =	shalt  }
0x78: {  	_ =	shalt  }
0x79: {  	_ =	shalt  }
0x7a: {  	_ =	shalt  }
0x7b: {  	_ =	shalt  }
0x7c: {  	_ =	shalt  }
0x7d: {  	_ =	shalt  }
0x7e: {  	_ =	shalt  }
0x7f: {  	_ =	shalt  }
0x80: {  	_ =	shalt  }
0x81: {  	_ =	shalt  }
0x82: {  	_ =	shalt  }
0x83: {  	_ =	shalt  }
0x84: {  	_ =	shalt  }
0x85: {  	_ =	shalt  }
0x86: {  	_ =	shalt  }
0x87: {  	_ =	shalt  }
.Lfunc_end0:
.L_simem_size_0:
called_computation_lowered:
.L_overlay_start_0:
0x88: {  	s2 =	sld [smem:$0x3FD9]  }
0x89: {  	s3 =	sld [smem:$0x3FFE];
	_ =	sdelay $0x1  }
0x8a: {  	s1 =	srdreg.scid  }
0x8b: {  	s0 =	sand.u32 $0x1, s1  }
0x8c: {  	s14 =	sshll.u32 s0, $0xA;
	s2 =	sadd.s32 s3, s2  }
0x8d: {  	s2 =	sadd.s32 s2, s14  }
0x8e: {  	[smem:$0x3FC4] =	sst s2  }
0x8f: {  	_ = 	snop  }
0x90: {  	s2 =	sld [smem:$0x3FD0];
	_ =	sdelay $0x2  }
0x91: {  	s4 =	simm.s32 $0xA;
	s5 =	simm.s32 $0x10;
	s15 =	sld [smem:$0x3FC8]  }
0x92: {  	[smem:s5], [sflag:s4] =	dma.local [hbm:s2], $0x1  }
0x93: {  	_ =	swait.eq [sflag:s4], $0x1  }
0x94: {  	[sflag:s4] =	ssyncset.done $0x0  }
0x95: {  	[sflag:s4] =	ssyncadd.s32 $0xFFFFFFFF  }
0x96: {  	s16 =	sld [smem:$0x12];
	(tm) =	ssettm $0x1  }
0x97: {  	s17 =	sld [smem:$0x3FFB];
	_ =	sdelay $0x3  }
0x98: {  	_ =	strace s17  }
0x99: {  	s4 =	sld [smem:$0x3FFC];
	_ =	sdelay $0x3  }
0x9a: {  	_ =	strace s4  }
0x9b: {  	s4 =	sld [smem:$0x3FFD];
	_ =	sdelay $0x3  }
0x9c: {  	_ =	strace s4  }
0x9d: {  	_ =	strace $0x8FFFFFFF  }
0x9e: {  	s18 =	sld [smem:$0x3FDB];
	_ =	sdelay $0x1  }
0x9f: {  	s19 =	simm.s32 $_scs_section_size  }
0xa0: {  	s6 =	simm.s32 $_size__tile_overlayer_lowered;
	s7 =	simm.s32 $_tile_overlayer_lowered  }
0xa1: {  	s22 =	simm.s32 $0x1BFF;
	s21 =	sshll.u32 s7, $0x1;
	s4 =	sadd.s32 s19, s18  }
0xa2: {  	s8 =	simm.s32 $0x0;
	s20 =	sshll.u32 s6, $0x1;
	s6 =	sadd.s32 s21, s4  }
0xa3: {  	[timem:s8], [sflag:s22] =	dma.local [hbm:s6], s20  }
0xa4: {  	_ =	swait.ge [sflag:s22], s20  }
0xa5: {  	s5 =	ssub.s32 $0x0, s20;
	[sflag:s22] =	ssyncset.done $0x0  }
0xa6: {  	[sflag:s22] =	ssyncadd.s32 s5;
	_ =	sdelay $0x1  }
0xa7: {  	s23 =	simm.s32 $0x1B8B  }
0xa8: {  	_ =	swait.ge [sflag:s23], $0x1  }
0xa9: {  	[sflag:s23] =	ssyncset.done $0x0  }
0xaa: {  	s25 =	simm.s32 $0x1B8E;
	s24 =	sld [smem:$0x3FFE];
	[sflag:s23] =	ssyncadd.s32 $0xFFFFFFFF  }
0xab: {  	s26 =	simm.s32 $execute0_lowered;
	[smem:$0x3FD2] =	sst s25  }
0xac: {  	s6 =	sshll.u32 s26, $0x1;
	_ =	strace $0x80000046;
	[dreg:$0x1] =	wrdreg $0xFFFFFFFF  }
0xad: {  	s28 =	simm.s32 $_size_execute0_lowered;
	s4 =	sadd.s32 s4, s6;
	[dreg:$0x0] =	wrdreg $0x0  }
0xae: {  	s6 =	sshll.u32 s28, $0x1;
	[dreg:$0x2] =	wrdreg s4  }
0xaf: {  	[dreg:$0x3] =	wrdreg s6  }
0xb0: {  	[dreg:$0x4] =	wrdreg $0xC0  }
0xb1: {  	_ =	task [dreg:s8], $0x5FFFF  }
0xb2: {  	[dreg:$0x1] =	wrdreg $0xFFFFFFFF  }
0xb3: {  	[dreg:$0x0] =	wrdreg $0x60  }
0xb4: {  	[dreg:$0x2] =	wrdreg s15  }
0xb5: {  	[dreg:$0x3] =	wrdreg s24  }
0xb6: {  	[dreg:$0x4] =	wrdreg s16  }
0xb7: {  	[dreg:$0x5] =	wrdreg $0x9  }
0xb8: {  	_ =	task.clear_ibuf [dreg:s8], $0x6FFFF;
	_ =	strace $0x90000046  }
0xb9: {  	s29 =	simm.s32 $0x9;
	_ =	strace $0x80000048  }
0xba: {  	_ =	swait.ge [sflag:s29], $0x1  }
0xbb: {  	[sflag:s29] =	ssyncadd.s32 $0xFFFFFFFF  }
0xbc: {  	_ =	strace $0x90000048  }
0xbd: {  	_ =	sfence  }
0xbe: {  	s30 =	sld [smem:$0x0];
	_ =	sdelay $0x2  }
0xbf: {  	s31 =	sshll.u32 s1, $0xD;
	s1 =	sshrl.u32 s1, $0x2  }
0xc0: {  	s3 =	sand.u32 $0x4000, s31;
	s1 =	sadd.s32 s1, s30  }
0xc1: {  	s0 =	sor.u32 s3, s0;
	s1 =	sshll.u32 s1, $0x11  }
0xc2: {  	s0 =	sor.u32 s1, s0  }
0xc3: {  	s0 =	sadd.s32 $0x8F2B, s0  }
0xc4: {  	[sflag:s0] =	ssyncadd.remote.s32 $0x1  }
0xc5: {  	_ =	sfence.sel $0xFFFF  }
0xc6: {  	[dreg:$0x0] =	wrdreg $0xFFFFFFFF;
	(pc) =	sbr.abs _section_cstart, $3  }
0xc7: {  	[dreg:$0x1] =	wrdreg $0xFFFFFFFF  }
0xc8: {  	_ =	task.clear_ibuf [dreg:s8], $0x2FFFF;
	_ =	strace $0x9FFFFFFF  }
0xc9: {  	(tm) =	ssettm $0x7FFFFFFF  }
tec
execute0_lowered:
.L_overlay_start_1:
0x0: {  	(tag) =	ssettag $0x1  }
0x1: {  	s0 =	rddreg [dreg:$0x0]  }
0x2: {  	s1 =	rddreg [dreg:$0x1];
	s6 =	simm.s32 $0x0  }
0x3: {  	s2 =	srdreg.scid;
	s3 =	stileid.u32;
	s13 =	simm.s32 $0x180  }
0x4: {  	s14 =	simm.s32 $0x200;
	s2 =	sand.u32 $0x1, s2;
	s3 =	sshll.u32 s3, $0x1  }
0x5: {  	[smem:$0x7FF] =	sst s6;
	s4 =	sadd.s32 $0x1400, s1;
	s3 =	sor.u32 s2, s3  }
0x6: {  	_ =	strace $0x80000047;
	[dreg:$0x4] =	wrdreg s4;
	s28 =	sshll.u32 s3, $0x9  }
0x7: {  	s2 =	ssub.s32 $0x2, s2;
	s3 =	sshll.u32 s3, $0x4;
	s0 =	sadd.s32 s28, s0  }
0x8: {  	s5 =	sshrl.u32 s2, $0x1;
	s1 =	sadd.s32 s3, s1;
	s0 =	sadd.s32 $0x2AE00, s0  }
0x9: {  	s2 =	ssub.s32 s2, s5;
	s29 =	sadd.s32 $0x1600, s1;
	[dreg:$0x5] =	wrdreg s0  }
0xa: {  	v0 =	vimm.f32 $0.0e+00;
	s31 =	simm.s32 $0x280;
	s30 =	smax.u32 s2, $0x1;
	[dreg:$0x6] =	wrdreg s29  }
0xb: {  	v1 =	vimm.s32 $0x3F;
	v2 =	vimm.s32 $0x0;
	v3 =	vimm.f32 $1.000000000e+00;
	s1 =	simm.s32 $0x3;
	s2 =	simm.s32 $0x0;
	[dreg:$0x7] =	wrdreg s30  }
.LBB2_1:
0xc: {  	[dreg:$0x8] =	wrdreg s2  }
0xd: {  	s0 =	rddreg [dreg:$0x4]  }
0xe: {  	[tilespmem:s6], [sflag:$0x3] =	stream.linear.gather [hbm4b:s0+s6], $0x100, $0x38;
	[tilespmem:$0x10300] =	vst v63  }
0xf: {  	_ =	swait.ge [sflag:s1], $0x100  }
0x10: {  	[sflag:s1] =	ssyncset.done $0x0  }
0x11: {  	[sflag:s1] =	ssyncadd.s32 $0xFFFFFF00  }
0x12: {  	s25 =	simm.s32 $0x100;
	s24 =	rddreg [dreg:$0x2]  }
0x13: {  	[tilespmem:s25], [sflag:$0x3] =	stream.linear.gather [hbm4b:s24+s6], $0x80, $0x38;
	[tilespmem:$0x10300] =	vst v63  }
0x14: {  	_ =	swait.ge [sflag:s1], $0x80  }
0x15: {  	s28 =	simm.s32 $0x1000;
	s29 =	simm.s32 $0x186C00;
	[sflag:s1] =	ssyncset.done $0x0  }
0x16: {  	s3 =	simm.s32 $0x300;
	s26 =	rddreg [dreg:$0x5];
	[sflag:s1] =	ssyncadd.s32 $0xFFFFFF80  }
0x17: {  	[tilespmem:s3], [sflag:$0x1] =	stream.strided.gather [hbm4b:s26+s28], $0x8000, s29, s28, $0x38;
	[tilespmem:$0x10300] =	vst v63  }
0x18: {  	v4 =	vld [tilespmem:$0x100];
	_ =	sdelay $0x2  }
0x19: {  	v5 =	vld [tilespmem:$0x0];
	_ =	sdelay $0x4  }
0x1a: {  	[tilespmem:v4+s13+$0x0] =	vst.idx.msk $0xffff, v5  }
0x1b: {  	v5 =	vld [tilespmem:$0x80];
	_ =	sdelay $0x4  }
0x1c: {  	[tilespmem:v4+s14+$0x0] =	vst.idx.msk $0xffff, v5  }
0x1d: {  	v4 =	vld [tilespmem:$0x110];
	_ =	sdelay $0x2  }
0x1e: {  	v5 =	vld [tilespmem:$0x10];
	_ =	sdelay $0x3  }
0x1f: {  	[tilespmem:$0x280] =	vst v0  }
0x20: {  	[tilespmem:v4+s13+$0x0] =	vst.idx.msk $0xffff, v5  }
0x21: {  	v5 =	vld [tilespmem:$0x90];
	_ =	sdelay $0x4  }
0x22: {  	[tilespmem:v4+s14+$0x0] =	vst.idx.msk $0xffff, v5  }
0x23: {  	v4 =	vld [tilespmem:$0x120];
	_ =	sdelay $0x2  }
0x24: {  	v5 =	vld [tilespmem:$0x20];
	_ =	sdelay $0x3  }
0x25: {  	[tilespmem:$0x290] =	vst v0  }
0x26: {  	[tilespmem:v4+s13+$0x0] =	vst.idx.msk $0xffff, v5  }
0x27: {  	v5 =	vld [tilespmem:$0xA0];
	_ =	sdelay $0x4  }
0x28: {  	[tilespmem:v4+s14+$0x0] =	vst.idx.msk $0xffff, v5  }
0x29: {  	v4 =	vld [tilespmem:$0x130];
	_ =	sdelay $0x2  }
0x2a: {  	v5 =	vld [tilespmem:$0x30];
	_ =	sdelay $0x3  }
0x2b: {  	[tilespmem:$0x2A0] =	vst v0  }
0x2c: {  	[tilespmem:v4+s13+$0x0] =	vst.idx.msk $0xffff, v5  }
0x2d: {  	v5 =	vld [tilespmem:$0xB0];
	_ =	sdelay $0x4  }
0x2e: {  	[tilespmem:v4+s14+$0x0] =	vst.idx.msk $0xffff, v5  }
0x2f: {  	v4 =	vld [tilespmem:$0x140];
	_ =	sdelay $0x2  }
0x30: {  	v5 =	vld [tilespmem:$0x40];
	_ =	sdelay $0x3  }
0x31: {  	[tilespmem:$0x2B0] =	vst v0  }
0x32: {  	[tilespmem:v4+s13+$0x0] =	vst.idx.msk $0xffff, v5  }
0x33: {  	v5 =	vld [tilespmem:$0xC0];
	_ =	sdelay $0x4  }
0x34: {  	[tilespmem:v4+s14+$0x0] =	vst.idx.msk $0xffff, v5  }
0x35: {  	v4 =	vld [tilespmem:$0x150];
	_ =	sdelay $0x2  }
0x36: {  	v5 =	vld [tilespmem:$0x50];
	_ =	sdelay $0x3  }
0x37: {  	[tilespmem:$0x2C0] =	vst v0  }
0x38: {  	[tilespmem:v4+s13+$0x0] =	vst.idx.msk $0xffff, v5  }
0x39: {  	v5 =	vld [tilespmem:$0xD0];
	_ =	sdelay $0x4  }
0x3a: {  	[tilespmem:v4+s14+$0x0] =	vst.idx.msk $0xffff, v5  }
0x3b: {  	v4 =	vld [tilespmem:$0x160];
	_ =	sdelay $0x2  }
0x3c: {  	v5 =	vld [tilespmem:$0x60];
	_ =	sdelay $0x3  }
0x3d: {  	[tilespmem:$0x2D0] =	vst v0  }
0x3e: {  	[tilespmem:v4+s13+$0x0] =	vst.idx.msk $0xffff, v5  }
0x3f: {  	v5 =	vld [tilespmem:$0xE0];
	_ =	sdelay $0x4  }
0x40: {  	[tilespmem:v4+s14+$0x0] =	vst.idx.msk $0xffff, v5  }
0x41: {  	v4 =	vld [tilespmem:$0x170];
	_ =	sdelay $0x2  }
0x42: {  	v5 =	vld [tilespmem:$0x70];
	_ =	sdelay $0x3  }
0x43: {  	[tilespmem:$0x2E0] =	vst v0  }
0x44: {  	[tilespmem:v4+s13+$0x0] =	vst.idx.msk $0xffff, v5  }
0x45: {  	v5 =	vld [tilespmem:$0xF0];
	_ =	sdelay $0x4  }
0x46: {  	[tilespmem:v4+s14+$0x0] =	vst.idx.msk $0xffff, v5  }
0x47: {  	s30 =	simm.s32 $0x1;
	[tilespmem:$0x2F0] =	vst v0  }
0x48: {  	_ =	swait.ge [sflag:s30], $0x8000  }
0x49: {  	s18 =	simm.s32 $0x0;
	[sflag:s30] =	ssyncset.done $0x0  }
0x4a: {  	s19 =	simm.s32 $0x0;
	s20 =	simm.s32 $0x0;
	[sflag:s30] =	ssyncadd.s32 $0xFFFF8000  }
.LBB2_2:
0x4b: {  	s0 =	sand.u32 $0xC00, s19  }
0x4c: {  	s22 =	sand.u32 $0x60, s20;
	s1 =	sor.u32 $0x300, s0  }
0x4d: {  	s2 =	sor.u32 $0x4300, s0;
	[dreg:$0x9] =	wrdreg s1;
	s1 =	sor.u32 s22, s1  }
0x4e: {  	[dreg:$0xa] =	wrdreg s2;
	s2 =	sor.u32 s22, s2;
	v4 =	vld [tilespmem:s1+$0x0]  }
0x4f: {  	v5 =	vld [tilespmem:s2+$0x0]  }
0x50: {  	v6 =	vld [tilespmem:s1+$0x80]  }
0x51: {  	v8 =	vld [tilespmem:s1+$0x100]  }
0x52: {  	s3 =	sadd.s32 $0x4500, s0;
	v10 =	vld [tilespmem:s1+$0x180]  }
0x53: {  	[dreg:$0x10] =	wrdreg s3;
	s3 =	sor.u32 s22, s3;
	v12 =	vld [tilespmem:s1+$0x200]  }
0x54: {  	s26 =	sadd.s32 $0x4580, s0;
	v13 =	vld [tilespmem:s3+$0x0]  }
0x55: {  	s5 =	sadd.s32 $0x4680, s0;
	s28 =	sor.u32 s22, s26;
	v63 =	vld [tilespmem:s1+$0x280]  }
0x56: {  	s7 =	sor.u32 $0x1300, s0;
	s6 =	sor.u32 s22, s5;
	v16 =	vld [tilespmem:s28+$0x0]  }
0x57: {  	s9 =	sor.u32 $0x5300, s0;
	s8 =	sor.u32 s22, s7;
	v24 =	vld [tilespmem:s6+$0x0]  }
0x58: {  	s11 =	sor.u32 $0x1380, s0;
	s10 =	sor.u32 s22, s9;
	v26 =	vld [tilespmem:s8+$0x0]  }
0x59: {  	s15 =	sor.u32 $0x5380, s0;
	s12 =	sor.u32 s22, s11;
	v29 =	vld [tilespmem:s10+$0x0]  }
0x5a: {  	s21 =	sor.u32 $0x4380, s0;
	s16 =	sor.u32 s22, s15;
	v30 =	vld [tilespmem:s12+$0x0]  }
0x5b: {  	s17 =	sadd.s32 $0x1400, s0;
	[dreg:$0xd] =	wrdreg s21;
	s2 =	sor.u32 s22, s21;
	v32 =	vld [tilespmem:s16+$0x0]  }
0x5c: {  	[dreg:$0x11] =	wrdreg s5;
	s5 =	sadd.s32 $0x1580, s0;
	s21 =	sor.u32 s22, s17;
	v7 =	vld [tilespmem:s2+$0x0]  }
0x5d: {  	[dreg:$0x12] =	wrdreg s7;
	s7 =	sadd.s32 $0x5580, s0;
	s6 =	sor.u32 s22, s5;
	v35 =	vld [tilespmem:s21+$0x0]  }
0x5e: {  	[dreg:$0x15] =	wrdreg s11;
	s11 =	sadd.s32 $0x5600, s0;
	s8 =	sor.u32 s22, s7;
	v47 =	vld [tilespmem:s6+$0x0]  }
0x5f: {  	[dreg:$0x16] =	wrdreg s15;
	s15 =	sadd.s32 $0x1680, s0;
	s12 =	sor.u32 s22, s11;
	v48 =	vld [tilespmem:s8+$0x0]  }
0x60: {  	s23 =	sadd.s32 $0x4400, s0;
	s16 =	sor.u32 s22, s15;
	v50 =	vld [tilespmem:s12+$0x0]  }
0x61: {  	s3 =	sor.u32 s19, s20;
	s2 =	sor.u32 s22, s23;
	v53 =	vld [tilespmem:s16+$0x0];
	v4 =	vshrl.u32 v4, $0x1F  }
0x62: {  	[dreg:$0x17] =	wrdreg s17;
	s17 =	sadd.s32 $0x5680, s0;
	s4 =	sor.u32 $0x380, s3;
	v9 =	vld [tilespmem:s2+$0x0];
	v5 =	vshrl.u32 v5, $0x1F;
	v6 =	vshrl.u32 v6, $0x1E;
	v8 =	vshrl.u32 v8, $0x1D  }
0x63: {  	s25 =	sand.u32 $0x3, s18;
	s24 =	sadd.s32 $0x4480, s0;
	s21 =	sor.u32 s22, s17;
	v23 =	vld [tilespmem:s4+$0x300];
	v15 =	vshrl.u32 v10, $0x1C;
	v21 =	vshrl.u32 v12, $0x1B;
	v22 =	vshrl.u32 v13, $0x1B  }
0x64: {  	[dreg:$0xb] =	wrdreg s23;
	s23 =	sadd.s32 $0x5400, s0;
	s2 =	sor.u32 s22, s24;
	v54 =	vld [tilespmem:s21+$0x0];
	v27 =	vshrl.u32 v16, $0x1A;
	v34 =	vshrl.u32 v24, $0x18;
	v39 =	vshrl.u32 v29, $0x17  }
0x65: {  	[dreg:$0xc] =	wrdreg s24;
	s3 =	sadd.s32 $0x5500, s0;
	s24 =	sor.u32 s22, s23;
	v11 =	vld [tilespmem:s2+$0x0];
	v40 =	vshrl.u32 v30, $0x16;
	v7 =	vshrl.u32 v7, $0x1E;
	v6 =	vand.u32 $0x2, v6  }
0x66: {  	[dreg:$0x18] =	wrdreg s23;
	s4 =	sor.u32 s22, s3;
	s23 =	sor.u32 $0x2300, s0;
	v36 =	vld [tilespmem:s24+$0x0];
	v62 =	vand.u32 $0x4, v8;
	v8 =	vand.u32 $0x8, v15;
	v10 =	vand.u32 $0x10, v22  }
0x67: {  	s2 =	sshll.u32 s25, $0x5;
	s25 =	sadd.s32 $0x1480, s0;
	v44 =	vld [tilespmem:s4+$0x0];
	s24 =	sor.u32 s22, s23;
	v45 =	vshrl.u32 v35, $0x15;
	v57 =	vshrl.u32 v47, $0x12;
	v58 =	vshrl.u32 v48, $0x12  }
0x68: {  	[dreg:$0xe] =	wrdreg s26;
	s2 =	sadd.s32 s2, s19;
	s26 =	sor.u32 s22, s25;
	v56 =	vld [tilespmem:s24+$0x0];
	v16 =	vshrl.u32 v50, $0x11;
	v7 =	vand.u32 $0x2, v7;
	v4 =	vor.u32 v4, v6  }
0x69: {  	s30 =	sadd.s32 $0x4600, s0;
	[dreg:$0x19] =	wrdreg s25;
	s29 =	sor.u32 $0x300, s2;
	v38 =	vld [tilespmem:s26+$0x0];
	v14 =	vshrl.u32 v9, $0x1D;
	v33 =	vshrl.u32 v23, $0x18;
	v5 =	vor.u32 v5, v7  }
0x6a: {  	s25 =	sor.u32 $0x6300, s0;
	[dreg:$0x13] =	wrdreg s2;
	s2 =	sor.u32 s22, s30;
	v18 =	vld [tilespmem:s29+$0x300];
	v4 =	vor.u32 v62, v4;
	v6 =	vand.u32 $0x4, v14;
	v17 =	vshrl.u32 v11, $0x1C  }
0x6b: {  	[dreg:$0xf] =	wrdreg s30;
	s28 =	sadd.s32 $0x5480, s0;
	s26 =	sor.u32 s22, s25;
	v20 =	vld [tilespmem:s2+$0x0];
	v7 =	vshrl.u32 v63, $0x1A;
	v46 =	vshrl.u32 v36, $0x15;
	v11 =	vshrl.u32 v54, $0x10  }
0x6c: {  	[dreg:$0x14] =	wrdreg s9;
	s30 =	sadd.s32 $0x1500, s0;
	s29 =	sor.u32 s22, s28;
	v59 =	vld [tilespmem:s26+$0x0];
	v5 =	vor.u32 v6, v5;
	v4 =	vor.u32 v8, v4;
	v19 =	vand.u32 $0x8, v17  }
0x6d: {  	s9 =	sadd.s32 $0x1600, s0;
	[dreg:$0x1d] =	wrdreg s5;
	s2 =	sor.u32 s22, s30;
	v41 =	vld [tilespmem:s29+$0x0];
	v6 =	vand.u32 $0x10, v21;
	v25 =	vand.u32 $0x20, v7;
	v7 =	vshrl.u32 v26, $0x17  }
0x6e: {  	s10 =	sor.u32 s22, s9;
	[dreg:$0x1a] =	wrdreg s28;
	s28 =	sor.u32 $0x2380, s0;
	v42 =	vld [tilespmem:s2+$0x0];
	v17 =	vshrl.u32 v53, $0x10;
	v22 =	vshrl.u32 v56, $0xF;
	v5 =	vor.u32 v19, v5  }
0x6f: {  	[dreg:$0x1b] =	wrdreg s30;
	s30 =	sor.u32 $0x6380, s0;
	s29 =	sor.u32 s22, s28;
	v14 =	vld [tilespmem:s10+$0x0];
	v4 =	vor.u32 v6, v4;
	v6 =	vand.u32 $0x20, v27;
	v37 =	vand.u32 $0x100, v7  }
0x70: {  	[dreg:$0x1e] =	wrdreg s7;
	s26 =	sadd.s32 $0x2600, s0;
	s2 =	sor.u32 s22, s30;
	v61 =	vld [tilespmem:s29+$0x0];
	v7 =	vshrl.u32 v38, $0x14;
	v5 =	vor.u32 v10, v5;
	v4 =	vor.u32 v25, v4  }
0x71: {  	[dreg:$0x1f] =	wrdreg s9;
	s7 =	sadd.s32 $0x2480, s0;
	s21 =	sor.u32 s22, s26;
	v63 =	vld [tilespmem:s2+$0x0];
	v28 =	vshrl.u32 v18, $0x19;
	v8 =	vshrl.u32 v20, $0x19;
	v49 =	vand.u32 $0x800, v7  }
0x72: {  	[smem:$0x7F2] =	sst s11;
	s9 =	sadd.s32 $0x6480, s0;
	s8 =	sor.u32 s22, s7;
	v35 =	vld [tilespmem:s21+$0x0];
	v7 =	vand.u32 $0x8000, v17;
	v20 =	vand.u32 $0x8000, v11;
	v23 =	vshrl.u32 v59, $0xF  }
0x73: {  	s11 =	sadd.s32 $0x2500, s0;
	[smem:$0x7FC] =	sst s9;
	s10 =	sor.u32 s22, s9;
	v21 =	vld [tilespmem:s8+$0x0];
	v9 =	vand.u32 $0x40, v28;
	v5 =	vor.u32 v6, v5;
	v31 =	vand.u32 $0x40, v8  }
0x74: {  	[smem:$0x7FD] =	sst s11;
	s12 =	sor.u32 s22, s11;
	s11 =	sadd.s32 $0x7400, s0;
	v24 =	vld [tilespmem:s10+$0x0];
	v6 =	vand.u32 $0x80, v33;
	v8 =	vshrl.u32 v32, $0x16;
	v51 =	vshrl.u32 v41, $0x14  }
0x75: {  	s5 =	sadd.s32 $0x6400, s0;
	[dreg:$0x1c] =	wrdreg s3;
	s9 =	sor.u32 s22, s11;
	v26 =	vld [tilespmem:s12+$0x0];
	v52 =	vshrl.u32 v42, $0x13;
	v4 =	vor.u32 v9, v4;
	v5 =	vor.u32 v31, v5  }
0x76: {  	s6 =	sor.u32 s22, s5;
	[smem:$0x7F6] =	sst s25;
	s25 =	sadd.s32 $0x6600, s0;
	v56 =	vld [tilespmem:s9+$0x0];
	v9 =	vand.u32 $0x80, v34;
	v43 =	vand.u32 $0x200, v8;
	v8 =	vshrl.u32 v44, $0x13  }
0x77: {  	s3 =	sadd.s32 $0x2400, s0;
	[smem:$0x7F5] =	sst s23;
	s23 =	sor.u32 s22, s25;
	v19 =	vld [tilespmem:s6+$0x0];
	v60 =	vshrl.u32 v14, $0x11;
	v25 =	vshrl.u32 v61, $0xE;
	v29 =	vshrl.u32 v63, $0xE  }
0x78: {  	[smem:$0x7F3] =	sst s15;
	s4 =	sor.u32 s22, s3;
	s12 =	sadd.s32 $0x3400, s0;
	v38 =	vld [tilespmem:s23+$0x0];
	v50 =	vshrl.u32 v35, $0x9;
	v4 =	vor.u32 v6, v4;
	v5 =	vor.u32 v9, v5  }
0x79: {  	[smem:$0x7F8] =	sst s30;
	s30 =	sadd.s32 $0x6500, s0;
	s8 =	sor.u32 s22, s12;
	v18 =	vld [tilespmem:s4+$0x0];
	v6 =	vand.u32 $0x100, v39;
	v9 =	vand.u32 $0x200, v40;
	v55 =	vand.u32 $0x1000, v8  }
0x7a: {  	[smem:$0x7F7] =	sst s28;
	s28 =	sadd.s32 $0x6580, s0;
	s15 =	sor.u32 s22, s30;
	v54 =	vld [tilespmem:s8+$0x0];
	v62 =	vand.u32 $0x4000, v60;
	v8 =	vand.u32 $0x10000, v23;
	v27 =	vand.u32 $0x20000, v25  }
0x7b: {  	[smem:$0x7F4] =	sst s17;
	s17 =	sor.u32 s22, s28;
	s23 =	sadd.s32 $0x6680, s0;
	v28 =	vld [tilespmem:s15+$0x0];
	v36 =	vshrl.u32 v21, $0xC;
	v39 =	vshrl.u32 v26, $0xB;
	v21 =	vshrl.u32 v56, $0x5  }
0x7c: {  	[smem:$0x7F9] =	sst s3;
	s29 =	sadd.s32 $0x2580, s0;
	s3 =	sor.u32 s22, s23;
	v33 =	vld [tilespmem:s17+$0x0];
	v4 =	vor.u32 v37, v4;
	v5 =	vor.u32 v6, v5;
	v6 =	vand.u32 $0x400, v45  }
0x7d: {  	s16 =	sor.u32 s22, s29;
	s9 =	sadd.s32 $0x7480, s0;
	v42 =	vld [tilespmem:s3+$0x0];
	v32 =	vshrl.u32 v19, $0xD;
	v37 =	vshrl.u32 v24, $0xC;
	v41 =	vand.u32 $0x100000, v39  }
0x7e: {  	s24 =	sadd.s32 $0x2680, s0;
	s3 =	sor.u32 s22, s9;
	v31 =	vld [tilespmem:s16+$0x0];
	v4 =	vor.u32 v9, v4;
	v5 =	vor.u32 v43, v5;
	v9 =	vand.u32 $0x400, v46  }
0x7f: {  	s2 =	sor.u32 s22, s24;
	s17 =	sor.u32 $0x7300, s0;
	v61 =	vld [tilespmem:s3+$0x0];
	v30 =	vshrl.u32 v18, $0xD;
	v34 =	vand.u32 $0x40000, v32;
	v17 =	vshrl.u32 v54, $0x5  }
0x80: {  	[smem:$0x7FA] =	sst s5;
	s5 =	sor.u32 s22, s17;
	v40 =	vld [tilespmem:s2+$0x0];
	v4 =	vor.u32 v6, v4;
	v5 =	vor.u32 v9, v5;
	v6 =	vand.u32 $0x800, v51  }
0x81: {  	s21 =	sor.u32 $0x3300, s0;
	v47 =	vld [tilespmem:s5+$0x0];
	v9 =	vand.u32 $0x1000, v52;
	v43 =	vshrl.u32 v28, $0xB;
	v46 =	vshrl.u32 v33, $0xA  }
0x82: {  	s10 =	sadd.s32 $0x3480, s0;
	s4 =	sor.u32 s22, s21;
	v51 =	vshrl.u32 v38, $0x9;
	v19 =	vand.u32 $0x4000000, v17;
	v4 =	vor.u32 v49, v4  }
0x83: {  	s8 =	sadd.s32 $0x3500, s0;
	s2 =	sor.u32 s22, s10;
	v45 =	vld [tilespmem:s4+$0x0];
	v5 =	vor.u32 v6, v5;
	v6 =	vand.u32 $0x2000, v57;
	v44 =	vshrl.u32 v31, $0xA  }
0x84: {  	v59 =	vld [tilespmem:s2+$0x0];
	s4 =	sor.u32 s22, s8;
	v48 =	vand.u32 $0x200000, v46;
	v57 =	vshrl.u32 v42, $0x8;
	v24 =	vshrl.u32 v61, $0x4  }
0x85: {  	s15 =	sor.u32 $0x7380, s0;
	v63 =	vld [tilespmem:s4+$0x0];
	v4 =	vor.u32 v9, v4;
	v5 =	vor.u32 v55, v5;
	v9 =	vand.u32 $0x2000, v58  }
0x86: {  	[smem:$0x7FB] =	sst s7;
	s16 =	sor.u32 $0x3380, s0;
	s7 =	sor.u32 s22, s15;
	v53 =	vshrl.u32 v40, $0x8;
	v60 =	vshrl.u32 v47, $0x7;
	v26 =	vand.u32 $0x8000000, v24  }
0x87: {  	s6 =	sor.u32 s22, s16;
	v52 =	vld [tilespmem:s7+$0x0];
	v4 =	vor.u32 v6, v4;
	v5 =	vor.u32 v9, v5;
	v6 =	vand.u32 $0x4000, v16  }
0x88: {  	s7 =	sadd.s32 $0x7500, s0;
	v49 =	vld [tilespmem:s6+$0x0];
	v9 =	vand.u32 $0x40000, v30;
	v55 =	vand.u32 $0x800000, v53;
	v58 =	vshrl.u32 v45, $0x7  }
0x89: {  	s5 =	sor.u32 s22, s7;
	s6 =	sadd.s32 $0x3580, s0;
	v4 =	vor.u32 v62, v4;
	v5 =	vor.u32 v6, v5;
	v6 =	vand.u32 $0x10000, v22  }
0x8a: {  	s2 =	sor.u32 s22, s6;
	v16 =	vld [tilespmem:s5+$0x0];
	v62 =	vand.u32 $0x1000000, v60;
	v22 =	vshrl.u32 v59, $0x4;
	v28 =	vshrl.u32 v63, $0x3  }
0x8b: {  	s4 =	sadd.s32 $0x3600, s0;
	v18 =	vld [tilespmem:s2+$0x0];
	v4 =	vor.u32 v7, v4;
	v5 =	vor.u32 v20, v5;
	v7 =	vand.u32 $0x80000, v37  }
0x8c: {  	s5 =	sadd.s32 $0x7580, s0;
	s2 =	sor.u32 s22, s4;
	v15 =	vshrl.u32 v52, $0x6;
	v4 =	vor.u32 v6, v4;
	v5 =	vor.u32 v8, v5  }
0x8d: {  	s3 =	sor.u32 s22, s5;
	v23 =	vld [tilespmem:s2+$0x0];
	v6 =	vand.u32 $0x20000, v29;
	v8 =	vand.u32 $0x200000, v44;
	v12 =	vshrl.u32 v49, $0x6  }
0x8e: {  	v20 =	vld [tilespmem:s3+$0x0];
	v4 =	vor.u32 v27, v4;
	v5 =	vor.u32 v6, v5;
	v6 =	vand.u32 $0x80000, v36  }
0x8f: {  	s3 =	sadd.s32 $0x7600, s0;
	v4 =	vor.u32 v9, v4;
	v5 =	vor.u32 v34, v5;
	v9 =	vand.u32 $0x400000, v51  }
0x90: {  	s1 =	sor.u32 s22, s3;
	v29 =	vshrl.u32 v16, $0x3;
	v31 =	vshrl.u32 v18, $0x2;
	v4 =	vor.u32 v6, v4  }
0x91: {  	s2 =	sadd.s32 $0x3680, s0;
	v25 =	vld [tilespmem:s1+$0x0];
	v5 =	vor.u32 v7, v5;
	v6 =	vand.u32 $0x100000, v43;
	v7 =	vand.u32 $0x1000000, v58  }
0x92: {  	s1 =	sor.u32 s22, s2;
	v32 =	vand.u32 $0x20000000, v31;
	v34 =	vshrl.u32 v23, $0x1;
	v4 =	vor.u32 v41, v4  }
0x93: {  	v27 =	vld [tilespmem:s1+$0x0];
	v5 =	vor.u32 v6, v5;
	v6 =	vand.u32 $0x400000, v50;
	v33 =	vshrl.u32 v20, $0x2  }
0x94: {  	v4 =	vor.u32 v8, v4;
	v5 =	vor.u32 v48, v5;
	v8 =	vand.u32 $0x2000000, v15  }
0x95: {  	v4 =	vor.u32 v6, v4;
	v5 =	vor.u32 v9, v5;
	v6 =	vand.u32 $0x800000, v57  }
0x96: {  	v9 =	vand.u32 $0x8000000, v22;
	v36 =	vshrl.u32 v25, $0x1;
	v4 =	vor.u32 v55, v4  }
0x97: {  	s0 =	sadd.s32 $0x7680, s0;
	v5 =	vor.u32 v6, v5;
	v6 =	vand.u32 $0x2000000, v12;
	v38 =	vand.u32 $0x40000000, v36  }
0x98: {  	s1 =	sor.u32 s22, s0;
	v39 =	vand.u32 $0x80000000, v27;
	v4 =	vor.u32 v7, v4;
	v5 =	vor.u32 v62, v5  }
0x99: {  	v30 =	vld [tilespmem:s1+$0x0];
	v4 =	vor.u32 v6, v4;
	v5 =	vor.u32 v8, v5;
	v6 =	vand.u32 $0x4000000, v21  }
0x9a: {  	v7 =	vand.u32 $0x10000000, v29;
	v4 =	vor.u32 v19, v4;
	v5 =	vor.u32 v6, v5  }
0x9b: {  	v35 =	vld.idx.msk [tilespmem:v1+s13+$0x0], $0xffff;
	v6 =	vand.u32 $0x10000000, v28;
	v4 =	vor.u32 v9, v4;
	v5 =	vor.u32 v26, v5  }
0x9c: {  	v37 =	vld.idx.msk [tilespmem:v1+s14+$0x0], $0xffff;
	v4 =	vor.u32 v6, v4;
	v5 =	vor.u32 v7, v5;
	v6 =	vand.u32 $0x20000000, v33  }
0x9d: {  	v7 =	vand.u32 $0x40000000, v34;
	v4 =	vor.u32 v32, v4;
	v5 =	vor.u32 v6, v5  }
0x9e: {  	v40 =	vand.u32 $0x80000000, v30;
	v4 =	vor.u32 v7, v4;
	v5 =	vor.u32 v38, v5  }
0x9f: {  	v4 =	vor.u32 v39, v4;
	v5 =	vor.u32 v40, v5  }
0xa0: {  	v4 =	vxor.u32 $0x80000000, v4;
	v5 =	vxor.u32 $0x80000000, v5  }
0xa1: {  	vm0 =	veq.s32 v37, v5;
	vm1 =	vlt.s32 v35, v4  }
0xa2: {  	vm2 =	vlt.s32 v37, v5;
	vm0 =	vmand vm1, vm0  }
0xa3: {  	vm0 =	vmor vm2, vm0  }
0xa4: {  	v41 =	vsel vm0, $0x40, v2  }
0xa5: {  	v42 =	vor.u32 $0x1F, v41;
	_ =	sdelay $0x4  }
0xa6: {  	v43 =	vld.idx.msk [tilespmem:v42+s13+$0x0], $0xffff  }
0xa7: {  	v7 =	vld.idx.msk [tilespmem:v42+s14+$0x0], $0xffff;
	_ =	sdelay $0x4  }
0xa8: {  	vm9 =	veq.s32 v7, v5;
	vm10 =	vlt.s32 v43, v4  }
0xa9: {  	vm11 =	vlt.s32 v7, v5;
	vm0 =	vmand vm10, vm9  }
0xaa: {  	v44 =	vor.u32 $0x20, v41;
	vm0 =	vmor vm11, vm0  }
0xab: {  	v6 =	vsel vm0, v44, v41  }
0xac: {  	v7 =	vor.u32 $0xF, v6;
	_ =	sdelay $0x4  }
0xad: {  	v45 =	vld.idx.msk [tilespmem:v7+s13+$0x0], $0xffff  }
0xae: {  	v7 =	vld.idx.msk [tilespmem:v7+s14+$0x0], $0xffff;
	_ =	sdelay $0x4  }
0xaf: {  	vm12 =	veq.s32 v7, v5;
	vm13 =	vlt.s32 v45, v4  }
0xb0: {  	vm14 =	vlt.s32 v7, v5;
	vm0 =	vmand vm13, vm12  }
0xb1: {  	v46 =	vor.u32 $0x10, v6;
	vm0 =	vmor vm14, vm0  }
0xb2: {  	v6 =	vsel vm0, v46, v6  }
0xb3: {  	v7 =	vor.u32 $0x7, v6;
	_ =	sdelay $0x4  }
0xb4: {  	v47 =	vld.idx.msk [tilespmem:v7+s13+$0x0], $0xffff  }
0xb5: {  	v7 =	vld.idx.msk [tilespmem:v7+s14+$0x0], $0xffff;
	_ =	sdelay $0x4  }
0xb6: {  	vm15 =	veq.s32 v7, v5;
	vm4 =	vlt.s32 v47, v4  }
0xb7: {  	vm5 =	vlt.s32 v7, v5;
	vm0 =	vmand vm4, vm15  }
0xb8: {  	v48 =	vor.u32 $0x8, v6;
	vm0 =	vmor vm5, vm0  }
0xb9: {  	v6 =	vsel vm0, v48, v6  }
0xba: {  	v7 =	vadd.s32 $0x3, v6;
	_ =	sdelay $0x4  }
0xbb: {  	v49 =	vld.idx.msk [tilespmem:v7+s13+$0x0], $0xffff  }
0xbc: {  	v7 =	vld.idx.msk [tilespmem:v7+s14+$0x0], $0xffff;
	_ =	sdelay $0x4  }
0xbd: {  	vm6 =	veq.s32 v7, v5;
	vm7 =	vlt.s32 v49, v4  }
0xbe: {  	vm8 =	vlt.s32 v7, v5;
	vm0 =	vmand vm7, vm6  }
0xbf: {  	v50 =	vadd.s32 $0x4, v6;
	vm0 =	vmor vm8, vm0  }
0xc0: {  	v6 =	vsel vm0, v50, v6  }
0xc1: {  	v7 =	vadd.s32 $0x1, v6;
	_ =	sdelay $0x4  }
0xc2: {  	v51 =	vld.idx.msk [tilespmem:v7+s13+$0x0], $0xffff  }
0xc3: {  	v7 =	vld.idx.msk [tilespmem:v7+s14+$0x0], $0xffff;
	_ =	sdelay $0x4  }
0xc4: {  	vm9 =	veq.s32 v7, v5;
	vm10 =	vlt.s32 v51, v4  }
0xc5: {  	vm11 =	vlt.s32 v7, v5;
	vm0 =	vmand vm10, vm9  }
0xc6: {  	v52 =	vadd.s32 $0x2, v6;
	vm0 =	vmor vm11, vm0  }
0xc7: {  	v6 =	vsel vm0, v52, v6;
	_ =	sdelay $0x4  }
0xc8: {  	v7 =	vld.idx.msk [tilespmem:v6+s13+$0x0], $0xffff  }
0xc9: {  	v53 =	vld.idx.msk [tilespmem:v6+s14+$0x0], $0xffff;
	_ =	sdelay $0x4  }
0xca: {  	vm12 =	veq.s32 v53, v5;
	vm13 =	vlt.s32 v7, v4  }
0xcb: {  	vm14 =	vlt.s32 v53, v5;
	vm0 =	vmand vm13, vm12  }
0xcc: {  	vm0 =	vmor vm14, vm0  }
0xcd: {  	v54 =	vsel vm0, $0x1, v2  }
0xce: {  	v6 =	vadd.s32 v54, v6;
	_ =	sdelay $0x4  }
0xcf: {  	v7 =	vld.idx.msk [tilespmem:v6+s13+$0x0], $0xffff  }
0xd0: {  	v55 =	vld.idx.msk [tilespmem:v6+s14+$0x0], $0xffff;
	_ =	sdelay $0x4  }
0xd1: {  	vm15 =	veq.s32 v7, v4;
	vm4 =	veq.s32 v55, v5  }
0xd2: {  	vm0 =	vmand vm15, vm4;
	_ =	sdelay $0x4  }
0xd3: {  	s22 =	sor.u32 $0x10, s22;
	s1 =	rddreg [dreg:$0xa]  }
0xd4: {  	s1 =	sor.u32 s22, s1;
	[tilespmem:v6+s31+$0x0] =	vst.idx.add.f32.msk vm0, v3;
	s31 =	rddreg [dreg:$0xb]  }
0xd5: {  	v4 =	vld [tilespmem:s1+$0x0];
	s1 =	rddreg [dreg:$0xd];
	s31 =	sor.u32 s22, s31  }
0xd6: {  	s1 =	sor.u32 s22, s1;
	v58 =	vld [tilespmem:s31+$0x0];
	s31 =	rddreg [dreg:$0xc]  }
0xd7: {  	v5 =	vld [tilespmem:s1+$0x0];
	s1 =	rddreg [dreg:$0x9];
	s31 =	sor.u32 s22, s31  }
0xd8: {  	s1 =	sor.u32 s22, s1;
	v60 =	vld [tilespmem:s31+$0x0]  }
0xd9: {  	v6 =	vld [tilespmem:s1+$0x0]  }
0xda: {  	v56 =	vld [tilespmem:s1+$0x80]  }
0xdb: {  	v57 =	vld [tilespmem:s1+$0x100]  }
0xdc: {  	v59 =	vld [tilespmem:s1+$0x180]  }
0xdd: {  	s31 =	rddreg [dreg:$0x10];
	v62 =	vld [tilespmem:s1+$0x200]  }
0xde: {  	s31 =	sor.u32 s22, s31;
	v63 =	vld [tilespmem:s1+$0x280];
	s1 =	rddreg [dreg:$0xe]  }
0xdf: {  	v61 =	vld [tilespmem:s31+$0x0];
	s31 =	rddreg [dreg:$0x13]  }
0xe0: {  	s1 =	sor.u32 s22, s1;
	s31 =	sadd.s32 $0x10, s31  }
0xe1: {  	v16 =	vld [tilespmem:s1+$0x0];
	s1 =	sor.u32 $0x300, s31  }
0xe2: {  	v19 =	vld [tilespmem:s1+$0x300];
	s1 =	rddreg [dreg:$0xf]  }
0xe3: {  	s1 =	sor.u32 s22, s1  }
0xe4: {  	v21 =	vld [tilespmem:s1+$0x0];
	s1 =	sor.u32 $0x380, s31  }
0xe5: {  	v23 =	vld [tilespmem:s1+$0x300];
	s1 =	rddreg [dreg:$0x11]  }
0xe6: {  	s1 =	sor.u32 s22, s1  }
0xe7: {  	v26 =	vld [tilespmem:s1+$0x0];
	s1 =	rddreg [dreg:$0x12]  }
0xe8: {  	s1 =	sor.u32 s22, s1  }
0xe9: {  	v28 =	vld [tilespmem:s1+$0x0];
	s1 =	rddreg [dreg:$0x14]  }
0xea: {  	s1 =	sor.u32 s22, s1  }
0xeb: {  	v30 =	vld [tilespmem:s1+$0x0];
	s1 =	rddreg [dreg:$0x15]  }
0xec: {  	s1 =	sor.u32 s22, s1  }
0xed: {  	v33 =	vld [tilespmem:s1+$0x0];
	s1 =	rddreg [dreg:$0x16]  }
0xee: {  	s1 =	sor.u32 s22, s1  }
0xef: {  	v34 =	vld [tilespmem:s1+$0x0];
	s1 =	rddreg [dreg:$0x17]  }
0xf0: {  	s1 =	sor.u32 s22, s1  }
0xf1: {  	v36 =	vld [tilespmem:s1+$0x0];
	s1 =	rddreg [dreg:$0x18]  }
0xf2: {  	s1 =	sor.u32 s22, s1  }
0xf3: {  	v39 =	vld [tilespmem:s1+$0x0];
	s1 =	rddreg [dreg:$0x19]  }
0xf4: {  	s1 =	sor.u32 s22, s1  }
0xf5: {  	v41 =	vld [tilespmem:s1+$0x0];
	s1 =	rddreg [dreg:$0x1a]  }
0xf6: {  	s1 =	sor.u32 s22, s1  }
0xf7: {  	v43 =	vld [tilespmem:s1+$0x0];
	s1 =	rddreg [dreg:$0x1b]  }
0xf8: {  	s1 =	sor.u32 s22, s1  }
0xf9: {  	v45 =	vld [tilespmem:s1+$0x0];
	s1 =	rddreg [dreg:$0x1c]  }
0xfa: {  	s1 =	sor.u32 s22, s1  }
0xfb: {  	v47 =	vld [tilespmem:s1+$0x0];
	s1 =	rddreg [dreg:$0x1d]  }
0xfc: {  	s1 =	sor.u32 s22, s1  }
0xfd: {  	v49 =	vld [tilespmem:s1+$0x0];
	s1 =	rddreg [dreg:$0x1e]  }
0xfe: {  	s1 =	sor.u32 s22, s1  }
0xff: {  	v52 =	vld [tilespmem:s1+$0x0];
	s1 =	rddreg [dreg:$0x1f]  }
0x100: {  	s1 =	sor.u32 s22, s1  }
0x101: {  	v54 =	vld [tilespmem:s1+$0x0];
	s1 =	sld [smem:$0x7F2];
	_ =	sdelay $0x2  }
0x102: {  	s1 =	sor.u32 s22, s1  }
0x103: {  	v7 =	vshrl.u32 v56, $0x1E;
	v56 =	vld [tilespmem:s1+$0x0];
	s1 =	sld [smem:$0x7F3];
	_ =	sdelay $0x1  }
0x104: {  	v4 =	vshrl.u32 v4, $0x1F;
	v17 =	vshrl.u32 v58, $0x1D;
	v5 =	vshrl.u32 v5, $0x1E  }
0x105: {  	v5 =	vand.u32 $0x2, v5;
	v20 =	vshrl.u32 v60, $0x1C;
	v6 =	vshrl.u32 v6, $0x1F;
	s1 =	sor.u32 s22, s1  }
0x106: {  	v8 =	vshrl.u32 v57, $0x1D;
	v4 =	vor.u32 v4, v5;
	v18 =	vshrl.u32 v59, $0x1C;
	v59 =	vld [tilespmem:s1+$0x0];
	s1 =	sld [smem:$0x7F4]  }
0x107: {  	v22 =	vand.u32 $0x8, v20;
	v24 =	vshrl.u32 v62, $0x1B;
	v27 =	vshrl.u32 v63, $0x1A  }
0x108: {  	v7 =	vand.u32 $0x2, v7;
	v5 =	vand.u32 $0x4, v8;
	v8 =	vand.u32 $0x8, v18  }
0x109: {  	v25 =	vshrl.u32 v61, $0x1B;
	v29 =	vand.u32 $0x20, v27;
	v6 =	vor.u32 v6, v7;
	s1 =	sor.u32 s22, s1  }
0x10a: {  	v10 =	vand.u32 $0x10, v25;
	v5 =	vor.u32 v5, v6;
	v6 =	vand.u32 $0x4, v17;
	v61 =	vld [tilespmem:s1+$0x0];
	s1 =	sld [smem:$0x7F5]  }
0x10b: {  	v31 =	vshrl.u32 v16, $0x1A;
	v4 =	vor.u32 v6, v4;
	v5 =	vor.u32 v8, v5  }
0x10c: {  	v6 =	vand.u32 $0x10, v24;
	v32 =	vshrl.u32 v19, $0x19;
	v4 =	vor.u32 v22, v4  }
0x10d: {  	v5 =	vor.u32 v6, v5;
	v6 =	vand.u32 $0x20, v31;
	v7 =	vand.u32 $0x40, v32;
	s1 =	sor.u32 s22, s1  }
0x10e: {  	v4 =	vor.u32 v10, v4;
	v5 =	vor.u32 v29, v5;
	v11 =	vshrl.u32 v21, $0x19;
	v63 =	vld [tilespmem:s1+$0x0];
	s1 =	sld [smem:$0x7F6]  }
0x10f: {  	v4 =	vor.u32 v6, v4;
	v35 =	vand.u32 $0x40, v11;
	v37 =	vshrl.u32 v23, $0x18  }
0x110: {  	s30 =	sor.u32 s22, s30;
	v5 =	vor.u32 v7, v5;
	v4 =	vor.u32 v35, v4;
	v6 =	vand.u32 $0x80, v37  }
0x111: {  	v35 =	vld [tilespmem:s30+$0x0];
	v38 =	vshrl.u32 v26, $0x18;
	v5 =	vor.u32 v6, v5;
	v40 =	vshrl.u32 v28, $0x17;
	s1 =	sor.u32 s22, s1  }
0x112: {  	s30 =	sor.u32 s22, s29;
	v8 =	vand.u32 $0x80, v38;
	v42 =	vand.u32 $0x100, v40;
	v44 =	vshrl.u32 v30, $0x17;
	v17 =	vld [tilespmem:s1+$0x0];
	s1 =	sld [smem:$0x7F7]  }
0x113: {  	v38 =	vld [tilespmem:s30+$0x0];
	v4 =	vor.u32 v8, v4;
	v5 =	vor.u32 v42, v5;
	v6 =	vand.u32 $0x100, v44  }
0x114: {  	s28 =	sor.u32 s22, s28;
	v9 =	vshrl.u32 v33, $0x16;
	v4 =	vor.u32 v6, v4;
	v46 =	vshrl.u32 v34, $0x16  }
0x115: {  	v40 =	vld [tilespmem:s28+$0x0];
	v9 =	vand.u32 $0x200, v9;
	v48 =	vand.u32 $0x200, v46;
	v50 =	vshrl.u32 v36, $0x15;
	s1 =	sor.u32 s22, s1  }
0x116: {  	s29 =	sor.u32 s22, s26;
	v5 =	vor.u32 v9, v5;
	v4 =	vor.u32 v48, v4;
	v6 =	vand.u32 $0x400, v50;
	v19 =	vld [tilespmem:s1+$0x0];
	s1 =	sld [smem:$0x7F8]  }
0x117: {  	s30 =	sor.u32 s22, s25;
	v42 =	vld [tilespmem:s29+$0x0];
	v50 =	vshrl.u32 v35, $0xB;
	v51 =	vshrl.u32 v39, $0x15;
	v5 =	vor.u32 v6, v5  }
0x118: {  	s24 =	sor.u32 s22, s24;
	v7 =	vand.u32 $0x400, v51;
	v51 =	vshrl.u32 v38, $0xA;
	v58 =	vshrl.u32 v45, $0x13;
	v45 =	vld [tilespmem:s30+$0x0]  }
0x119: {  	v53 =	vshrl.u32 v41, $0x14;
	v4 =	vor.u32 v7, v4;
	v60 =	vshrl.u32 v47, $0x13;
	v47 =	vld [tilespmem:s24+$0x0];
	s1 =	sor.u32 s22, s1  }
0x11a: {  	s25 =	sor.u32 s22, s23;
	v55 =	vand.u32 $0x800, v53;
	v53 =	vshrl.u32 v40, $0xA;
	v57 =	vshrl.u32 v43, $0x14;
	v21 =	vld [tilespmem:s1+$0x0];
	s1 =	sld [smem:$0x7F9]  }
0x11b: {  	s26 =	sor.u32 s22, s21;
	v5 =	vor.u32 v55, v5;
	v6 =	vand.u32 $0x800, v57;
	v15 =	vshrl.u32 v49, $0x12;
	v49 =	vld [tilespmem:s25+$0x0]  }
0x11c: {  	s28 =	sor.u32 s22, s17;
	v55 =	vand.u32 $0x200000, v53;
	v4 =	vor.u32 v6, v4;
	v16 =	vshrl.u32 v52, $0x12;
	v52 =	vld [tilespmem:s26+$0x0]  }
0x11d: {  	v8 =	vand.u32 $0x1000, v58;
	v62 =	vand.u32 $0x1000, v60;
	v18 =	vshrl.u32 v54, $0x11;
	v54 =	vld [tilespmem:s28+$0x0];
	s1 =	sor.u32 s22, s1  }
0x11e: {  	s29 =	sor.u32 s22, s16;
	v57 =	vshrl.u32 v42, $0x9;
	v5 =	vor.u32 v8, v5;
	v4 =	vor.u32 v62, v4;
	v24 =	vld [tilespmem:s1+$0x0];
	s1 =	sld [smem:$0x7FA]  }
0x11f: {  	s30 =	sor.u32 s22, s15;
	v6 =	vand.u32 $0x2000, v15;
	v58 =	vshrl.u32 v45, $0x9;
	v22 =	vshrl.u32 v56, $0x11;
	v56 =	vld [tilespmem:s29+$0x0]  }
0x120: {  	v5 =	vor.u32 v6, v5;
	v9 =	vand.u32 $0x2000, v16;
	v23 =	vshrl.u32 v59, $0x10;
	v59 =	vld [tilespmem:s30+$0x0];
	s30 =	sor.u32 s22, s2  }
0x121: {  	v60 =	vshrl.u32 v47, $0x8;
	v4 =	vor.u32 v9, v4;
	v20 =	vand.u32 $0x4000, v18;
	v35 =	vld [tilespmem:s30+$0x0];
	s1 =	sor.u32 s22, s1  }
0x122: {  	s15 =	sor.u32 s22, s12;
	v62 =	vand.u32 $0x800000, v60;
	v15 =	vshrl.u32 v49, $0x8;
	v5 =	vor.u32 v20, v5;
	v26 =	vld [tilespmem:s1+$0x0];
	s1 =	sld [smem:$0x7FB]  }
0x123: {  	v6 =	vand.u32 $0x4000, v22;
	v18 =	vshrl.u32 v54, $0x7;
	v25 =	vshrl.u32 v61, $0x10;
	v61 =	vld [tilespmem:s15+$0x0]  }
0x124: {  	s16 =	sor.u32 s22, s11;
	v16 =	vshrl.u32 v52, $0x7;
	v4 =	vor.u32 v6, v4;
	v20 =	vand.u32 $0x1000000, v18  }
0x125: {  	v7 =	vand.u32 $0x8000, v23;
	v22 =	vshrl.u32 v56, $0x6;
	v29 =	vshrl.u32 v63, $0xF;
	v63 =	vld [tilespmem:s16+$0x0];
	s1 =	sor.u32 s22, s1  }
0x126: {  	s17 =	sor.u32 s22, s10;
	v5 =	vor.u32 v7, v5;
	v27 =	vand.u32 $0x8000, v25;
	v23 =	vshrl.u32 v59, $0x6;
	v28 =	vld [tilespmem:s1+$0x0];
	s1 =	sld [smem:$0x7FC]  }
0x127: {  	s21 =	sor.u32 s22, s9;
	v4 =	vor.u32 v27, v4;
	v47 =	vand.u32 $0x80000000, v35;
	v30 =	vshrl.u32 v17, $0xF;
	v17 =	vld [tilespmem:s17+$0x0]  }
0x128: {  	s23 =	sor.u32 s22, s8;
	v6 =	vand.u32 $0x10000, v29;
	v25 =	vshrl.u32 v61, $0x5;
	v32 =	vshrl.u32 v19, $0xE;
	v19 =	vld [tilespmem:s21+$0x0]  }
0x129: {  	v5 =	vor.u32 v6, v5;
	v8 =	vand.u32 $0x10000, v30;
	v36 =	vshrl.u32 v21, $0xE;
	v21 =	vld [tilespmem:s23+$0x0];
	s1 =	sor.u32 s22, s1  }
0x12a: {  	s24 =	sor.u32 s22, s7;
	v27 =	vand.u32 $0x4000000, v25;
	v29 =	vshrl.u32 v63, $0x5;
	v4 =	vor.u32 v8, v4;
	v31 =	vld [tilespmem:s1+$0x0];
	s1 =	sld [smem:$0x7FD]  }
0x12b: {  	s25 =	sor.u32 s22, s6;
	v8 =	vand.u32 $0x200000, v51;
	v34 =	vand.u32 $0x20000, v32;
	v37 =	vshrl.u32 v24, $0xD;
	v24 =	vld [tilespmem:s24+$0x0]  }
0x12c: {  	v30 =	vshrl.u32 v17, $0x4;
	v6 =	vand.u32 $0x20000, v36;
	v39 =	vshrl.u32 v26, $0xD;
	v26 =	vld [tilespmem:s25+$0x0]  }
0x12d: {  	v5 =	vor.u32 v34, v5;
	v32 =	vshrl.u32 v19, $0x4;
	v4 =	vor.u32 v6, v4;
	s1 =	sor.u32 s22, s1  }
0x12e: {  	s26 =	sor.u32 s22, s5;
	v34 =	vand.u32 $0x8000000, v32;
	v9 =	vand.u32 $0x40000, v37;
	v36 =	vshrl.u32 v21, $0x3;
	v33 =	vld [tilespmem:s1+$0x0]  }
0x12f: {  	v5 =	vor.u32 v9, v5;
	v41 =	vand.u32 $0x40000, v39;
	v43 =	vshrl.u32 v28, $0xC;
	v28 =	vld [tilespmem:s26+$0x0]  }
0x130: {  	v9 =	vand.u32 $0x400000, v58;
	v37 =	vshrl.u32 v24, $0x3;
	v4 =	vor.u32 v41, v4  }
0x131: {  	s28 =	sor.u32 s22, s4;
	v6 =	vand.u32 $0x80000, v43;
	v39 =	vshrl.u32 v26, $0x2;
	v44 =	vshrl.u32 v31, $0xC  }
0x132: {  	v5 =	vor.u32 v6, v5;
	v6 =	vand.u32 $0x100000, v50;
	v31 =	vld [tilespmem:s28+$0x0];
	v7 =	vand.u32 $0x80000, v44  }
0x133: {  	s29 =	sor.u32 s22, s3;
	v40 =	vand.u32 $0x20000000, v39;
	v4 =	vor.u32 v7, v4;
	v46 =	vshrl.u32 v33, $0xB  }
0x134: {  	v41 =	vshrl.u32 v28, $0x2;
	v4 =	vor.u32 v6, v4;
	v33 =	vld [tilespmem:s29+$0x0];
	v48 =	vand.u32 $0x100000, v46  }
0x135: {  	v7 =	vand.u32 $0x1000000, v16;
	v4 =	vor.u32 v55, v4;
	v5 =	vor.u32 v48, v5  }
0x136: {  	v6 =	vand.u32 $0x400000, v57;
	v4 =	vor.u32 v9, v4;
	v5 =	vor.u32 v8, v5  }
0x137: {  	v9 =	vand.u32 $0x8000000, v30;
	v42 =	vshrl.u32 v31, $0x1;
	v5 =	vor.u32 v6, v5  }
0x138: {  	v8 =	vand.u32 $0x2000000, v23;
	v6 =	vand.u32 $0x800000, v15;
	v5 =	vor.u32 v62, v5  }
0x139: {  	v4 =	vor.u32 v6, v4;
	v6 =	vand.u32 $0x2000000, v22;
	v44 =	vshrl.u32 v33, $0x1  }
0x13a: {  	s0 =	sor.u32 s22, s0;
	v5 =	vor.u32 v7, v5;
	v4 =	vor.u32 v20, v4;
	v7 =	vand.u32 $0x10000000, v37  }
0x13b: {  	v38 =	vld [tilespmem:s0+$0x0];
	v5 =	vor.u32 v6, v5;
	v4 =	vor.u32 v8, v4;
	v6 =	vand.u32 $0x4000000, v29  }
0x13c: {  	v46 =	vand.u32 $0x40000000, v44;
	v5 =	vor.u32 v27, v5;
	v4 =	vor.u32 v6, v4  }
0x13d: {  	v45 =	vld.idx.msk [tilespmem:v1+s14+$0x0], $0xffff;
	v6 =	vand.u32 $0x10000000, v36;
	v5 =	vor.u32 v9, v5;
	v4 =	vor.u32 v34, v4  }
0x13e: {  	v43 =	vld.idx.msk [tilespmem:v1+s13+$0x0], $0xffff;
	v5 =	vor.u32 v6, v5;
	v4 =	vor.u32 v7, v4;
	v6 =	vand.u32 $0x20000000, v41  }
0x13f: {  	v7 =	vand.u32 $0x40000000, v42;
	v5 =	vor.u32 v40, v5;
	v4 =	vor.u32 v6, v4  }
0x140: {  	v48 =	vand.u32 $0x80000000, v38;
	v5 =	vor.u32 v7, v5;
	v4 =	vor.u32 v46, v4  }
0x141: {  	v5 =	vor.u32 v47, v5;
	v4 =	vor.u32 v48, v4  }
0x142: {  	v5 =	vxor.u32 $0x80000000, v5;
	v4 =	vxor.u32 $0x80000000, v4  }
0x143: {  	vm5 =	veq.s32 v45, v4;
	vm6 =	vlt.s32 v43, v5  }
0x144: {  	vm7 =	vlt.s32 v45, v4;
	vm0 =	vmand vm6, vm5  }
0x145: {  	vm0 =	vmor vm7, vm0  }
0x146: {  	v49 =	vsel vm0, $0x40, v2  }
0x147: {  	v50 =	vor.u32 $0x1F, v49;
	_ =	sdelay $0x4  }
0x148: {  	v51 =	vld.idx.msk [tilespmem:v50+s13+$0x0], $0xffff  }
0x149: {  	v7 =	vld.idx.msk [tilespmem:v50+s14+$0x0], $0xffff;
	_ =	sdelay $0x4  }
0x14a: {  	vm8 =	veq.s32 v7, v4;
	vm9 =	vlt.s32 v51, v5  }
0x14b: {  	vm10 =	vlt.s32 v7, v4;
	vm0 =	vmand vm9, vm8  }
0x14c: {  	v52 =	vor.u32 $0x20, v49;
	vm0 =	vmor vm10, vm0  }
0x14d: {  	v6 =	vsel vm0, v52, v49  }
0x14e: {  	v7 =	vor.u32 $0xF, v6;
	_ =	sdelay $0x4  }
0x14f: {  	v53 =	vld.idx.msk [tilespmem:v7+s13+$0x0], $0xffff  }
0x150: {  	v7 =	vld.idx.msk [tilespmem:v7+s14+$0x0], $0xffff;
	_ =	sdelay $0x4  }
0x151: {  	vm11 =	veq.s32 v7, v4;
	vm12 =	vlt.s32 v53, v5  }
0x152: {  	vm13 =	vlt.s32 v7, v4;
	vm0 =	vmand vm12, vm11  }
0x153: {  	v54 =	vor.u32 $0x10, v6;
	vm0 =	vmor vm13, vm0  }
0x154: {  	v6 =	vsel vm0, v54, v6  }
0x155: {  	v7 =	vor.u32 $0x7, v6;
	_ =	sdelay $0x4  }
0x156: {  	v55 =	vld.idx.msk [tilespmem:v7+s13+$0x0], $0xffff  }
0x157: {  	v7 =	vld.idx.msk [tilespmem:v7+s14+$0x0], $0xffff;
	_ =	sdelay $0x4  }
0x158: {  	vm14 =	veq.s32 v7, v4;
	vm15 =	vlt.s32 v55, v5  }
0x159: {  	vm4 =	vlt.s32 v7, v4;
	vm0 =	vmand vm15, vm14  }
0x15a: {  	v56 =	vor.u32 $0x8, v6;
	vm0 =	vmor vm4, vm0  }
0x15b: {  	v6 =	vsel vm0, v56, v6  }
0x15c: {  	v7 =	vadd.s32 $0x3, v6;
	_ =	sdelay $0x4  }
0x15d: {  	v57 =	vld.idx.msk [tilespmem:v7+s13+$0x0], $0xffff  }
0x15e: {  	v7 =	vld.idx.msk [tilespmem:v7+s14+$0x0], $0xffff;
	_ =	sdelay $0x4  }
0x15f: {  	vm5 =	veq.s32 v7, v4;
	vm6 =	vlt.s32 v57, v5  }
0x160: {  	vm7 =	vlt.s32 v7, v4;
	vm0 =	vmand vm6, vm5  }
0x161: {  	v58 =	vadd.s32 $0x4, v6;
	vm0 =	vmor vm7, vm0  }
0x162: {  	v6 =	vsel vm0, v58, v6  }
0x163: {  	v7 =	vadd.s32 $0x1, v6;
	_ =	sdelay $0x4  }
0x164: {  	v59 =	vld.idx.msk [tilespmem:v7+s13+$0x0], $0xffff  }
0x165: {  	v7 =	vld.idx.msk [tilespmem:v7+s14+$0x0], $0xffff;
	_ =	sdelay $0x4  }
0x166: {  	vm8 =	veq.s32 v7, v4;
	vm9 =	vlt.s32 v59, v5  }
0x167: {  	vm10 =	vlt.s32 v7, v4;
	vm0 =	vmand vm9, vm8  }
0x168: {  	v60 =	vadd.s32 $0x2, v6;
	vm0 =	vmor vm10, vm0  }
0x169: {  	v6 =	vsel vm0, v60, v6;
	_ =	sdelay $0x4  }
0x16a: {  	v7 =	vld.idx.msk [tilespmem:v6+s13+$0x0], $0xffff  }
0x16b: {  	v61 =	vld.idx.msk [tilespmem:v6+s14+$0x0], $0xffff;
	_ =	sdelay $0x4  }
0x16c: {  	vm11 =	veq.s32 v61, v4;
	vm12 =	vlt.s32 v7, v5  }
0x16d: {  	vm13 =	vlt.s32 v61, v4;
	vm0 =	vmand vm12, vm11  }
0x16e: {  	vm0 =	vmor vm13, vm0  }
0x16f: {  	v62 =	vsel vm0, $0x1, v2  }
0x170: {  	v6 =	vadd.s32 v62, v6;
	_ =	sdelay $0x4  }
0x171: {  	v7 =	vld.idx.msk [tilespmem:v6+s13+$0x0], $0xffff  }
0x172: {  	v63 =	vld.idx.msk [tilespmem:v6+s14+$0x0], $0xffff;
	_ =	sdelay $0x4  }
0x173: {  	vm14 =	veq.s32 v7, v5;
	vm15 =	veq.s32 v63, v4  }
0x174: {  	vm0 =	vmand vm14, vm15  }
0x175: {  	p0 =	sne.s32 s20, $0x1E0  }
.Ltmp0:
0x176: {  	_ = 	snop;
	(pc) =	sbr.rel @p0 .LBB2_2-.Ltmp0, $3  }
0x177: {  	_ =	sdelay $0x1  }
0x178: {  	s31 =	simm.s32 $0x280  }
0x179: {  	s18 =	sadd.s32 $0x1, s18;
	s20 =	sadd.s32 $0x20, s20;
	s19 =	sadd.s32 $0x100, s19;
	[tilespmem:v6+s31+$0x0] =	vst.idx.add.f32.msk vm0, v3  }
0x17a: {  	s6 =	simm.s32 $0x0;
	s0 =	rddreg [dreg:$0x6];
	s1 =	simm.s32 $0x3  }
0x17b: {  	[hbm4b:s0+s6] =	stream.linear.scatter [tilespmem:s31], [sflag:$0x3], $0x80, $0x38;
	[tilespmem:$0x10300] =	vst v63  }
0x17c: {  	_ =	swait.ge [sflag:s1], $0x80  }
0x17d: {  	s2 =	rddreg [dreg:$0x8]  }
0x17e: {  	s30 =	rddreg [dreg:$0x7];
	s2 =	sadd.s32 $0x1, s2  }
0x17f: {  	p0 =	sne.s32 s2, s30  }
.Ltmp1:
0x180: {  	_ = 	snop;
	(pc) =	sbr.rel @p0 .LBB2_1-.Ltmp1, $3  }
0x181: {  	_ =	sdelay $0x1  }
0x182: {  	[sflag:s1] =	ssyncset.done $0x0  }
0x183: {  	[sflag:s1] =	ssyncadd.s32 $0xFFFFFF80  }
0x184: {  	_ =	sfence.sel $0x180000  }
0x185: {  	[bflag:$0x0] =	sbarrier.arrive $0xFFFF  }
0x186: {  	_ =	strace $0x90000047  }
0x187: {  	s0 =	stileid.u32;
	[bflag:$0x2] =	sbarrier.arrive $0xFFFF  }
0x188: {  	p0 =	sne.s32 s0, $0x0;
	s0 =	rddreg [dreg:$0x3]  }
0x189: {  	s0 =	sadd.s32 @!p0 $0x100000, s0  }
0x18a: {  	[sflag:s0] =	ssyncadd.tile.s32 @!p0 $0x1;
	_ =	shalt  }
.Lfunc_end2:
_tile_overlayer_lowered:
.L_overlay_start_2:
0x18b: {  	(tag) =	ssettag $0x2  }
0x18c: {  	s0 =	rddreg [dreg:$0x0];
	s2 =	stileid.u32  }
0x18d: {  	s1 =	rddreg [dreg:$0x1];
	p0 =	sne.s32 s2, $0x0  }
0x18e: {  	s3 =	rddreg [dreg:$0x2];
	[bflag:$0x3] =	sbarrier.arrive $0xFFFF;
	s2 =	simm.s32 @!p0 $0x1C03  }
0x18f: {  	[timem:s3], [sflag:s2] =	dma.local @!p0 [hbm:s0], s1  }
0x190: {  	s0 =	simm.s32 @!p0 $0x3  }
0x191: {  	_ =	swait.ge @!p0 [sflag:s0], s1  }
0x192: {  	s1 =	ssub.s32 @!p0 $0x0, s1;
	[sflag:s0] =	ssyncset.done @!p0 $0x0  }
0x193: {  	[sflag:s0] =	ssyncadd.s32 @!p0 s1  }
0x194: {  	[bflag:$0x3] =	sbarrier.arrive $0xFFFF  }
0x195: {  	_ =	shalt  }

</sc_bundles>
